<compile_context>
chip_gen: v7x
topology: tpu7x:2x2x1
jax: 0.10.2.dev20260603
libtpu: 0.0.44.dev20260713+nightly
codegen_flags: <defaults>
</compile_context>

<pallas_src>
import jax
import jax.numpy as jnp
from jax import lax
from jax.experimental import pallas as pl
from jax.experimental.pallas import tpu as pltpu
from jax.experimental.pallas import tpu_sc as plsc

BATCH = 16384
EMB = 128
L = 16
NC, NS = 2, 16
NW = NC * NS
R = BATCH // NW
C = 128
NCHUNK = R // C
GROUPS = C // L

_GATHER_DN = lax.GatherDimensionNumbers(
    offset_dims=(), collapsed_slice_dims=(0,), start_index_map=(0,))


def _shuffle(v, idx):
    return lax.gather(v, idx[:, None], _GATHER_DN, (1,),
                      mode=lax.GatherScatterMode.PROMISE_IN_BOUNDS)


def _body(uidx_hbm, iidx_hbm, uemb_hbm, iemb_hbm, ub_hbm, ib_hbm, out_hbm,
          uidx_v, iidx_v, urow_v, irow_v, ubv, ibv, out_v, sems):
    cid = lax.axis_index("c")
    sid = lax.axis_index("s")
    wid = sid * NC + cid
    base = wid * R
    lanes = lax.iota(jnp.int32, L)
    zero = jnp.zeros((L,), jnp.float32)
    masks = [(lanes & sh) == 0 for sh in (8, 4, 2, 1)]
    xors = [lanes ^ sh for sh in (8, 4, 2, 1)]

    pltpu.sync_copy(uidx_hbm.at[pl.ds(base, R)], uidx_v)
    pltpu.sync_copy(iidx_hbm.at[pl.ds(base, R)], iidx_v)

    def start_chunk(ci, buf):
        uix = uidx_v.at[pl.ds(ci * C, C)]
        iix = iidx_v.at[pl.ds(ci * C, C)]
        pltpu.async_copy(uemb_hbm.at[uix], urow_v.at[buf], sems.at[buf, 0])
        pltpu.async_copy(iemb_hbm.at[iix], irow_v.at[buf], sems.at[buf, 1])
        pltpu.async_copy(ub_hbm.at[uix], ubv.at[buf], sems.at[buf, 2])
        pltpu.async_copy(ib_hbm.at[iix], ibv.at[buf], sems.at[buf, 3])

    def wait_chunk(buf):
        pltpu.make_async_copy(uemb_hbm.at[pl.ds(0, C)], urow_v.at[buf],
                              sems.at[buf, 0]).wait()
        pltpu.make_async_copy(iemb_hbm.at[pl.ds(0, C)], irow_v.at[buf],
                              sems.at[buf, 1]).wait()
        pltpu.make_async_copy(ub_hbm.at[pl.ds(0, C)], ubv.at[buf],
                              sems.at[buf, 2]).wait()
        pltpu.make_async_copy(ib_hbm.at[pl.ds(0, C)], ibv.at[buf],
                              sems.at[buf, 3]).wait()

    def combine(a, b, d):
        return (jnp.where(masks[d], a, b) +
                _shuffle(jnp.where(masks[d], b, a), xors[d]))

    start_chunk(0, 0)

    def chunk_body(ci, carry):
        buf = lax.rem(ci, 2)

        @pl.when(ci + 1 < NCHUNK)
        def _():
            start_chunk(ci + 1, 1 - buf)

        wait_chunk(buf)

        def group_body(g, carry2):
            row0 = g * L
            vs = []
            for r in (0, 8, 4, 12, 2, 10, 6, 14, 1, 9, 5, 13, 3, 11, 7, 15):
                row = row0 + r
                s = (urow_v[buf, row, pl.ds(0, L)] *
                     irow_v[buf, row, pl.ds(0, L)])
                for j in range(1, EMB // L):
                    s = s + (urow_v[buf, row, pl.ds(j * L, L)] *
                             irow_v[buf, row, pl.ds(j * L, L)])
                vs.append(s)
            for d in range(4):
                vs = [combine(vs[2 * i], vs[2 * i + 1], d)
                      for i in range(len(vs) // 2)]
            acc = vs[0] + ubv[buf, pl.ds(row0, L)] + ibv[buf, pl.ds(row0, L)]
            out_v[pl.ds(ci * C + row0, L)] = jnp.maximum(acc, zero)
            return carry2

        lax.fori_loop(0, GROUPS, group_body, 0, unroll=False)
        return carry

    lax.fori_loop(0, NCHUNK, chunk_body, 0, unroll=False)

    pltpu.sync_copy(out_v, out_hbm.at[pl.ds(base, R)])


@jax.jit
def kernel(user_idx, item_idx, user_emb, item_emb, user_bias, item_bias):
    mesh = plsc.VectorSubcoreMesh(core_axis_name="c", subcore_axis_name="s")
    run = pl.kernel(
        _body,
        out_type=jax.ShapeDtypeStruct((BATCH,), jnp.float32),
        mesh=mesh,
        scratch_types=[
            pltpu.VMEM((R,), jnp.int32),
            pltpu.VMEM((R,), jnp.int32),
            pltpu.VMEM((2, C, EMB), jnp.float32),
            pltpu.VMEM((2, C, EMB), jnp.float32),
            pltpu.VMEM((2, C), jnp.float32),
            pltpu.VMEM((2, C), jnp.float32),
            pltpu.VMEM((R,), jnp.float32),
            pltpu.SemaphoreType.DMA((2, 4)),
        ],
    )
    return run(user_idx.astype(jnp.int32), item_idx.astype(jnp.int32),
               user_emb, item_emb,
               user_bias[:, 0], item_bias[:, 0])

# --- scband reference (transcript-rebuilt; emitter-appended) ---
"""Pipeline reference for scband-recommender-net-32976758898720 (READ-ONLY COPY).

The authoritative reference and input builder live on the scoring server;
editing this copy changes nothing except your own understanding.
"""

import jax, jax.numpy as jnp
import numpy as np

NUM_USERS = 100000
NUM_ITEMS = 100000
EMB = 128
BATCH = 16384

def setup_inputs(seed: int = 0) -> dict:
    key = jax.random.key(seed)
    k1, k2, k3, k4, k5, k6 = jax.random.split(key, 6)
    user_idx = jax.random.randint(k1, (BATCH,), 0, NUM_USERS, dtype=jnp.int64 if jax.config.jax_enable_x64 else jnp.int32)
    item_idx = jax.random.randint(k2, (BATCH,), 0, NUM_ITEMS, dtype=jnp.int64 if jax.config.jax_enable_x64 else jnp.int32)
    # kaiming normal (fan_in = EMB, relu gain sqrt(2)) for embedding weights
    std = float(np.sqrt(2.0 / EMB))
    user_emb = jax.random.normal(k3, (NUM_USERS, EMB), dtype=jnp.float32) * std
    item_emb = jax.random.normal(k4, (NUM_ITEMS, EMB), dtype=jnp.float32) * std
    user_bias = jax.random.normal(k5, (NUM_USERS, 1), dtype=jnp.float32)
    item_bias = jax.random.normal(k6, (NUM_ITEMS, 1), dtype=jnp.float32)
    return {"user_idx": user_idx, "item_idx": item_idx,
            "user_emb": user_emb, "item_emb": item_emb,
            "user_bias": user_bias, "item_bias": item_bias}

def reference(user_idx, item_idx, user_emb, item_emb, user_bias, item_bias):
    u_b = jnp.take(user_bias, user_idx, axis=0).squeeze()
    i_b = jnp.take(item_bias, item_idx, axis=0).squeeze()
    u_vec = jnp.take(user_emb, user_idx, axis=0)
    i_vec = jnp.take(item_emb, item_idx, axis=0)
    dot = (u_vec * i_vec).sum(axis=1)
    x = dot + u_b + i_b
    return jax.nn.relu(x)

if __name__ == "__main__":
    import jax
    _d = setup_inputs()
    print(jax.jit(kernel)(*tuple(_d.values())))

</pallas_src>

<mosaic_0001>
#map = affine_map<(d0, d1) -> (0)>
#map1 = affine_map<(d0, d1) -> (0, 0)>
module attributes {stable_mosaic.version = 14 : i64} {
  func.func @_body(%arg0: i32, %arg1: i32, %arg2: memref<16384xi32, #tpu.memory_space<hbm>>, %arg3: memref<16384xi32, #tpu.memory_space<hbm>>, %arg4: memref<100000x128xf32, #tpu.memory_space<hbm>>, %arg5: memref<100000x128xf32, #tpu.memory_space<hbm>>, %arg6: memref<100000xf32, #tpu.memory_space<hbm>>, %arg7: memref<100000xf32, #tpu.memory_space<hbm>>, %arg8: memref<16384xf32, #tpu.memory_space<hbm>>, %arg9: memref<512xi32, #tpu.memory_space<vmem>>, %arg10: memref<512xi32, #tpu.memory_space<vmem>>, %arg11: memref<2x128x128xf32, #tpu.memory_space<vmem>>, %arg12: memref<2x128x128xf32, #tpu.memory_space<vmem>>, %arg13: memref<2x128xf32, #tpu.memory_space<vmem>>, %arg14: memref<2x128xf32, #tpu.memory_space<vmem>>, %arg15: memref<512xf32, #tpu.memory_space<vmem>>, %arg16: memref<2x4x!tpu.dma_semaphore, #tpu.memory_space<semaphore_mem>>) attributes {dimension_semantics = [#tpu.dimension_semantics<core_parallel>, #tpu.dimension_semantics<subcore_parallel>], iteration_bounds = array<i64: 2, 16>, scalar_prefetch = 0 : i64, scratch_operands = 8 : i64, tpu.core_type = #tpu.core_type<sc_vector_subcore>, window_params = [{transform_indices = #map}, {transform_indices = #map}, {transform_indices = #map1}, {transform_indices = #map1}, {transform_indices = #map}, {transform_indices = #map}, {transform_indices = #map}]} {
    %mul3A = arith.constant 2 : i32
    %mul3A_0 = arith.muli %arg1, %mul3A : i32
    %add3A = arith.addi %mul3A_0, %arg0 : i32
    %mul3A_1 = arith.constant 512 : i32
    %mul3A_2 = arith.muli %add3A, %mul3A_1 : i32
    %iota3A = tpu.iota {dimensions = array<i32: 0>} : vector<16xi32>
    %broadcast_in_dim3A = arith.constant 0.000000e+00 : f32
    %broadcast_in_dim3A_3 = vector.broadcast %broadcast_in_dim3A : f32 to vector<16xf32>
    %and3A = arith.constant 8 : i32
    %and3A_4 = vector.broadcast %and3A : i32 to vector<16xi32>
    %and3A_5 = arith.andi %iota3A, %and3A_4 : vector<16xi32>
    %eq3A = arith.constant 0 : i32
    %eq3A_6 = vector.broadcast %eq3A : i32 to vector<16xi32>
    %eq3A_7 = arith.cmpi eq, %and3A_5, %eq3A_6 : vector<16xi32>
    %and3A_8 = arith.constant 4 : i32
    %and3A_9 = vector.broadcast %and3A_8 : i32 to vector<16xi32>
    %and3A_10 = arith.andi %iota3A, %and3A_9 : vector<16xi32>
    %eq3A_11 = arith.constant 0 : i32
    %eq3A_12 = vector.broadcast %eq3A_11 : i32 to vector<16xi32>
    %eq3A_13 = arith.cmpi eq, %and3A_10, %eq3A_12 : vector<16xi32>
    %and3A_14 = arith.constant 2 : i32
    %and3A_15 = vector.broadcast %and3A_14 : i32 to vector<16xi32>
    %and3A_16 = arith.andi %iota3A, %and3A_15 : vector<16xi32>
    %eq3A_17 = arith.constant 0 : i32
    %eq3A_18 = vector.broadcast %eq3A_17 : i32 to vector<16xi32>
    %eq3A_19 = arith.cmpi eq, %and3A_16, %eq3A_18 : vector<16xi32>
    %and3A_20 = arith.constant 1 : i32
    %and3A_21 = vector.broadcast %and3A_20 : i32 to vector<16xi32>
    %and3A_22 = arith.andi %iota3A, %and3A_21 : vector<16xi32>
    %eq3A_23 = arith.constant 0 : i32
    %eq3A_24 = vector.broadcast %eq3A_23 : i32 to vector<16xi32>
    %eq3A_25 = arith.cmpi eq, %and3A_22, %eq3A_24 : vector<16xi32>
    %xor3A = arith.constant 8 : i32
    %xor3A_26 = vector.broadcast %xor3A : i32 to vector<16xi32>
    %xor3A_27 = arith.xori %iota3A, %xor3A_26 : vector<16xi32>
    %xor3A_28 = arith.constant 4 : i32
    %xor3A_29 = vector.broadcast %xor3A_28 : i32 to vector<16xi32>
    %xor3A_30 = arith.xori %iota3A, %xor3A_29 : vector<16xi32>
    %xor3A_31 = arith.constant 2 : i32
    %xor3A_32 = vector.broadcast %xor3A_31 : i32 to vector<16xi32>
    %xor3A_33 = arith.xori %iota3A, %xor3A_32 : vector<16xi32>
    %xor3A_34 = arith.constant 1 : i32
    %xor3A_35 = vector.broadcast %xor3A_34 : i32 to vector<16xi32>
    %xor3A_36 = arith.xori %iota3A, %xor3A_35 : vector<16xi32>
    "tpu.region"() ({
      %run_scoped3A = tpu.sem_alloc : memref<!tpu.dma_semaphore, #tpu.memory_space<semaphore_mem>>
      %dma_start3A_93 = tpu.memref_slice %arg2[%mul3A_2] : memref<16384xi32, #tpu.memory_space<hbm>> -> memref<512xi32, #tpu.memory_space<hbm>>
      %dma_start3A_94 = tpu.memref_slice %arg2[%mul3A_2] : memref<16384xi32, #tpu.memory_space<hbm>> -> memref<512xi32, #tpu.memory_space<hbm>>
      tpu.enqueue_dma source(%dma_start3A_94 : memref<512xi32, #tpu.memory_space<hbm>>) target(%arg9 : memref<512xi32, #tpu.memory_space<vmem>>) target_semaphore(%run_scoped3A : memref<!tpu.dma_semaphore, #tpu.memory_space<semaphore_mem>>)
      %dma_wait3A = tpu.memref_slice %arg2[%mul3A_2] : memref<16384xi32, #tpu.memory_space<hbm>> -> memref<512xi32, #tpu.memory_space<hbm>>
      %dma_wait3A_95 = tpu.memref_slice %arg2[%mul3A_2] : memref<16384xi32, #tpu.memory_space<hbm>> -> memref<512xi32, #tpu.memory_space<hbm>>
      tpu.wait_dma2 semaphore(%run_scoped3A : memref<!tpu.dma_semaphore, #tpu.memory_space<semaphore_mem>>) src(%dma_wait3A_95 : memref<512xi32, #tpu.memory_space<hbm>>) dst(%arg9 : memref<512xi32, #tpu.memory_space<vmem>>)
      tpu.yield
    }) : () -> ()
    "tpu.region"() ({
      %run_scoped3A = tpu.sem_alloc : memref<!tpu.dma_semaphore, #tpu.memory_space<semaphore_mem>>
      %dma_start3A_93 = tpu.memref_slice %arg3[%mul3A_2] : memref<16384xi32, #tpu.memory_space<hbm>> -> memref<512xi32, #tpu.memory_space<hbm>>
      %dma_start3A_94 = tpu.memref_slice %arg3[%mul3A_2] : memref<16384xi32, #tpu.memory_space<hbm>> -> memref<512xi32, #tpu.memory_space<hbm>>
      tpu.enqueue_dma source(%dma_start3A_94 : memref<512xi32, #tpu.memory_space<hbm>>) target(%arg10 : memref<512xi32, #tpu.memory_space<vmem>>) target_semaphore(%run_scoped3A : memref<!tpu.dma_semaphore, #tpu.memory_space<semaphore_mem>>)
      %dma_wait3A = tpu.memref_slice %arg3[%mul3A_2] : memref<16384xi32, #tpu.memory_space<hbm>> -> memref<512xi32, #tpu.memory_space<hbm>>
      %dma_wait3A_95 = tpu.memref_slice %arg3[%mul3A_2] : memref<16384xi32, #tpu.memory_space<hbm>> -> memref<512xi32, #tpu.memory_space<hbm>>
      tpu.wait_dma2 semaphore(%run_scoped3A : memref<!tpu.dma_semaphore, #tpu.memory_space<semaphore_mem>>) src(%dma_wait3A_95 : memref<512xi32, #tpu.memory_space<hbm>>) dst(%arg10 : memref<512xi32, #tpu.memory_space<vmem>>)
      tpu.yield
    }) : () -> ()
    %dma_start3A = arith.constant 0 : i32
    %dma_start3A_37 = arith.constant 0 : i32
    %dma_start3A_38 = arith.constant 0 : i32
    %dma_start3A_39 = arith.constant 0 : i32
    %dma_start3A_40 = arith.constant 0 : i32
    %dma_start3A_41 = tpu.memref_slice %arg11[%dma_start3A, %dma_start3A_39, %dma_start3A_40] : memref<2x128x128xf32, #tpu.memory_space<vmem>> -> memref<1x128x128xf32, #tpu.memory_space<vmem>>
    %dma_start3A_42 = tpu.memref_squeeze %dma_start3A_41 : memref<1x128x128xf32, #tpu.memory_space<vmem>> -> memref<128x128xf32, #tpu.memory_space<vmem>>
    %dma_start3A_43 = arith.constant 0 : i32
    %dma_start3A_44 = tpu.memref_slice %arg9[%dma_start3A_43] : memref<512xi32, #tpu.memory_space<vmem>> -> memref<128xi32, #tpu.memory_space<vmem>>
    %dma_start3A_45 = arith.constant 0 : i32
    %dma_start3A_46 = arith.constant 0 : i32
    %dma_start3A_47 = tpu.memref_slice %arg4[%dma_start3A_45, %dma_start3A_46] : memref<100000x128xf32, #tpu.memory_space<hbm>> -> memref<100000x128xf32, #tpu.memory_space<hbm>>
    %dma_start3A_48 = tpu.memref_slice %arg16[%dma_start3A_37, %dma_start3A_38] : memref<2x4x!tpu.dma_semaphore, #tpu.memory_space<semaphore_mem>> -> memref<1x1x!tpu.dma_semaphore, #tpu.memory_space<semaphore_mem>>
    %dma_start3A_49 = tpu.memref_squeeze %dma_start3A_48 : memref<1x1x!tpu.dma_semaphore, #tpu.memory_space<semaphore_mem>> -> memref<!tpu.dma_semaphore, #tpu.memory_space<semaphore_mem>>
    tpu.enqueue_indirect_dma source(%dma_start3A_47 : memref<100000x128xf32, #tpu.memory_space<hbm>>) target(%dma_start3A_42 : memref<128x128xf32, #tpu.memory_space<vmem>>) offsets(%dma_start3A_44 : memref<128xi32, #tpu.memory_space<vmem>>) semaphore(%dma_start3A_49 : memref<!tpu.dma_semaphore, #tpu.memory_space<semaphore_mem>>)
    %dma_start3A_50 = arith.constant 0 : i32
    %dma_start3A_51 = arith.constant 0 : i32
    %dma_start3A_52 = arith.constant 1 : i32
    %dma_start3A_53 = arith.constant 0 : i32
    %dma_start3A_54 = arith.constant 0 : i32
    %dma_start3A_55 = tpu.memref_slice %arg12[%dma_start3A_50, %dma_start3A_53, %dma_start3A_54] : memref<2x128x128xf32, #tpu.memory_space<vmem>> -> memref<1x128x128xf32, #tpu.memory_space<vmem>>
    %dma_start3A_56 = tpu.memref_squeeze %dma_start3A_55 : memref<1x128x128xf32, #tpu.memory_space<vmem>> -> memref<128x128xf32, #tpu.memory_space<vmem>>
    %dma_start3A_57 = arith.constant 0 : i32
    %dma_start3A_58 = tpu.memref_slice %arg10[%dma_start3A_57] : memref<512xi32, #tpu.memory_space<vmem>> -> memref<128xi32, #tpu.memory_space<vmem>>
    %dma_start3A_59 = arith.constant 0 : i32
    %dma_start3A_60 = arith.constant 0 : i32
    %dma_start3A_61 = tpu.memref_slice %arg5[%dma_start3A_59, %dma_start3A_60] : memref<100000x128xf32, #tpu.memory_space<hbm>> -> memref<100000x128xf32, #tpu.memory_space<hbm>>
    %dma_start3A_62 = tpu.memref_slice %arg16[%dma_start3A_51, %dma_start3A_52] : memref<2x4x!tpu.dma_semaphore, #tpu.memory_space<semaphore_mem>> -> memref<1x1x!tpu.dma_semaphore, #tpu.memory_space<semaphore_mem>>
    %dma_start3A_63 = tpu.memref_squeeze %dma_start3A_62 : memref<1x1x!tpu.dma_semaphore, #tpu.memory_space<semaphore_mem>> -> memref<!tpu.dma_semaphore, #tpu.memory_space<semaphore_mem>>
    tpu.enqueue_indirect_dma source(%dma_start3A_61 : memref<100000x128xf32, #tpu.memory_space<hbm>>) target(%dma_start3A_56 : memref<128x128xf32, #tpu.memory_space<vmem>>) offsets(%dma_start3A_58 : memref<128xi32, #tpu.memory_space<vmem>>) semaphore(%dma_start3A_63 : memref<!tpu.dma_semaphore, #tpu.memory_space<semaphore_mem>>)
    %dma_start3A_64 = arith.constant 0 : i32
    %dma_start3A_65 = arith.constant 0 : i32
    %dma_start3A_66 = arith.constant 2 : i32
    %dma_start3A_67 = arith.constant 0 : i32
    %dma_start3A_68 = tpu.memref_slice %arg13[%dma_start3A_64, %dma_start3A_67] : memref<2x128xf32, #tpu.memory_space<vmem>> -> memref<1x128xf32, #tpu.memory_space<vmem>>
    %dma_start3A_69 = tpu.memref_squeeze %dma_start3A_68 : memref<1x128xf32, #tpu.memory_space<vmem>> -> memref<128xf32, #tpu.memory_space<vmem>>
    %dma_start3A_70 = arith.constant 0 : i32
    %dma_start3A_71 = tpu.memref_slice %arg9[%dma_start3A_70] : memref<512xi32, #tpu.memory_space<vmem>> -> memref<128xi32, #tpu.memory_space<vmem>>
    %dma_start3A_72 = arith.constant 0 : i32
    %dma_start3A_73 = tpu.memref_slice %arg6[%dma_start3A_72] : memref<100000xf32, #tpu.memory_space<hbm>> -> memref<100000xf32, #tpu.memory_space<hbm>>
    %dma_start3A_74 = tpu.memref_slice %arg16[%dma_start3A_65, %dma_start3A_66] : memref<2x4x!tpu.dma_semaphore, #tpu.memory_space<semaphore_mem>> -> memref<1x1x!tpu.dma_semaphore, #tpu.memory_space<semaphore_mem>>
    %dma_start3A_75 = tpu.memref_squeeze %dma_start3A_74 : memref<1x1x!tpu.dma_semaphore, #tpu.memory_space<semaphore_mem>> -> memref<!tpu.dma_semaphore, #tpu.memory_space<semaphore_mem>>
    tpu.enqueue_indirect_dma source(%dma_start3A_73 : memref<100000xf32, #tpu.memory_space<hbm>>) target(%dma_start3A_69 : memref<128xf32, #tpu.memory_space<vmem>>) offsets(%dma_start3A_71 : memref<128xi32, #tpu.memory_space<vmem>>) semaphore(%dma_start3A_75 : memref<!tpu.dma_semaphore, #tpu.memory_space<semaphore_mem>>)
    %dma_start3A_76 = arith.constant 0 : i32
    %dma_start3A_77 = arith.constant 0 : i32
    %dma_start3A_78 = arith.constant 3 : i32
    %dma_start3A_79 = arith.constant 0 : i32
    %dma_start3A_80 = tpu.memref_slice %arg14[%dma_start3A_76, %dma_start3A_79] : memref<2x128xf32, #tpu.memory_space<vmem>> -> memref<1x128xf32, #tpu.memory_space<vmem>>
    %dma_start3A_81 = tpu.memref_squeeze %dma_start3A_80 : memref<1x128xf32, #tpu.memory_space<vmem>> -> memref<128xf32, #tpu.memory_space<vmem>>
    %dma_start3A_82 = arith.constant 0 : i32
    %dma_start3A_83 = tpu.memref_slice %arg10[%dma_start3A_82] : memref<512xi32, #tpu.memory_space<vmem>> -> memref<128xi32, #tpu.memory_space<vmem>>
    %dma_start3A_84 = arith.constant 0 : i32
    %dma_start3A_85 = tpu.memref_slice %arg7[%dma_start3A_84] : memref<100000xf32, #tpu.memory_space<hbm>> -> memref<100000xf32, #tpu.memory_space<hbm>>
    %dma_start3A_86 = tpu.memref_slice %arg16[%dma_start3A_77, %dma_start3A_78] : memref<2x4x!tpu.dma_semaphore, #tpu.memory_space<semaphore_mem>> -> memref<1x1x!tpu.dma_semaphore, #tpu.memory_space<semaphore_mem>>
    %dma_start3A_87 = tpu.memref_squeeze %dma_start3A_86 : memref<1x1x!tpu.dma_semaphore, #tpu.memory_space<semaphore_mem>> -> memref<!tpu.dma_semaphore, #tpu.memory_space<semaphore_mem>>
    tpu.enqueue_indirect_dma source(%dma_start3A_85 : memref<100000xf32, #tpu.memory_space<hbm>>) target(%dma_start3A_81 : memref<128xf32, #tpu.memory_space<vmem>>) offsets(%dma_start3A_83 : memref<128xi32, #tpu.memory_space<vmem>>) semaphore(%dma_start3A_87 : memref<!tpu.dma_semaphore, #tpu.memory_space<semaphore_mem>>)
    %scan3A = arith.constant 0 : i32
    %scan3A_88 = arith.constant 0 : i32
    %scan3A_89 = arith.constant 4 : i32
    %scan3A_90 = arith.addi %scan3A_88, %scan3A_89 : i32
    %scan3A_91 = arith.constant 1 : i32
    scf.for %scan3A_93 = %scan3A_88 to %scan3A_90 step %scan3A_91  : i32 {
      %rem3A = arith.constant 2 : i32
      %rem3A_94 = arith.remsi %scan3A_93, %rem3A : i32
      %add3A_95 = arith.constant 1 : i32
      %add3A_96 = arith.addi %scan3A_93, %add3A_95 : i32
      %lt3A = arith.constant 4 : i32
      %lt3A_97 = arith.cmpi slt, %add3A_96, %lt3A : i32
      %convert_element_type3A = arith.extui %lt3A_97 : i1 to i32
      %cond3A = arith.constant 0 : i32
      %cond3A_98 = arith.cmpi ne, %convert_element_type3A, %cond3A : i32
      scf.if %cond3A_98 {
        %add3A_164 = arith.constant 1 : i32
        %add3A_165 = arith.addi %scan3A_93, %add3A_164 : i32
        %sub3A = arith.constant 1 : i32
        %sub3A_166 = arith.subi %sub3A, %rem3A_94 : i32
        %mul3A_167 = arith.constant 128 : i32
        %mul3A_168 = arith.muli %add3A_165, %mul3A_167 : i32
        %mul3A_169 = arith.constant 128 : i32
        %mul3A_170 = arith.muli %add3A_165, %mul3A_169 : i32
        %dma_start3A_171 = arith.constant 0 : i32
        %dma_start3A_172 = arith.constant 0 : i32
        %dma_start3A_173 = arith.constant 0 : i32
        %dma_start3A_174 = tpu.memref_slice %arg11[%sub3A_166, %dma_start3A_172, %dma_start3A_173] : memref<2x128x128xf32, #tpu.memory_space<vmem>> -> memref<1x128x128xf32, #tpu.memory_space<vmem>>
        %dma_start3A_175 = tpu.memref_squeeze %dma_start3A_174 : memref<1x128x128xf32, #tpu.memory_space<vmem>> -> memref<128x128xf32, #tpu.memory_space<vmem>>
        %dma_start3A_176 = tpu.memref_slice %arg9[%mul3A_168] : memref<512xi32, #tpu.memory_space<vmem>> -> memref<128xi32, #tpu.memory_space<vmem>>
        %dma_start3A_177 = arith.constant 0 : i32
        %dma_start3A_178 = arith.constant 0 : i32
        %dma_start3A_179 = tpu.memref_slice %arg4[%dma_start3A_177, %dma_start3A_178] : memref<100000x128xf32, #tpu.memory_space<hbm>> -> memref<100000x128xf32, #tpu.memory_space<hbm>>
        %dma_start3A_180 = tpu.memref_slice %arg16[%sub3A_166, %dma_start3A_171] : memref<2x4x!tpu.dma_semaphore, #tpu.memory_space<semaphore_mem>> -> memref<1x1x!tpu.dma_semaphore, #tpu.memory_space<semaphore_mem>>
        %dma_start3A_181 = tpu.memref_squeeze %dma_start3A_180 : memref<1x1x!tpu.dma_semaphore, #tpu.memory_space<semaphore_mem>> -> memref<!tpu.dma_semaphore, #tpu.memory_space<semaphore_mem>>
        tpu.enqueue_indirect_dma source(%dma_start3A_179 : memref<100000x128xf32, #tpu.memory_space<hbm>>) target(%dma_start3A_175 : memref<128x128xf32, #tpu.memory_space<vmem>>) offsets(%dma_start3A_176 : memref<128xi32, #tpu.memory_space<vmem>>) semaphore(%dma_start3A_181 : memref<!tpu.dma_semaphore, #tpu.memory_space<semaphore_mem>>)
        %dma_start3A_182 = arith.constant 1 : i32
        %dma_start3A_183 = arith.constant 0 : i32
        %dma_start3A_184 = arith.constant 0 : i32
        %dma_start3A_185 = tpu.memref_slice %arg12[%sub3A_166, %dma_start3A_183, %dma_start3A_184] : memref<2x128x128xf32, #tpu.memory_space<vmem>> -> memref<1x128x128xf32, #tpu.memory_space<vmem>>
        %dma_start3A_186 = tpu.memref_squeeze %dma_start3A_185 : memref<1x128x128xf32, #tpu.memory_space<vmem>> -> memref<128x128xf32, #tpu.memory_space<vmem>>
        %dma_start3A_187 = tpu.memref_slice %arg10[%mul3A_170] : memref<512xi32, #tpu.memory_space<vmem>> -> memref<128xi32, #tpu.memory_space<vmem>>
        %dma_start3A_188 = arith.constant 0 : i32
        %dma_start3A_189 = arith.constant 0 : i32
        %dma_start3A_190 = tpu.memref_slice %arg5[%dma_start3A_188, %dma_start3A_189] : memref<100000x128xf32, #tpu.memory_space<hbm>> -> memref<100000x128xf32, #tpu.memory_space<hbm>>
        %dma_start3A_191 = tpu.memref_slice %arg16[%sub3A_166, %dma_start3A_182] : memref<2x4x!tpu.dma_semaphore, #tpu.memory_space<semaphore_mem>> -> memref<1x1x!tpu.dma_semaphore, #tpu.memory_space<semaphore_mem>>
        %dma_start3A_192 = tpu.memref_squeeze %dma_start3A_191 : memref<1x1x!tpu.dma_semaphore, #tpu.memory_space<semaphore_mem>> -> memref<!tpu.dma_semaphore, #tpu.memory_space<semaphore_mem>>
        tpu.enqueue_indirect_dma source(%dma_start3A_190 : memref<100000x128xf32, #tpu.memory_space<hbm>>) target(%dma_start3A_186 : memref<128x128xf32, #tpu.memory_space<vmem>>) offsets(%dma_start3A_187 : memref<128xi32, #tpu.memory_space<vmem>>) semaphore(%dma_start3A_192 : memref<!tpu.dma_semaphore, #tpu.memory_space<semaphore_mem>>)
        %dma_start3A_193 = arith.constant 2 : i32
        %dma_start3A_194 = arith.constant 0 : i32
        %dma_start3A_195 = tpu.memref_slice %arg13[%sub3A_166, %dma_start3A_194] : memref<2x128xf32, #tpu.memory_space<vmem>> -> memref<1x128xf32, #tpu.memory_space<vmem>>
        %dma_start3A_196 = tpu.memref_squeeze %dma_start3A_195 : memref<1x128xf32, #tpu.memory_space<vmem>> -> memref<128xf32, #tpu.memory_space<vmem>>
        %dma_start3A_197 = tpu.memref_slice %arg9[%mul3A_168] : memref<512xi32, #tpu.memory_space<vmem>> -> memref<128xi32, #tpu.memory_space<vmem>>
        %dma_start3A_198 = arith.constant 0 : i32
        %dma_start3A_199 = tpu.memref_slice %arg6[%dma_start3A_198] : memref<100000xf32, #tpu.memory_space<hbm>> -> memref<100000xf32, #tpu.memory_space<hbm>>
        %dma_start3A_200 = tpu.memref_slice %arg16[%sub3A_166, %dma_start3A_193] : memref<2x4x!tpu.dma_semaphore, #tpu.memory_space<semaphore_mem>> -> memref<1x1x!tpu.dma_semaphore, #tpu.memory_space<semaphore_mem>>
        %dma_start3A_201 = tpu.memref_squeeze %dma_start3A_200 : memref<1x1x!tpu.dma_semaphore, #tpu.memory_space<semaphore_mem>> -> memref<!tpu.dma_semaphore, #tpu.memory_space<semaphore_mem>>
        tpu.enqueue_indirect_dma source(%dma_start3A_199 : memref<100000xf32, #tpu.memory_space<hbm>>) target(%dma_start3A_196 : memref<128xf32, #tpu.memory_space<vmem>>) offsets(%dma_start3A_197 : memref<128xi32, #tpu.memory_space<vmem>>) semaphore(%dma_start3A_201 : memref<!tpu.dma_semaphore, #tpu.memory_space<semaphore_mem>>)
        %dma_start3A_202 = arith.constant 3 : i32
        %dma_start3A_203 = arith.constant 0 : i32
        %dma_start3A_204 = tpu.memref_slice %arg14[%sub3A_166, %dma_start3A_203] : memref<2x128xf32, #tpu.memory_space<vmem>> -> memref<1x128xf32, #tpu.memory_space<vmem>>
        %dma_start3A_205 = tpu.memref_squeeze %dma_start3A_204 : memref<1x128xf32, #tpu.memory_space<vmem>> -> memref<128xf32, #tpu.memory_space<vmem>>
        %dma_start3A_206 = tpu.memref_slice %arg10[%mul3A_170] : memref<512xi32, #tpu.memory_space<vmem>> -> memref<128xi32, #tpu.memory_space<vmem>>
        %dma_start3A_207 = arith.constant 0 : i32
        %dma_start3A_208 = tpu.memref_slice %arg7[%dma_start3A_207] : memref<100000xf32, #tpu.memory_space<hbm>> -> memref<100000xf32, #tpu.memory_space<hbm>>
        %dma_start3A_209 = tpu.memref_slice %arg16[%sub3A_166, %dma_start3A_202] : memref<2x4x!tpu.dma_semaphore, #tpu.memory_space<semaphore_mem>> -> memref<1x1x!tpu.dma_semaphore, #tpu.memory_space<semaphore_mem>>
        %dma_start3A_210 = tpu.memref_squeeze %dma_start3A_209 : memref<1x1x!tpu.dma_semaphore, #tpu.memory_space<semaphore_mem>> -> memref<!tpu.dma_semaphore, #tpu.memory_space<semaphore_mem>>
        tpu.enqueue_indirect_dma source(%dma_start3A_208 : memref<100000xf32, #tpu.memory_space<hbm>>) target(%dma_start3A_205 : memref<128xf32, #tpu.memory_space<vmem>>) offsets(%dma_start3A_206 : memref<128xi32, #tpu.memory_space<vmem>>) semaphore(%dma_start3A_210 : memref<!tpu.dma_semaphore, #tpu.memory_space<semaphore_mem>>)
      } else {
      }
      %dma_wait3A = arith.constant 0 : i32
      %dma_wait3A_99 = arith.constant 0 : i32
      %dma_wait3A_100 = arith.constant 0 : i32
      %dma_wait3A_101 = tpu.memref_slice %arg11[%rem3A_94, %dma_wait3A_99, %dma_wait3A_100] : memref<2x128x128xf32, #tpu.memory_space<vmem>> -> memref<1x128x128xf32, #tpu.memory_space<vmem>>
      %dma_wait3A_102 = tpu.memref_squeeze %dma_wait3A_101 : memref<1x128x128xf32, #tpu.memory_space<vmem>> -> memref<128x128xf32, #tpu.memory_space<vmem>>
      %dma_wait3A_103 = arith.constant 0 : i32
      %dma_wait3A_104 = arith.constant 0 : i32
      %dma_wait3A_105 = tpu.memref_slice %arg4[%dma_wait3A_103, %dma_wait3A_104] : memref<100000x128xf32, #tpu.memory_space<hbm>> -> memref<128x128xf32, #tpu.memory_space<hbm>>
      %dma_wait3A_106 = tpu.memref_slice %arg16[%rem3A_94, %dma_wait3A] : memref<2x4x!tpu.dma_semaphore, #tpu.memory_space<semaphore_mem>> -> memref<1x1x!tpu.dma_semaphore, #tpu.memory_space<semaphore_mem>>
      %dma_wait3A_107 = tpu.memref_squeeze %dma_wait3A_106 : memref<1x1x!tpu.dma_semaphore, #tpu.memory_space<semaphore_mem>> -> memref<!tpu.dma_semaphore, #tpu.memory_space<semaphore_mem>>
      %dma_wait3A_108 = arith.constant 0 : i32
      %dma_wait3A_109 = arith.constant 0 : i32
      %dma_wait3A_110 = tpu.memref_slice %arg11[%rem3A_94, %dma_wait3A_108, %dma_wait3A_109] : memref<2x128x128xf32, #tpu.memory_space<vmem>> -> memref<1x128x128xf32, #tpu.memory_space<vmem>>
      %dma_wait3A_111 = tpu.memref_squeeze %dma_wait3A_110 : memref<1x128x128xf32, #tpu.memory_space<vmem>> -> memref<128x128xf32, #tpu.memory_space<vmem>>
      %dma_wait3A_112 = arith.constant 0 : i32
      %dma_wait3A_113 = arith.constant 0 : i32
      %dma_wait3A_114 = tpu.memref_slice %arg4[%dma_wait3A_112, %dma_wait3A_113] : memref<100000x128xf32, #tpu.memory_space<hbm>> -> memref<128x128xf32, #tpu.memory_space<hbm>>
      tpu.wait_dma2 semaphore(%dma_wait3A_107 : memref<!tpu.dma_semaphore, #tpu.memory_space<semaphore_mem>>) src(%dma_wait3A_114 : memref<128x128xf32, #tpu.memory_space<hbm>>) dst(%dma_wait3A_111 : memref<128x128xf32, #tpu.memory_space<vmem>>)
      %dma_wait3A_115 = arith.constant 1 : i32
      %dma_wait3A_116 = arith.constant 0 : i32
      %dma_wait3A_117 = arith.constant 0 : i32
      %dma_wait3A_118 = tpu.memref_slice %arg12[%rem3A_94, %dma_wait3A_116, %dma_wait3A_117] : memref<2x128x128xf32, #tpu.memory_space<vmem>> -> memref<1x128x128xf32, #tpu.memory_space<vmem>>
      %dma_wait3A_119 = tpu.memref_squeeze %dma_wait3A_118 : memref<1x128x128xf32, #tpu.memory_space<vmem>> -> memref<128x128xf32, #tpu.memory_space<vmem>>
      %dma_wait3A_120 = arith.constant 0 : i32
      %dma_wait3A_121 = arith.constant 0 : i32
      %dma_wait3A_122 = tpu.memref_slice %arg5[%dma_wait3A_120, %dma_wait3A_121] : memref<100000x128xf32, #tpu.memory_space<hbm>> -> memref<128x128xf32, #tpu.memory_space<hbm>>
      %dma_wait3A_123 = tpu.memref_slice %arg16[%rem3A_94, %dma_wait3A_115] : memref<2x4x!tpu.dma_semaphore, #tpu.memory_space<semaphore_mem>> -> memref<1x1x!tpu.dma_semaphore, #tpu.memory_space<semaphore_mem>>
      %dma_wait3A_124 = tpu.memref_squeeze %dma_wait3A_123 : memref<1x1x!tpu.dma_semaphore, #tpu.memory_space<semaphore_mem>> -> memref<!tpu.dma_semaphore, #tpu.memory_space<semaphore_mem>>
      %dma_wait3A_125 = arith.constant 0 : i32
      %dma_wait3A_126 = arith.constant 0 : i32
      %dma_wait3A_127 = tpu.memref_slice %arg12[%rem3A_94, %dma_wait3A_125, %dma_wait3A_126] : memref<2x128x128xf32, #tpu.memory_space<vmem>> -> memref<1x128x128xf32, #tpu.memory_space<vmem>>
      %dma_wait3A_128 = tpu.memref_squeeze %dma_wait3A_127 : memref<1x128x128xf32, #tpu.memory_space<vmem>> -> memref<128x128xf32, #tpu.memory_space<vmem>>
      %dma_wait3A_129 = arith.constant 0 : i32
      %dma_wait3A_130 = arith.constant 0 : i32
      %dma_wait3A_131 = tpu.memref_slice %arg5[%dma_wait3A_129, %dma_wait3A_130] : memref<100000x128xf32, #tpu.memory_space<hbm>> -> memref<128x128xf32, #tpu.memory_space<hbm>>
      tpu.wait_dma2 semaphore(%dma_wait3A_124 : memref<!tpu.dma_semaphore, #tpu.memory_space<semaphore_mem>>) src(%dma_wait3A_131 : memref<128x128xf32, #tpu.memory_space<hbm>>) dst(%dma_wait3A_128 : memref<128x128xf32, #tpu.memory_space<vmem>>)
      %dma_wait3A_132 = arith.constant 2 : i32
      %dma_wait3A_133 = arith.constant 0 : i32
      %dma_wait3A_134 = tpu.memref_slice %arg13[%rem3A_94, %dma_wait3A_133] : memref<2x128xf32, #tpu.memory_space<vmem>> -> memref<1x128xf32, #tpu.memory_space<vmem>>
      %dma_wait3A_135 = tpu.memref_squeeze %dma_wait3A_134 : memref<1x128xf32, #tpu.memory_space<vmem>> -> memref<128xf32, #tpu.memory_space<vmem>>
      %dma_wait3A_136 = arith.constant 0 : i32
      %dma_wait3A_137 = tpu.memref_slice %arg6[%dma_wait3A_136] : memref<100000xf32, #tpu.memory_space<hbm>> -> memref<128xf32, #tpu.memory_space<hbm>>
      %dma_wait3A_138 = tpu.memref_slice %arg16[%rem3A_94, %dma_wait3A_132] : memref<2x4x!tpu.dma_semaphore, #tpu.memory_space<semaphore_mem>> -> memref<1x1x!tpu.dma_semaphore, #tpu.memory_space<semaphore_mem>>
      %dma_wait3A_139 = tpu.memref_squeeze %dma_wait3A_138 : memref<1x1x!tpu.dma_semaphore, #tpu.memory_space<semaphore_mem>> -> memref<!tpu.dma_semaphore, #tpu.memory_space<semaphore_mem>>
      %dma_wait3A_140 = arith.constant 0 : i32
      %dma_wait3A_141 = tpu.memref_slice %arg13[%rem3A_94, %dma_wait3A_140] : memref<2x128xf32, #tpu.memory_space<vmem>> -> memref<1x128xf32, #tpu.memory_space<vmem>>
      %dma_wait3A_142 = tpu.memref_squeeze %dma_wait3A_141 : memref<1x128xf32, #tpu.memory_space<vmem>> -> memref<128xf32, #tpu.memory_space<vmem>>
      %dma_wait3A_143 = arith.constant 0 : i32
      %dma_wait3A_144 = tpu.memref_slice %arg6[%dma_wait3A_143] : memref<100000xf32, #tpu.memory_space<hbm>> -> memref<128xf32, #tpu.memory_space<hbm>>
      tpu.wait_dma2 semaphore(%dma_wait3A_139 : memref<!tpu.dma_semaphore, #tpu.memory_space<semaphore_mem>>) src(%dma_wait3A_144 : memref<128xf32, #tpu.memory_space<hbm>>) dst(%dma_wait3A_142 : memref<128xf32, #tpu.memory_space<vmem>>)
      %dma_wait3A_145 = arith.constant 3 : i32
      %dma_wait3A_146 = arith.constant 0 : i32
      %dma_wait3A_147 = tpu.memref_slice %arg14[%rem3A_94, %dma_wait3A_146] : memref<2x128xf32, #tpu.memory_space<vmem>> -> memref<1x128xf32, #tpu.memory_space<vmem>>
      %dma_wait3A_148 = tpu.memref_squeeze %dma_wait3A_147 : memref<1x128xf32, #tpu.memory_space<vmem>> -> memref<128xf32, #tpu.memory_space<vmem>>
      %dma_wait3A_149 = arith.constant 0 : i32
      %dma_wait3A_150 = tpu.memref_slice %arg7[%dma_wait3A_149] : memref<100000xf32, #tpu.memory_space<hbm>> -> memref<128xf32, #tpu.memory_space<hbm>>
      %dma_wait3A_151 = tpu.memref_slice %arg16[%rem3A_94, %dma_wait3A_145] : memref<2x4x!tpu.dma_semaphore, #tpu.memory_space<semaphore_mem>> -> memref<1x1x!tpu.dma_semaphore, #tpu.memory_space<semaphore_mem>>
      %dma_wait3A_152 = tpu.memref_squeeze %dma_wait3A_151 : memref<1x1x!tpu.dma_semaphore, #tpu.memory_space<semaphore_mem>> -> memref<!tpu.dma_semaphore, #tpu.memory_space<semaphore_mem>>
      %dma_wait3A_153 = arith.constant 0 : i32
      %dma_wait3A_154 = tpu.memref_slice %arg14[%rem3A_94, %dma_wait3A_153] : memref<2x128xf32, #tpu.memory_space<vmem>> -> memref<1x128xf32, #tpu.memory_space<vmem>>
      %dma_wait3A_155 = tpu.memref_squeeze %dma_wait3A_154 : memref<1x128xf32, #tpu.memory_space<vmem>> -> memref<128xf32, #tpu.memory_space<vmem>>
      %dma_wait3A_156 = arith.constant 0 : i32
      %dma_wait3A_157 = tpu.memref_slice %arg7[%dma_wait3A_156] : memref<100000xf32, #tpu.memory_space<hbm>> -> memref<128xf32, #tpu.memory_space<hbm>>
      tpu.wait_dma2 semaphore(%dma_wait3A_152 : memref<!tpu.dma_semaphore, #tpu.memory_space<semaphore_mem>>) src(%dma_wait3A_157 : memref<128xf32, #tpu.memory_space<hbm>>) dst(%dma_wait3A_155 : memref<128xf32, #tpu.memory_space<vmem>>)
      %scan3A_158 = arith.constant 0 : i32
      %scan3A_159 = arith.constant 0 : i32
      %scan3A_160 = arith.constant 8 : i32
      %scan3A_161 = arith.addi %scan3A_159, %scan3A_160 : i32
      %scan3A_162 = arith.constant 1 : i32
      scf.for %scan3A_164 = %scan3A_159 to %scan3A_161 step %scan3A_162  : i32 {
        %mul3A_165 = arith.constant 16 : i32
        %mul3A_166 = arith.muli %scan3A_164, %mul3A_165 : i32
        %add3A_167 = arith.constant 0 : i32
        %add3A_168 = arith.addi %mul3A_166, %add3A_167 : i32
        %get3A = arith.index_cast %rem3A_94 : i32 to index
        %get3A_169 = arith.index_cast %add3A_168 : i32 to index
        %get3A_170 = arith.constant 0 : index
        %get3A_171 = tpu.vector_load %arg11[%get3A, %get3A_169, %get3A_170] {strides = array<i32>} : memref<2x128x128xf32, #tpu.memory_space<vmem>>, vector<1x1x16xf32>,
        %get3A_172 = vector.shape_cast %get3A_171 : vector<1x1x16xf32> to vector<16xf32>
        %get3A_173 = arith.index_cast %rem3A_94 : i32 to index
        %get3A_174 = arith.index_cast %add3A_168 : i32 to index
        %get3A_175 = arith.constant 0 : index
        %get3A_176 = tpu.vector_load %arg12[%get3A_173, %get3A_174, %get3A_175] {strides = array<i32>} : memref<2x128x128xf32, #tpu.memory_space<vmem>>, vector<1x1x16xf32>,
        %get3A_177 = vector.shape_cast %get3A_176 : vector<1x1x16xf32> to vector<16xf32>
        %mul3A_178 = arith.mulf %get3A_172, %get3A_177 : vector<16xf32>
        %get3A_179 = arith.index_cast %rem3A_94 : i32 to index
        %get3A_180 = arith.index_cast %add3A_168 : i32 to index
        %get3A_181 = arith.constant 16 : index
        %get3A_182 = tpu.vector_load %arg11[%get3A_179, %get3A_180, %get3A_181] {strides = array<i32>} : memref<2x128x128xf32, #tpu.memory_space<vmem>>, vector<1x1x16xf32>,
        %get3A_183 = vector.shape_cast %get3A_182 : vector<1x1x16xf32> to vector<16xf32>
        %get3A_184 = arith.index_cast %rem3A_94 : i32 to index
        %get3A_185 = arith.index_cast %add3A_168 : i32 to index
        %get3A_186 = arith.constant 16 : index
        %get3A_187 = tpu.vector_load %arg12[%get3A_184, %get3A_185, %get3A_186] {strides = array<i32>} : memref<2x128x128xf32, #tpu.memory_space<vmem>>, vector<1x1x16xf32>,
        %get3A_188 = vector.shape_cast %get3A_187 : vector<1x1x16xf32> to vector<16xf32>
        %mul3A_189 = arith.mulf %get3A_183, %get3A_188 : vector<16xf32>
        %add3A_190 = arith.addf %mul3A_178, %mul3A_189 : vector<16xf32>
        %get3A_191 = arith.index_cast %rem3A_94 : i32 to index
        %get3A_192 = arith.index_cast %add3A_168 : i32 to index
        %get3A_193 = arith.constant 32 : index
        %get3A_194 = tpu.vector_load %arg11[%get3A_191, %get3A_192, %get3A_193] {strides = array<i32>} : memref<2x128x128xf32, #tpu.memory_space<vmem>>, vector<1x1x16xf32>,
        %get3A_195 = vector.shape_cast %get3A_194 : vector<1x1x16xf32> to vector<16xf32>
        %get3A_196 = arith.index_cast %rem3A_94 : i32 to index
        %get3A_197 = arith.index_cast %add3A_168 : i32 to index
        %get3A_198 = arith.constant 32 : index
        %get3A_199 = tpu.vector_load %arg12[%get3A_196, %get3A_197, %get3A_198] {strides = array<i32>} : memref<2x128x128xf32, #tpu.memory_space<vmem>>, vector<1x1x16xf32>,
        %get3A_200 = vector.shape_cast %get3A_199 : vector<1x1x16xf32> to vector<16xf32>
        %mul3A_201 = arith.mulf %get3A_195, %get3A_200 : vector<16xf32>
        %add3A_202 = arith.addf %add3A_190, %mul3A_201 : vector<16xf32>
        %get3A_203 = arith.index_cast %rem3A_94 : i32 to index
        %get3A_204 = arith.index_cast %add3A_168 : i32 to index
        %get3A_205 = arith.constant 48 : index
        %get3A_206 = tpu.vector_load %arg11[%get3A_203, %get3A_204, %get3A_205] {strides = array<i32>} : memref<2x128x128xf32, #tpu.memory_space<vmem>>, vector<1x1x16xf32>,
        %get3A_207 = vector.shape_cast %get3A_206 : vector<1x1x16xf32> to vector<16xf32>
        %get3A_208 = arith.index_cast %rem3A_94 : i32 to index
        %get3A_209 = arith.index_cast %add3A_168 : i32 to index
        %get3A_210 = arith.constant 48 : index
        %get3A_211 = tpu.vector_load %arg12[%get3A_208, %get3A_209, %get3A_210] {strides = array<i32>} : memref<2x128x128xf32, #tpu.memory_space<vmem>>, vector<1x1x16xf32>,
        %get3A_212 = vector.shape_cast %get3A_211 : vector<1x1x16xf32> to vector<16xf32>
        %mul3A_213 = arith.mulf %get3A_207, %get3A_212 : vector<16xf32>
        %add3A_214 = arith.addf %add3A_202, %mul3A_213 : vector<16xf32>
        %get3A_215 = arith.index_cast %rem3A_94 : i32 to index
        %get3A_216 = arith.index_cast %add3A_168 : i32 to index
        %get3A_217 = arith.constant 64 : index
        %get3A_218 = tpu.vector_load %arg11[%get3A_215, %get3A_216, %get3A_217] {strides = array<i32>} : memref<2x128x128xf32, #tpu.memory_space<vmem>>, vector<1x1x16xf32>,
        %get3A_219 = vector.shape_cast %get3A_218 : vector<1x1x16xf32> to vector<16xf32>
        %get3A_220 = arith.index_cast %rem3A_94 : i32 to index
        %get3A_221 = arith.index_cast %add3A_168 : i32 to index
        %get3A_222 = arith.constant 64 : index
        %get3A_223 = tpu.vector_load %arg12[%get3A_220, %get3A_221, %get3A_222] {strides = array<i32>} : memref<2x128x128xf32, #tpu.memory_space<vmem>>, vector<1x1x16xf32>,
        %get3A_224 = vector.shape_cast %get3A_223 : vector<1x1x16xf32> to vector<16xf32>
        %mul3A_225 = arith.mulf %get3A_219, %get3A_224 : vector<16xf32>
        %add3A_226 = arith.addf %add3A_214, %mul3A_225 : vector<16xf32>
        %get3A_227 = arith.index_cast %rem3A_94 : i32 to index
        %get3A_228 = arith.index_cast %add3A_168 : i32 to index
        %get3A_229 = arith.constant 80 : index
        %get3A_230 = tpu.vector_load %arg11[%get3A_227, %get3A_228, %get3A_229] {strides = array<i32>} : memref<2x128x128xf32, #tpu.memory_space<vmem>>, vector<1x1x16xf32>,
        %get3A_231 = vector.shape_cast %get3A_230 : vector<1x1x16xf32> to vector<16xf32>
        %get3A_232 = arith.index_cast %rem3A_94 : i32 to index
        %get3A_233 = arith.index_cast %add3A_168 : i32 to index
        %get3A_234 = arith.constant 80 : index
        %get3A_235 = tpu.vector_load %arg12[%get3A_232, %get3A_233, %get3A_234] {strides = array<i32>} : memref<2x128x128xf32, #tpu.memory_space<vmem>>, vector<1x1x16xf32>,
        %get3A_236 = vector.shape_cast %get3A_235 : vector<1x1x16xf32> to vector<16xf32>
        %mul3A_237 = arith.mulf %get3A_231, %get3A_236 : vector<16xf32>
        %add3A_238 = arith.addf %add3A_226, %mul3A_237 : vector<16xf32>
        %get3A_239 = arith.index_cast %rem3A_94 : i32 to index
        %get3A_240 = arith.index_cast %add3A_168 : i32 to index
        %get3A_241 = arith.constant 96 : index
        %get3A_242 = tpu.vector_load %arg11[%get3A_239, %get3A_240, %get3A_241] {strides = array<i32>} : memref<2x128x128xf32, #tpu.memory_space<vmem>>, vector<1x1x16xf32>,
        %get3A_243 = vector.shape_cast %get3A_242 : vector<1x1x16xf32> to vector<16xf32>
        %get3A_244 = arith.index_cast %rem3A_94 : i32 to index
        %get3A_245 = arith.index_cast %add3A_168 : i32 to index
        %get3A_246 = arith.constant 96 : index
        %get3A_247 = tpu.vector_load %arg12[%get3A_244, %get3A_245, %get3A_246] {strides = array<i32>} : memref<2x128x128xf32, #tpu.memory_space<vmem>>, vector<1x1x16xf32>,
        %get3A_248 = vector.shape_cast %get3A_247 : vector<1x1x16xf32> to vector<16xf32>
        %mul3A_249 = arith.mulf %get3A_243, %get3A_248 : vector<16xf32>
        %add3A_250 = arith.addf %add3A_238, %mul3A_249 : vector<16xf32>
        %get3A_251 = arith.index_cast %rem3A_94 : i32 to index
        %get3A_252 = arith.index_cast %add3A_168 : i32 to index
        %get3A_253 = arith.constant 112 : index
        %get3A_254 = tpu.vector_load %arg11[%get3A_251, %get3A_252, %get3A_253] {strides = array<i32>} : memref<2x128x128xf32, #tpu.memory_space<vmem>>, vector<1x1x16xf32>,
        %get3A_255 = vector.shape_cast %get3A_254 : vector<1x1x16xf32> to vector<16xf32>
        %get3A_256 = arith.index_cast %rem3A_94 : i32 to index
        %get3A_257 = arith.index_cast %add3A_168 : i32 to index
        %get3A_258 = arith.constant 112 : index
        %get3A_259 = tpu.vector_load %arg12[%get3A_256, %get3A_257, %get3A_258] {strides = array<i32>} : memref<2x128x128xf32, #tpu.memory_space<vmem>>, vector<1x1x16xf32>,
        %get3A_260 = vector.shape_cast %get3A_259 : vector<1x1x16xf32> to vector<16xf32>
        %mul3A_261 = arith.mulf %get3A_255, %get3A_260 : vector<16xf32>
        %add3A_262 = arith.addf %add3A_250, %mul3A_261 : vector<16xf32>
        %add3A_263 = arith.constant 8 : i32
        %add3A_264 = arith.addi %mul3A_166, %add3A_263 : i32
        %get3A_265 = arith.index_cast %rem3A_94 : i32 to index
        %get3A_266 = arith.index_cast %add3A_264 : i32 to index
        %get3A_267 = arith.constant 0 : index
        %get3A_268 = tpu.vector_load %arg11[%get3A_265, %get3A_266, %get3A_267] {strides = array<i32>} : memref<2x128x128xf32, #tpu.memory_space<vmem>>, vector<1x1x16xf32>,
        %get3A_269 = vector.shape_cast %get3A_268 : vector<1x1x16xf32> to vector<16xf32>
        %get3A_270 = arith.index_cast %rem3A_94 : i32 to index
        %get3A_271 = arith.index_cast %add3A_264 : i32 to index
        %get3A_272 = arith.constant 0 : index
        %get3A_273 = tpu.vector_load %arg12[%get3A_270, %get3A_271, %get3A_272] {strides = array<i32>} : memref<2x128x128xf32, #tpu.memory_space<vmem>>, vector<1x1x16xf32>,
        %get3A_274 = vector.shape_cast %get3A_273 : vector<1x1x16xf32> to vector<16xf32>
        %mul3A_275 = arith.mulf %get3A_269, %get3A_274 : vector<16xf32>
        %get3A_276 = arith.index_cast %rem3A_94 : i32 to index
        %get3A_277 = arith.index_cast %add3A_264 : i32 to index
        %get3A_278 = arith.constant 16 : index
        %get3A_279 = tpu.vector_load %arg11[%get3A_276, %get3A_277, %get3A_278] {strides = array<i32>} : memref<2x128x128xf32, #tpu.memory_space<vmem>>, vector<1x1x16xf32>,
        %get3A_280 = vector.shape_cast %get3A_279 : vector<1x1x16xf32> to vector<16xf32>
        %get3A_281 = arith.index_cast %rem3A_94 : i32 to index
        %get3A_282 = arith.index_cast %add3A_264 : i32 to index
        %get3A_283 = arith.constant 16 : index
        %get3A_284 = tpu.vector_load %arg12[%get3A_281, %get3A_282, %get3A_283] {strides = array<i32>} : memref<2x128x128xf32, #tpu.memory_space<vmem>>, vector<1x1x16xf32>,
        %get3A_285 = vector.shape_cast %get3A_284 : vector<1x1x16xf32> to vector<16xf32>
        %mul3A_286 = arith.mulf %get3A_280, %get3A_285 : vector<16xf32>
        %add3A_287 = arith.addf %mul3A_275, %mul3A_286 : vector<16xf32>
        %get3A_288 = arith.index_cast %rem3A_94 : i32 to index
        %get3A_289 = arith.index_cast %add3A_264 : i32 to index
        %get3A_290 = arith.constant 32 : index
        %get3A_291 = tpu.vector_load %arg11[%get3A_288, %get3A_289, %get3A_290] {strides = array<i32>} : memref<2x128x128xf32, #tpu.memory_space<vmem>>, vector<1x1x16xf32>,
        %get3A_292 = vector.shape_cast %get3A_291 : vector<1x1x16xf32> to vector<16xf32>
        %get3A_293 = arith.index_cast %rem3A_94 : i32 to index
        %get3A_294 = arith.index_cast %add3A_264 : i32 to index
        %get3A_295 = arith.constant 32 : index
        %get3A_296 = tpu.vector_load %arg12[%get3A_293, %get3A_294, %get3A_295] {strides = array<i32>} : memref<2x128x128xf32, #tpu.memory_space<vmem>>, vector<1x1x16xf32>,
        %get3A_297 = vector.shape_cast %get3A_296 : vector<1x1x16xf32> to vector<16xf32>
        %mul3A_298 = arith.mulf %get3A_292, %get3A_297 : vector<16xf32>
        %add3A_299 = arith.addf %add3A_287, %mul3A_298 : vector<16xf32>
        %get3A_300 = arith.index_cast %rem3A_94 : i32 to index
        %get3A_301 = arith.index_cast %add3A_264 : i32 to index
        %get3A_302 = arith.constant 48 : index
        %get3A_303 = tpu.vector_load %arg11[%get3A_300, %get3A_301, %get3A_302] {strides = array<i32>} : memref<2x128x128xf32, #tpu.memory_space<vmem>>, vector<1x1x16xf32>,
        %get3A_304 = vector.shape_cast %get3A_303 : vector<1x1x16xf32> to vector<16xf32>
        %get3A_305 = arith.index_cast %rem3A_94 : i32 to index
        %get3A_306 = arith.index_cast %add3A_264 : i32 to index
        %get3A_307 = arith.constant 48 : index
        %get3A_308 = tpu.vector_load %arg12[%get3A_305, %get3A_306, %get3A_307] {strides = array<i32>} : memref<2x128x128xf32, #tpu.memory_space<vmem>>, vector<1x1x16xf32>,
        %get3A_309 = vector.shape_cast %get3A_308 : vector<1x1x16xf32> to vector<16xf32>
        %mul3A_310 = arith.mulf %get3A_304, %get3A_309 : vector<16xf32>
        %add3A_311 = arith.addf %add3A_299, %mul3A_310 : vector<16xf32>
        %get3A_312 = arith.index_cast %rem3A_94 : i32 to index
        %get3A_313 = arith.index_cast %add3A_264 : i32 to index
        %get3A_314 = arith.constant 64 : index
        %get3A_315 = tpu.vector_load %arg11[%get3A_312, %get3A_313, %get3A_314] {strides = array<i32>} : memref<2x128x128xf32, #tpu.memory_space<vmem>>, vector<1x1x16xf32>,
        %get3A_316 = vector.shape_cast %get3A_315 : vector<1x1x16xf32> to vector<16xf32>
        %get3A_317 = arith.index_cast %rem3A_94 : i32 to index
        %get3A_318 = arith.index_cast %add3A_264 : i32 to index
        %get3A_319 = arith.constant 64 : index
        %get3A_320 = tpu.vector_load %arg12[%get3A_317, %get3A_318, %get3A_319] {strides = array<i32>} : memref<2x128x128xf32, #tpu.memory_space<vmem>>, vector<1x1x16xf32>,
        %get3A_321 = vector.shape_cast %get3A_320 : vector<1x1x16xf32> to vector<16xf32>
        %mul3A_322 = arith.mulf %get3A_316, %get3A_321 : vector<16xf32>
        %add3A_323 = arith.addf %add3A_311, %mul3A_322 : vector<16xf32>
        %get3A_324 = arith.index_cast %rem3A_94 : i32 to index
        %get3A_325 = arith.index_cast %add3A_264 : i32 to index
        %get3A_326 = arith.constant 80 : index
        %get3A_327 = tpu.vector_load %arg11[%get3A_324, %get3A_325, %get3A_326] {strides = array<i32>} : memref<2x128x128xf32, #tpu.memory_space<vmem>>, vector<1x1x16xf32>,
        %get3A_328 = vector.shape_cast %get3A_327 : vector<1x1x16xf32> to vector<16xf32>
        %get3A_329 = arith.index_cast %rem3A_94 : i32 to index
        %get3A_330 = arith.index_cast %add3A_264 : i32 to index
        %get3A_331 = arith.constant 80 : index
        %get3A_332 = tpu.vector_load %arg12[%get3A_329, %get3A_330, %get3A_331] {strides = array<i32>} : memref<2x128x128xf32, #tpu.memory_space<vmem>>, vector<1x1x16xf32>,
        %get3A_333 = vector.shape_cast %get3A_332 : vector<1x1x16xf32> to vector<16xf32>
        %mul3A_334 = arith.mulf %get3A_328, %get3A_333 : vector<16xf32>
        %add3A_335 = arith.addf %add3A_323, %mul3A_334 : vector<16xf32>
        %get3A_336 = arith.index_cast %rem3A_94 : i32 to index
        %get3A_337 = arith.index_cast %add3A_264 : i32 to index
        %get3A_338 = arith.constant 96 : index
        %get3A_339 = tpu.vector_load %arg11[%get3A_336, %get3A_337, %get3A_338] {strides = array<i32>} : memref<2x128x128xf32, #tpu.memory_space<vmem>>, vector<1x1x16xf32>,
        %get3A_340 = vector.shape_cast %get3A_339 : vector<1x1x16xf32> to vector<16xf32>
        %get3A_341 = arith.index_cast %rem3A_94 : i32 to index
        %get3A_342 = arith.index_cast %add3A_264 : i32 to index
        %get3A_343 = arith.constant 96 : index
        %get3A_344 = tpu.vector_load %arg12[%get3A_341, %get3A_342, %get3A_343] {strides = array<i32>} : memref<2x128x128xf32, #tpu.memory_space<vmem>>, vector<1x1x16xf32>,
        %get3A_345 = vector.shape_cast %get3A_344 : vector<1x1x16xf32> to vector<16xf32>
        %mul3A_346 = arith.mulf %get3A_340, %get3A_345 : vector<16xf32>
        %add3A_347 = arith.addf %add3A_335, %mul3A_346 : vector<16xf32>
        %get3A_348 = arith.index_cast %rem3A_94 : i32 to index
        %get3A_349 = arith.index_cast %add3A_264 : i32 to index
        %get3A_350 = arith.constant 112 : index
        %get3A_351 = tpu.vector_load %arg11[%get3A_348, %get3A_349, %get3A_350] {strides = array<i32>} : memref<2x128x128xf32, #tpu.memory_space<vmem>>, vector<1x1x16xf32>,
        %get3A_352 = vector.shape_cast %get3A_351 : vector<1x1x16xf32> to vector<16xf32>
        %get3A_353 = arith.index_cast %rem3A_94 : i32 to index
        %get3A_354 = arith.index_cast %add3A_264 : i32 to index
        %get3A_355 = arith.constant 112 : index
        %get3A_356 = tpu.vector_load %arg12[%get3A_353, %get3A_354, %get3A_355] {strides = array<i32>} : memref<2x128x128xf32, #tpu.memory_space<vmem>>, vector<1x1x16xf32>,
        %get3A_357 = vector.shape_cast %get3A_356 : vector<1x1x16xf32> to vector<16xf32>
        %mul3A_358 = arith.mulf %get3A_352, %get3A_357 : vector<16xf32>
        %add3A_359 = arith.addf %add3A_347, %mul3A_358 : vector<16xf32>
        %add3A_360 = arith.constant 4 : i32
        %add3A_361 = arith.addi %mul3A_166, %add3A_360 : i32
        %get3A_362 = arith.index_cast %rem3A_94 : i32 to index
        %get3A_363 = arith.index_cast %add3A_361 : i32 to index
        %get3A_364 = arith.constant 0 : index
        %get3A_365 = tpu.vector_load %arg11[%get3A_362, %get3A_363, %get3A_364] {strides = array<i32>} : memref<2x128x128xf32, #tpu.memory_space<vmem>>, vector<1x1x16xf32>,
        %get3A_366 = vector.shape_cast %get3A_365 : vector<1x1x16xf32> to vector<16xf32>
        %get3A_367 = arith.index_cast %rem3A_94 : i32 to index
        %get3A_368 = arith.index_cast %add3A_361 : i32 to index
        %get3A_369 = arith.constant 0 : index
        %get3A_370 = tpu.vector_load %arg12[%get3A_367, %get3A_368, %get3A_369] {strides = array<i32>} : memref<2x128x128xf32, #tpu.memory_space<vmem>>, vector<1x1x16xf32>,
        %get3A_371 = vector.shape_cast %get3A_370 : vector<1x1x16xf32> to vector<16xf32>
        %mul3A_372 = arith.mulf %get3A_366, %get3A_371 : vector<16xf32>
        %get3A_373 = arith.index_cast %rem3A_94 : i32 to index
        %get3A_374 = arith.index_cast %add3A_361 : i32 to index
        %get3A_375 = arith.constant 16 : index
        %get3A_376 = tpu.vector_load %arg11[%get3A_373, %get3A_374, %get3A_375] {strides = array<i32>} : memref<2x128x128xf32, #tpu.memory_space<vmem>>, vector<1x1x16xf32>,
        %get3A_377 = vector.shape_cast %get3A_376 : vector<1x1x16xf32> to vector<16xf32>
        %get3A_378 = arith.index_cast %rem3A_94 : i32 to index
        %get3A_379 = arith.index_cast %add3A_361 : i32 to index
        %get3A_380 = arith.constant 16 : index
        %get3A_381 = tpu.vector_load %arg12[%get3A_378, %get3A_379, %get3A_380] {strides = array<i32>} : memref<2x128x128xf32, #tpu.memory_space<vmem>>, vector<1x1x16xf32>,
        %get3A_382 = vector.shape_cast %get3A_381 : vector<1x1x16xf32> to vector<16xf32>
        %mul3A_383 = arith.mulf %get3A_377, %get3A_382 : vector<16xf32>
        %add3A_384 = arith.addf %mul3A_372, %mul3A_383 : vector<16xf32>
        %get3A_385 = arith.index_cast %rem3A_94 : i32 to index
        %get3A_386 = arith.index_cast %add3A_361 : i32 to index
        %get3A_387 = arith.constant 32 : index
        %get3A_388 = tpu.vector_load %arg11[%get3A_385, %get3A_386, %get3A_387] {strides = array<i32>} : memref<2x128x128xf32, #tpu.memory_space<vmem>>, vector<1x1x16xf32>,
        %get3A_389 = vector.shape_cast %get3A_388 : vector<1x1x16xf32> to vector<16xf32>
        %get3A_390 = arith.index_cast %rem3A_94 : i32 to index
        %get3A_391 = arith.index_cast %add3A_361 : i32 to index
        %get3A_392 = arith.constant 32 : index
        %get3A_393 = tpu.vector_load %arg12[%get3A_390, %get3A_391, %get3A_392] {strides = array<i32>} : memref<2x128x128xf32, #tpu.memory_space<vmem>>, vector<1x1x16xf32>,
        %get3A_394 = vector.shape_cast %get3A_393 : vector<1x1x16xf32> to vector<16xf32>
        %mul3A_395 = arith.mulf %get3A_389, %get3A_394 : vector<16xf32>
        %add3A_396 = arith.addf %add3A_384, %mul3A_395 : vector<16xf32>
        %get3A_397 = arith.index_cast %rem3A_94 : i32 to index
        %get3A_398 = arith.index_cast %add3A_361 : i32 to index
        %get3A_399 = arith.constant 48 : index
        %get3A_400 = tpu.vector_load %arg11[%get3A_397, %get3A_398, %get3A_399] {strides = array<i32>} : memref<2x128x128xf32, #tpu.memory_space<vmem>>, vector<1x1x16xf32>,
        %get3A_401 = vector.shape_cast %get3A_400 : vector<1x1x16xf32> to vector<16xf32>
        %get3A_402 = arith.index_cast %rem3A_94 : i32 to index
        %get3A_403 = arith.index_cast %add3A_361 : i32 to index
        %get3A_404 = arith.constant 48 : index
        %get3A_405 = tpu.vector_load %arg12[%get3A_402, %get3A_403, %get3A_404] {strides = array<i32>} : memref<2x128x128xf32, #tpu.memory_space<vmem>>, vector<1x1x16xf32>,
        %get3A_406 = vector.shape_cast %get3A_405 : vector<1x1x16xf32> to vector<16xf32>
        %mul3A_407 = arith.mulf %get3A_401, %get3A_406 : vector<16xf32>
        %add3A_408 = arith.addf %add3A_396, %mul3A_407 : vector<16xf32>
        %get3A_409 = arith.index_cast %rem3A_94 : i32 to index
        %get3A_410 = arith.index_cast %add3A_361 : i32 to index
        %get3A_411 = arith.constant 64 : index
        %get3A_412 = tpu.vector_load %arg11[%get3A_409, %get3A_410, %get3A_411] {strides = array<i32>} : memref<2x128x128xf32, #tpu.memory_space<vmem>>, vector<1x1x16xf32>,
        %get3A_413 = vector.shape_cast %get3A_412 : vector<1x1x16xf32> to vector<16xf32>
        %get3A_414 = arith.index_cast %rem3A_94 : i32 to index
        %get3A_415 = arith.index_cast %add3A_361 : i32 to index
        %get3A_416 = arith.constant 64 : index
        %get3A_417 = tpu.vector_load %arg12[%get3A_414, %get3A_415, %get3A_416] {strides = array<i32>} : memref<2x128x128xf32, #tpu.memory_space<vmem>>, vector<1x1x16xf32>,
        %get3A_418 = vector.shape_cast %get3A_417 : vector<1x1x16xf32> to vector<16xf32>
        %mul3A_419 = arith.mulf %get3A_413, %get3A_418 : vector<16xf32>
        %add3A_420 = arith.addf %add3A_408, %mul3A_419 : vector<16xf32>
        %get3A_421 = arith.index_cast %rem3A_94 : i32 to index
        %get3A_422 = arith.index_cast %add3A_361 : i32 to index
        %get3A_423 = arith.constant 80 : index
        %get3A_424 = tpu.vector_load %arg11[%get3A_421, %get3A_422, %get3A_423] {strides = array<i32>} : memref<2x128x128xf32, #tpu.memory_space<vmem>>, vector<1x1x16xf32>,
        %get3A_425 = vector.shape_cast %get3A_424 : vector<1x1x16xf32> to vector<16xf32>
        %get3A_426 = arith.index_cast %rem3A_94 : i32 to index
        %get3A_427 = arith.index_cast %add3A_361 : i32 to index
        %get3A_428 = arith.constant 80 : index
        %get3A_429 = tpu.vector_load %arg12[%get3A_426, %get3A_427, %get3A_428] {strides = array<i32>} : memref<2x128x128xf32, #tpu.memory_space<vmem>>, vector<1x1x16xf32>,
        %get3A_430 = vector.shape_cast %get3A_429 : vector<1x1x16xf32> to vector<16xf32>
        %mul3A_431 = arith.mulf %get3A_425, %get3A_430 : vector<16xf32>
        %add3A_432 = arith.addf %add3A_420, %mul3A_431 : vector<16xf32>
        %get3A_433 = arith.index_cast %rem3A_94 : i32 to index
        %get3A_434 = arith.index_cast %add3A_361 : i32 to index
        %get3A_435 = arith.constant 96 : index
        %get3A_436 = tpu.vector_load %arg11[%get3A_433, %get3A_434, %get3A_435] {strides = array<i32>} : memref<2x128x128xf32, #tpu.memory_space<vmem>>, vector<1x1x16xf32>,
        %get3A_437 = vector.shape_cast %get3A_436 : vector<1x1x16xf32> to vector<16xf32>
        %get3A_438 = arith.index_cast %rem3A_94 : i32 to index
        %get3A_439 = arith.index_cast %add3A_361 : i32 to index
        %get3A_440 = arith.constant 96 : index
        %get3A_441 = tpu.vector_load %arg12[%get3A_438, %get3A_439, %get3A_440] {strides = array<i32>} : memref<2x128x128xf32, #tpu.memory_space<vmem>>, vector<1x1x16xf32>,
        %get3A_442 = vector.shape_cast %get3A_441 : vector<1x1x16xf32> to vector<16xf32>
        %mul3A_443 = arith.mulf %get3A_437, %get3A_442 : vector<16xf32>
        %add3A_444 = arith.addf %add3A_432, %mul3A_443 : vector<16xf32>
        %get3A_445 = arith.index_cast %rem3A_94 : i32 to index
        %get3A_446 = arith.index_cast %add3A_361 : i32 to index
        %get3A_447 = arith.constant 112 : index
        %get3A_448 = tpu.vector_load %arg11[%get3A_445, %get3A_446, %get3A_447] {strides = array<i32>} : memref<2x128x128xf32, #tpu.memory_space<vmem>>, vector<1x1x16xf32>,
        %get3A_449 = vector.shape_cast %get3A_448 : vector<1x1x16xf32> to vector<16xf32>
        %get3A_450 = arith.index_cast %rem3A_94 : i32 to index
        %get3A_451 = arith.index_cast %add3A_361 : i32 to index
        %get3A_452 = arith.constant 112 : index
        %get3A_453 = tpu.vector_load %arg12[%get3A_450, %get3A_451, %get3A_452] {strides = array<i32>} : memref<2x128x128xf32, #tpu.memory_space<vmem>>, vector<1x1x16xf32>,
        %get3A_454 = vector.shape_cast %get3A_453 : vector<1x1x16xf32> to vector<16xf32>
        %mul3A_455 = arith.mulf %get3A_449, %get3A_454 : vector<16xf32>
        %add3A_456 = arith.addf %add3A_444, %mul3A_455 : vector<16xf32>
        %add3A_457 = arith.constant 12 : i32
        %add3A_458 = arith.addi %mul3A_166, %add3A_457 : i32
        %get3A_459 = arith.index_cast %rem3A_94 : i32 to index
        %get3A_460 = arith.index_cast %add3A_458 : i32 to index
        %get3A_461 = arith.constant 0 : index
        %get3A_462 = tpu.vector_load %arg11[%get3A_459, %get3A_460, %get3A_461] {strides = array<i32>} : memref<2x128x128xf32, #tpu.memory_space<vmem>>, vector<1x1x16xf32>,
        %get3A_463 = vector.shape_cast %get3A_462 : vector<1x1x16xf32> to vector<16xf32>
        %get3A_464 = arith.index_cast %rem3A_94 : i32 to index
        %get3A_465 = arith.index_cast %add3A_458 : i32 to index
        %get3A_466 = arith.constant 0 : index
        %get3A_467 = tpu.vector_load %arg12[%get3A_464, %get3A_465, %get3A_466] {strides = array<i32>} : memref<2x128x128xf32, #tpu.memory_space<vmem>>, vector<1x1x16xf32>,
        %get3A_468 = vector.shape_cast %get3A_467 : vector<1x1x16xf32> to vector<16xf32>
        %mul3A_469 = arith.mulf %get3A_463, %get3A_468 : vector<16xf32>
        %get3A_470 = arith.index_cast %rem3A_94 : i32 to index
        %get3A_471 = arith.index_cast %add3A_458 : i32 to index
        %get3A_472 = arith.constant 16 : index
        %get3A_473 = tpu.vector_load %arg11[%get3A_470, %get3A_471, %get3A_472] {strides = array<i32>} : memref<2x128x128xf32, #tpu.memory_space<vmem>>, vector<1x1x16xf32>,
        %get3A_474 = vector.shape_cast %get3A_473 : vector<1x1x16xf32> to vector<16xf32>
        %get3A_475 = arith.index_cast %rem3A_94 : i32 to index
        %get3A_476 = arith.index_cast %add3A_458 : i32 to index
        %get3A_477 = arith.constant 16 : index
        %get3A_478 = tpu.vector_load %arg12[%get3A_475, %get3A_476, %get3A_477] {strides = array<i32>} : memref<2x128x128xf32, #tpu.memory_space<vmem>>, vector<1x1x16xf32>,
        %get3A_479 = vector.shape_cast %get3A_478 : vector<1x1x16xf32> to vector<16xf32>
        %mul3A_480 = arith.mulf %get3A_474, %get3A_479 : vector<16xf32>
        %add3A_481 = arith.addf %mul3A_469, %mul3A_480 : vector<16xf32>
        %get3A_482 = arith.index_cast %rem3A_94 : i32 to index
        %get3A_483 = arith.index_cast %add3A_458 : i32 to index
        %get3A_484 = arith.constant 32 : index
        %get3A_485 = tpu.vector_load %arg11[%get3A_482, %get3A_483, %get3A_484] {strides = array<i32>} : memref<2x128x128xf32, #tpu.memory_space<vmem>>, vector<1x1x16xf32>,
        %get3A_486 = vector.shape_cast %get3A_485 : vector<1x1x16xf32> to vector<16xf32>
        %get3A_487 = arith.index_cast %rem3A_94 : i32 to index
        %get3A_488 = arith.index_cast %add3A_458 : i32 to index
        %get3A_489 = arith.constant 32 : index
        %get3A_490 = tpu.vector_load %arg12[%get3A_487, %get3A_488, %get3A_489] {strides = array<i32>} : memref<2x128x128xf32, #tpu.memory_space<vmem>>, vector<1x1x16xf32>,
        %get3A_491 = vector.shape_cast %get3A_490 : vector<1x1x16xf32> to vector<16xf32>
        %mul3A_492 = arith.mulf %get3A_486, %get3A_491 : vector<16xf32>
        %add3A_493 = arith.addf %add3A_481, %mul3A_492 : vector<16xf32>
        %get3A_494 = arith.index_cast %rem3A_94 : i32 to index
        %get3A_495 = arith.index_cast %add3A_458 : i32 to index
        %get3A_496 = arith.constant 48 : index
        %get3A_497 = tpu.vector_load %arg11[%get3A_494, %get3A_495, %get3A_496] {strides = array<i32>} : memref<2x128x128xf32, #tpu.memory_space<vmem>>, vector<1x1x16xf32>,
        %get3A_498 = vector.shape_cast %get3A_497 : vector<1x1x16xf32> to vector<16xf32>
        %get3A_499 = arith.index_cast %rem3A_94 : i32 to index
        %get3A_500 = arith.index_cast %add3A_458 : i32 to index
        %get3A_501 = arith.constant 48 : index
        %get3A_502 = tpu.vector_load %arg12[%get3A_499, %get3A_500, %get3A_501] {strides = array<i32>} : memref<2x128x128xf32, #tpu.memory_space<vmem>>, vector<1x1x16xf32>,
        %get3A_503 = vector.shape_cast %get3A_502 : vector<1x1x16xf32> to vector<16xf32>
        %mul3A_504 = arith.mulf %get3A_498, %get3A_503 : vector<16xf32>
        %add3A_505 = arith.addf %add3A_493, %mul3A_504 : vector<16xf32>
        %get3A_506 = arith.index_cast %rem3A_94 : i32 to index
        %get3A_507 = arith.index_cast %add3A_458 : i32 to index
        %get3A_508 = arith.constant 64 : index
        %get3A_509 = tpu.vector_load %arg11[%get3A_506, %get3A_507, %get3A_508] {strides = array<i32>} : memref<2x128x128xf32, #tpu.memory_space<vmem>>, vector<1x1x16xf32>,
        %get3A_510 = vector.shape_cast %get3A_509 : vector<1x1x16xf32> to vector<16xf32>
        %get3A_511 = arith.index_cast %rem3A_94 : i32 to index
        %get3A_512 = arith.index_cast %add3A_458 : i32 to index
        %get3A_513 = arith.constant 64 : index
        %get3A_514 = tpu.vector_load %arg12[%get3A_511, %get3A_512, %get3A_513] {strides = array<i32>} : memref<2x128x128xf32, #tpu.memory_space<vmem>>, vector<1x1x16xf32>,
        %get3A_515 = vector.shape_cast %get3A_514 : vector<1x1x16xf32> to vector<16xf32>
        %mul3A_516 = arith.mulf %get3A_510, %get3A_515 : vector<16xf32>
        %add3A_517 = arith.addf %add3A_505, %mul3A_516 : vector<16xf32>
        %get3A_518 = arith.index_cast %rem3A_94 : i32 to index
        %get3A_519 = arith.index_cast %add3A_458 : i32 to index
        %get3A_520 = arith.constant 80 : index
        %get3A_521 = tpu.vector_load %arg11[%get3A_518, %get3A_519, %get3A_520] {strides = array<i32>} : memref<2x128x128xf32, #tpu.memory_space<vmem>>, vector<1x1x16xf32>,
        %get3A_522 = vector.shape_cast %get3A_521 : vector<1x1x16xf32> to vector<16xf32>
        %get3A_523 = arith.index_cast %rem3A_94 : i32 to index
        %get3A_524 = arith.index_cast %add3A_458 : i32 to index
        %get3A_525 = arith.constant 80 : index
        %get3A_526 = tpu.vector_load %arg12[%get3A_523, %get3A_524, %get3A_525] {strides = array<i32>} : memref<2x128x128xf32, #tpu.memory_space<vmem>>, vector<1x1x16xf32>,
        %get3A_527 = vector.shape_cast %get3A_526 : vector<1x1x16xf32> to vector<16xf32>
        %mul3A_528 = arith.mulf %get3A_522, %get3A_527 : vector<16xf32>
        %add3A_529 = arith.addf %add3A_517, %mul3A_528 : vector<16xf32>
        %get3A_530 = arith.index_cast %rem3A_94 : i32 to index
        %get3A_531 = arith.index_cast %add3A_458 : i32 to index
        %get3A_532 = arith.constant 96 : index
        %get3A_533 = tpu.vector_load %arg11[%get3A_530, %get3A_531, %get3A_532] {strides = array<i32>} : memref<2x128x128xf32, #tpu.memory_space<vmem>>, vector<1x1x16xf32>,
        %get3A_534 = vector.shape_cast %get3A_533 : vector<1x1x16xf32> to vector<16xf32>
        %get3A_535 = arith.index_cast %rem3A_94 : i32 to index
        %get3A_536 = arith.index_cast %add3A_458 : i32 to index
        %get3A_537 = arith.constant 96 : index
        %get3A_538 = tpu.vector_load %arg12[%get3A_535, %get3A_536, %get3A_537] {strides = array<i32>} : memref<2x128x128xf32, #tpu.memory_space<vmem>>, vector<1x1x16xf32>,
        %get3A_539 = vector.shape_cast %get3A_538 : vector<1x1x16xf32> to vector<16xf32>
        %mul3A_540 = arith.mulf %get3A_534, %get3A_539 : vector<16xf32>
        %add3A_541 = arith.addf %add3A_529, %mul3A_540 : vector<16xf32>
        %get3A_542 = arith.index_cast %rem3A_94 : i32 to index
        %get3A_543 = arith.index_cast %add3A_458 : i32 to index
        %get3A_544 = arith.constant 112 : index
        %get3A_545 = tpu.vector_load %arg11[%get3A_542, %get3A_543, %get3A_544] {strides = array<i32>} : memref<2x128x128xf32, #tpu.memory_space<vmem>>, vector<1x1x16xf32>,
        %get3A_546 = vector.shape_cast %get3A_545 : vector<1x1x16xf32> to vector<16xf32>
        %get3A_547 = arith.index_cast %rem3A_94 : i32 to index
        %get3A_548 = arith.index_cast %add3A_458 : i32 to index
        %get3A_549 = arith.constant 112 : index
        %get3A_550 = tpu.vector_load %arg12[%get3A_547, %get3A_548, %get3A_549] {strides = array<i32>} : memref<2x128x128xf32, #tpu.memory_space<vmem>>, vector<1x1x16xf32>,
        %get3A_551 = vector.shape_cast %get3A_550 : vector<1x1x16xf32> to vector<16xf32>
        %mul3A_552 = arith.mulf %get3A_546, %get3A_551 : vector<16xf32>
        %add3A_553 = arith.addf %add3A_541, %mul3A_552 : vector<16xf32>
        %add3A_554 = arith.constant 2 : i32
        %add3A_555 = arith.addi %mul3A_166, %add3A_554 : i32
        %get3A_556 = arith.index_cast %rem3A_94 : i32 to index
        %get3A_557 = arith.index_cast %add3A_555 : i32 to index
        %get3A_558 = arith.constant 0 : index
        %get3A_559 = tpu.vector_load %arg11[%get3A_556, %get3A_557, %get3A_558] {strides = array<i32>} : memref<2x128x128xf32, #tpu.memory_space<vmem>>, vector<1x1x16xf32>,
        %get3A_560 = vector.shape_cast %get3A_559 : vector<1x1x16xf32> to vector<16xf32>
        %get3A_561 = arith.index_cast %rem3A_94 : i32 to index
        %get3A_562 = arith.index_cast %add3A_555 : i32 to index
        %get3A_563 = arith.constant 0 : index
        %get3A_564 = tpu.vector_load %arg12[%get3A_561, %get3A_562, %get3A_563] {strides = array<i32>} : memref<2x128x128xf32, #tpu.memory_space<vmem>>, vector<1x1x16xf32>,
        %get3A_565 = vector.shape_cast %get3A_564 : vector<1x1x16xf32> to vector<16xf32>
        %mul3A_566 = arith.mulf %get3A_560, %get3A_565 : vector<16xf32>
        %get3A_567 = arith.index_cast %rem3A_94 : i32 to index
        %get3A_568 = arith.index_cast %add3A_555 : i32 to index
        %get3A_569 = arith.constant 16 : index
        %get3A_570 = tpu.vector_load %arg11[%get3A_567, %get3A_568, %get3A_569] {strides = array<i32>} : memref<2x128x128xf32, #tpu.memory_space<vmem>>, vector<1x1x16xf32>,
        %get3A_571 = vector.shape_cast %get3A_570 : vector<1x1x16xf32> to vector<16xf32>
        %get3A_572 = arith.index_cast %rem3A_94 : i32 to index
        %get3A_573 = arith.index_cast %add3A_555 : i32 to index
        %get3A_574 = arith.constant 16 : index
        %get3A_575 = tpu.vector_load %arg12[%get3A_572, %get3A_573, %get3A_574] {strides = array<i32>} : memref<2x128x128xf32, #tpu.memory_space<vmem>>, vector<1x1x16xf32>,
        %get3A_576 = vector.shape_cast %get3A_575 : vector<1x1x16xf32> to vector<16xf32>
        %mul3A_577 = arith.mulf %get3A_571, %get3A_576 : vector<16xf32>
        %add3A_578 = arith.addf %mul3A_566, %mul3A_577 : vector<16xf32>
        %get3A_579 = arith.index_cast %rem3A_94 : i32 to index
        %get3A_580 = arith.index_cast %add3A_555 : i32 to index
        %get3A_581 = arith.constant 32 : index
        %get3A_582 = tpu.vector_load %arg11[%get3A_579, %get3A_580, %get3A_581] {strides = array<i32>} : memref<2x128x128xf32, #tpu.memory_space<vmem>>, vector<1x1x16xf32>,
        %get3A_583 = vector.shape_cast %get3A_582 : vector<1x1x16xf32> to vector<16xf32>
        %get3A_584 = arith.index_cast %rem3A_94 : i32 to index
        %get3A_585 = arith.index_cast %add3A_555 : i32 to index
        %get3A_586 = arith.constant 32 : index
        %get3A_587 = tpu.vector_load %arg12[%get3A_584, %get3A_585, %get3A_586] {strides = array<i32>} : memref<2x128x128xf32, #tpu.memory_space<vmem>>, vector<1x1x16xf32>,
        %get3A_588 = vector.shape_cast %get3A_587 : vector<1x1x16xf32> to vector<16xf32>
        %mul3A_589 = arith.mulf %get3A_583, %get3A_588 : vector<16xf32>
        %add3A_590 = arith.addf %add3A_578, %mul3A_589 : vector<16xf32>
        %get3A_591 = arith.index_cast %rem3A_94 : i32 to index
        %get3A_592 = arith.index_cast %add3A_555 : i32 to index
        %get3A_593 = arith.constant 48 : index
        %get3A_594 = tpu.vector_load %arg11[%get3A_591, %get3A_592, %get3A_593] {strides = array<i32>} : memref<2x128x128xf32, #tpu.memory_space<vmem>>, vector<1x1x16xf32>,
        %get3A_595 = vector.shape_cast %get3A_594 : vector<1x1x16xf32> to vector<16xf32>
        %get3A_596 = arith.index_cast %rem3A_94 : i32 to index
        %get3A_597 = arith.index_cast %add3A_555 : i32 to index
        %get3A_598 = arith.constant 48 : index
        %get3A_599 = tpu.vector_load %arg12[%get3A_596, %get3A_597, %get3A_598] {strides = array<i32>} : memref<2x128x128xf32, #tpu.memory_space<vmem>>, vector<1x1x16xf32>,
        %get3A_600 = vector.shape_cast %get3A_599 : vector<1x1x16xf32> to vector<16xf32>
        %mul3A_601 = arith.mulf %get3A_595, %get3A_600 : vector<16xf32>
        %add3A_602 = arith.addf %add3A_590, %mul3A_601 : vector<16xf32>
        %get3A_603 = arith.index_cast %rem3A_94 : i32 to index
        %get3A_604 = arith.index_cast %add3A_555 : i32 to index
        %get3A_605 = arith.constant 64 : index
        %get3A_606 = tpu.vector_load %arg11[%get3A_603, %get3A_604, %get3A_605] {strides = array<i32>} : memref<2x128x128xf32, #tpu.memory_space<vmem>>, vector<1x1x16xf32>,
        %get3A_607 = vector.shape_cast %get3A_606 : vector<1x1x16xf32> to vector<16xf32>
        %get3A_608 = arith.index_cast %rem3A_94 : i32 to index
        %get3A_609 = arith.index_cast %add3A_555 : i32 to index
        %get3A_610 = arith.constant 64 : index
        %get3A_611 = tpu.vector_load %arg12[%get3A_608, %get3A_609, %get3A_610] {strides = array<i32>} : memref<2x128x128xf32, #tpu.memory_space<vmem>>, vector<1x1x16xf32>,
        %get3A_612 = vector.shape_cast %get3A_611 : vector<1x1x16xf32> to vector<16xf32>
        %mul3A_613 = arith.mulf %get3A_607, %get3A_612 : vector<16xf32>
        %add3A_614 = arith.addf %add3A_602, %mul3A_613 : vector<16xf32>
        %get3A_615 = arith.index_cast %rem3A_94 : i32 to index
        %get3A_616 = arith.index_cast %add3A_555 : i32 to index
        %get3A_617 = arith.constant 80 : index
        %get3A_618 = tpu.vector_load %arg11[%get3A_615, %get3A_616, %get3A_617] {strides = array<i32>} : memref<2x128x128xf32, #tpu.memory_space<vmem>>, vector<1x1x16xf32>,
        %get3A_619 = vector.shape_cast %get3A_618 : vector<1x1x16xf32> to vector<16xf32>
        %get3A_620 = arith.index_cast %rem3A_94 : i32 to index
        %get3A_621 = arith.index_cast %add3A_555 : i32 to index
        %get3A_622 = arith.constant 80 : index
        %get3A_623 = tpu.vector_load %arg12[%get3A_620, %get3A_621, %get3A_622] {strides = array<i32>} : memref<2x128x128xf32, #tpu.memory_space<vmem>>, vector<1x1x16xf32>,
        %get3A_624 = vector.shape_cast %get3A_623 : vector<1x1x16xf32> to vector<16xf32>
        %mul3A_625 = arith.mulf %get3A_619, %get3A_624 : vector<16xf32>
        %add3A_626 = arith.addf %add3A_614, %mul3A_625 : vector<16xf32>
        %get3A_627 = arith.index_cast %rem3A_94 : i32 to index
        %get3A_628 = arith.index_cast %add3A_555 : i32 to index
        %get3A_629 = arith.constant 96 : index
        %get3A_630 = tpu.vector_load %arg11[%get3A_627, %get3A_628, %get3A_629] {strides = array<i32>} : memref<2x128x128xf32, #tpu.memory_space<vmem>>, vector<1x1x16xf32>,
        %get3A_631 = vector.shape_cast %get3A_630 : vector<1x1x16xf32> to vector<16xf32>
        %get3A_632 = arith.index_cast %rem3A_94 : i32 to index
        %get3A_633 = arith.index_cast %add3A_555 : i32 to index
        %get3A_634 = arith.constant 96 : index
        %get3A_635 = tpu.vector_load %arg12[%get3A_632, %get3A_633, %get3A_634] {strides = array<i32>} : memref<2x128x128xf32, #tpu.memory_space<vmem>>, vector<1x1x16xf32>,
        %get3A_636 = vector.shape_cast %get3A_635 : vector<1x1x16xf32> to vector<16xf32>
        %mul3A_637 = arith.mulf %get3A_631, %get3A_636 : vector<16xf32>
        %add3A_638 = arith.addf %add3A_626, %mul3A_637 : vector<16xf32>
        %get3A_639 = arith.index_cast %rem3A_94 : i32 to index
        %get3A_640 = arith.index_cast %add3A_555 : i32 to index
        %get3A_641 = arith.constant 112 : index
        %get3A_642 = tpu.vector_load %arg11[%get3A_639, %get3A_640, %get3A_641] {strides = array<i32>} : memref<2x128x128xf32, #tpu.memory_space<vmem>>, vector<1x1x16xf32>,
        %get3A_643 = vector.shape_cast %get3A_642 : vector<1x1x16xf32> to vector<16xf32>
        %get3A_644 = arith.index_cast %rem3A_94 : i32 to index
        %get3A_645 = arith.index_cast %add3A_555 : i32 to index
        %get3A_646 = arith.constant 112 : index
        %get3A_647 = tpu.vector_load %arg12[%get3A_644, %get3A_645, %get3A_646] {strides = array<i32>} : memref<2x128x128xf32, #tpu.memory_space<vmem>>, vector<1x1x16xf32>,
        %get3A_648 = vector.shape_cast %get3A_647 : vector<1x1x16xf32> to vector<16xf32>
        %mul3A_649 = arith.mulf %get3A_643, %get3A_648 : vector<16xf32>
        %add3A_650 = arith.addf %add3A_638, %mul3A_649 : vector<16xf32>
        %add3A_651 = arith.constant 10 : i32
        %add3A_652 = arith.addi %mul3A_166, %add3A_651 : i32
        %get3A_653 = arith.index_cast %rem3A_94 : i32 to index
        %get3A_654 = arith.index_cast %add3A_652 : i32 to index
        %get3A_655 = arith.constant 0 : index
        %get3A_656 = tpu.vector_load %arg11[%get3A_653, %get3A_654, %get3A_655] {strides = array<i32>} : memref<2x128x128xf32, #tpu.memory_space<vmem>>, vector<1x1x16xf32>,
        %get3A_657 = vector.shape_cast %get3A_656 : vector<1x1x16xf32> to vector<16xf32>
        %get3A_658 = arith.index_cast %rem3A_94 : i32 to index
        %get3A_659 = arith.index_cast %add3A_652 : i32 to index
        %get3A_660 = arith.constant 0 : index
        %get3A_661 = tpu.vector_load %arg12[%get3A_658, %get3A_659, %get3A_660] {strides = array<i32>} : memref<2x128x128xf32, #tpu.memory_space<vmem>>, vector<1x1x16xf32>,
        %get3A_662 = vector.shape_cast %get3A_661 : vector<1x1x16xf32> to vector<16xf32>
        %mul3A_663 = arith.mulf %get3A_657, %get3A_662 : vector<16xf32>
        %get3A_664 = arith.index_cast %rem3A_94 : i32 to index
        %get3A_665 = arith.index_cast %add3A_652 : i32 to index
        %get3A_666 = arith.constant 16 : index
        %get3A_667 = tpu.vector_load %arg11[%get3A_664, %get3A_665, %get3A_666] {strides = array<i32>} : memref<2x128x128xf32, #tpu.memory_space<vmem>>, vector<1x1x16xf32>,
        %get3A_668 = vector.shape_cast %get3A_667 : vector<1x1x16xf32> to vector<16xf32>
        %get3A_669 = arith.index_cast %rem3A_94 : i32 to index
        %get3A_670 = arith.index_cast %add3A_652 : i32 to index
        %get3A_671 = arith.constant 16 : index
        %get3A_672 = tpu.vector_load %arg12[%get3A_669, %get3A_670, %get3A_671] {strides = array<i32>} : memref<2x128x128xf32, #tpu.memory_space<vmem>>, vector<1x1x16xf32>,
        %get3A_673 = vector.shape_cast %get3A_672 : vector<1x1x16xf32> to vector<16xf32>
        %mul3A_674 = arith.mulf %get3A_668, %get3A_673 : vector<16xf32>
        %add3A_675 = arith.addf %mul3A_663, %mul3A_674 : vector<16xf32>
        %get3A_676 = arith.index_cast %rem3A_94 : i32 to index
        %get3A_677 = arith.index_cast %add3A_652 : i32 to index
        %get3A_678 = arith.constant 32 : index
        %get3A_679 = tpu.vector_load %arg11[%get3A_676, %get3A_677, %get3A_678] {strides = array<i32>} : memref<2x128x128xf32, #tpu.memory_space<vmem>>, vector<1x1x16xf32>,
        %get3A_680 = vector.shape_cast %get3A_679 : vector<1x1x16xf32> to vector<16xf32>
        %get3A_681 = arith.index_cast %rem3A_94 : i32 to index
        %get3A_682 = arith.index_cast %add3A_652 : i32 to index
        %get3A_683 = arith.constant 32 : index
        %get3A_684 = tpu.vector_load %arg12[%get3A_681, %get3A_682, %get3A_683] {strides = array<i32>} : memref<2x128x128xf32, #tpu.memory_space<vmem>>, vector<1x1x16xf32>,
        %get3A_685 = vector.shape_cast %get3A_684 : vector<1x1x16xf32> to vector<16xf32>
        %mul3A_686 = arith.mulf %get3A_680, %get3A_685 : vector<16xf32>
        %add3A_687 = arith.addf %add3A_675, %mul3A_686 : vector<16xf32>
        %get3A_688 = arith.index_cast %rem3A_94 : i32 to index
        %get3A_689 = arith.index_cast %add3A_652 : i32 to index
        %get3A_690 = arith.constant 48 : index
        %get3A_691 = tpu.vector_load %arg11[%get3A_688, %get3A_689, %get3A_690] {strides = array<i32>} : memref<2x128x128xf32, #tpu.memory_space<vmem>>, vector<1x1x16xf32>,
        %get3A_692 = vector.shape_cast %get3A_691 : vector<1x1x16xf32> to vector<16xf32>
        %get3A_693 = arith.index_cast %rem3A_94 : i32 to index
        %get3A_694 = arith.index_cast %add3A_652 : i32 to index
        %get3A_695 = arith.constant 48 : index
        %get3A_696 = tpu.vector_load %arg12[%get3A_693, %get3A_694, %get3A_695] {strides = array<i32>} : memref<2x128x128xf32, #tpu.memory_space<vmem>>, vector<1x1x16xf32>,
        %get3A_697 = vector.shape_cast %get3A_696 : vector<1x1x16xf32> to vector<16xf32>
        %mul3A_698 = arith.mulf %get3A_692, %get3A_697 : vector<16xf32>
        %add3A_699 = arith.addf %add3A_687, %mul3A_698 : vector<16xf32>
        %get3A_700 = arith.index_cast %rem3A_94 : i32 to index
        %get3A_701 = arith.index_cast %add3A_652 : i32 to index
        %get3A_702 = arith.constant 64 : index
        %get3A_703 = tpu.vector_load %arg11[%get3A_700, %get3A_701, %get3A_702] {strides = array<i32>} : memref<2x128x128xf32, #tpu.memory_space<vmem>>, vector<1x1x16xf32>,
        %get3A_704 = vector.shape_cast %get3A_703 : vector<1x1x16xf32> to vector<16xf32>
        %get3A_705 = arith.index_cast %rem3A_94 : i32 to index
        %get3A_706 = arith.index_cast %add3A_652 : i32 to index
        %get3A_707 = arith.constant 64 : index
        %get3A_708 = tpu.vector_load %arg12[%get3A_705, %get3A_706, %get3A_707] {strides = array<i32>} : memref<2x128x128xf32, #tpu.memory_space<vmem>>, vector<1x1x16xf32>,
        %get3A_709 = vector.shape_cast %get3A_708 : vector<1x1x16xf32> to vector<16xf32>
        %mul3A_710 = arith.mulf %get3A_704, %get3A_709 : vector<16xf32>
        %add3A_711 = arith.addf %add3A_699, %mul3A_710 : vector<16xf32>
        %get3A_712 = arith.index_cast %rem3A_94 : i32 to index
        %get3A_713 = arith.index_cast %add3A_652 : i32 to index
        %get3A_714 = arith.constant 80 : index
        %get3A_715 = tpu.vector_load %arg11[%get3A_712, %get3A_713, %get3A_714] {strides = array<i32>} : memref<2x128x128xf32, #tpu.memory_space<vmem>>, vector<1x1x16xf32>,
        %get3A_716 = vector.shape_cast %get3A_715 : vector<1x1x16xf32> to vector<16xf32>
        %get3A_717 = arith.index_cast %rem3A_94 : i32 to index
        %get3A_718 = arith.index_cast %add3A_652 : i32 to index
        %get3A_719 = arith.constant 80 : index
        %get3A_720 = tpu.vector_load %arg12[%get3A_717, %get3A_718, %get3A_719] {strides = array<i32>} : memref<2x128x128xf32, #tpu.memory_space<vmem>>, vector<1x1x16xf32>,
        %get3A_721 = vector.shape_cast %get3A_720 : vector<1x1x16xf32> to vector<16xf32>
        %mul3A_722 = arith.mulf %get3A_716, %get3A_721 : vector<16xf32>
        %add3A_723 = arith.addf %add3A_711, %mul3A_722 : vector<16xf32>
        %get3A_724 = arith.index_cast %rem3A_94 : i32 to index
        %get3A_725 = arith.index_cast %add3A_652 : i32 to index
        %get3A_726 = arith.constant 96 : index
        %get3A_727 = tpu.vector_load %arg11[%get3A_724, %get3A_725, %get3A_726] {strides = array<i32>} : memref<2x128x128xf32, #tpu.memory_space<vmem>>, vector<1x1x16xf32>,
        %get3A_728 = vector.shape_cast %get3A_727 : vector<1x1x16xf32> to vector<16xf32>
        %get3A_729 = arith.index_cast %rem3A_94 : i32 to index
        %get3A_730 = arith.index_cast %add3A_652 : i32 to index
        %get3A_731 = arith.constant 96 : index
        %get3A_732 = tpu.vector_load %arg12[%get3A_729, %get3A_730, %get3A_731] {strides = array<i32>} : memref<2x128x128xf32, #tpu.memory_space<vmem>>, vector<1x1x16xf32>,
        %get3A_733 = vector.shape_cast %get3A_732 : vector<1x1x16xf32> to vector<16xf32>
        %mul3A_734 = arith.mulf %get3A_728, %get3A_733 : vector<16xf32>
        %add3A_735 = arith.addf %add3A_723, %mul3A_734 : vector<16xf32>
        %get3A_736 = arith.index_cast %rem3A_94 : i32 to index
        %get3A_737 = arith.index_cast %add3A_652 : i32 to index
        %get3A_738 = arith.constant 112 : index
        %get3A_739 = tpu.vector_load %arg11[%get3A_736, %get3A_737, %get3A_738] {strides = array<i32>} : memref<2x128x128xf32, #tpu.memory_space<vmem>>, vector<1x1x16xf32>,
        %get3A_740 = vector.shape_cast %get3A_739 : vector<1x1x16xf32> to vector<16xf32>
        %get3A_741 = arith.index_cast %rem3A_94 : i32 to index
        %get3A_742 = arith.index_cast %add3A_652 : i32 to index
        %get3A_743 = arith.constant 112 : index
        %get3A_744 = tpu.vector_load %arg12[%get3A_741, %get3A_742, %get3A_743] {strides = array<i32>} : memref<2x128x128xf32, #tpu.memory_space<vmem>>, vector<1x1x16xf32>,
        %get3A_745 = vector.shape_cast %get3A_744 : vector<1x1x16xf32> to vector<16xf32>
        %mul3A_746 = arith.mulf %get3A_740, %get3A_745 : vector<16xf32>
        %add3A_747 = arith.addf %add3A_735, %mul3A_746 : vector<16xf32>
        %add3A_748 = arith.constant 6 : i32
        %add3A_749 = arith.addi %mul3A_166, %add3A_748 : i32
        %get3A_750 = arith.index_cast %rem3A_94 : i32 to index
        %get3A_751 = arith.index_cast %add3A_749 : i32 to index
        %get3A_752 = arith.constant 0 : index
        %get3A_753 = tpu.vector_load %arg11[%get3A_750, %get3A_751, %get3A_752] {strides = array<i32>} : memref<2x128x128xf32, #tpu.memory_space<vmem>>, vector<1x1x16xf32>,
        %get3A_754 = vector.shape_cast %get3A_753 : vector<1x1x16xf32> to vector<16xf32>
        %get3A_755 = arith.index_cast %rem3A_94 : i32 to index
        %get3A_756 = arith.index_cast %add3A_749 : i32 to index
        %get3A_757 = arith.constant 0 : index
        %get3A_758 = tpu.vector_load %arg12[%get3A_755, %get3A_756, %get3A_757] {strides = array<i32>} : memref<2x128x128xf32, #tpu.memory_space<vmem>>, vector<1x1x16xf32>,
        %get3A_759 = vector.shape_cast %get3A_758 : vector<1x1x16xf32> to vector<16xf32>
        %mul3A_760 = arith.mulf %get3A_754, %get3A_759 : vector<16xf32>
        %get3A_761 = arith.index_cast %rem3A_94 : i32 to index
        %get3A_762 = arith.index_cast %add3A_749 : i32 to index
        %get3A_763 = arith.constant 16 : index
        %get3A_764 = tpu.vector_load %arg11[%get3A_761, %get3A_762, %get3A_763] {strides = array<i32>} : memref<2x128x128xf32, #tpu.memory_space<vmem>>, vector<1x1x16xf32>,
        %get3A_765 = vector.shape_cast %get3A_764 : vector<1x1x16xf32> to vector<16xf32>
        %get3A_766 = arith.index_cast %rem3A_94 : i32 to index
        %get3A_767 = arith.index_cast %add3A_749 : i32 to index
        %get3A_768 = arith.constant 16 : index
        %get3A_769 = tpu.vector_load %arg12[%get3A_766, %get3A_767, %get3A_768] {strides = array<i32>} : memref<2x128x128xf32, #tpu.memory_space<vmem>>, vector<1x1x16xf32>,
        %get3A_770 = vector.shape_cast %get3A_769 : vector<1x1x16xf32> to vector<16xf32>
        %mul3A_771 = arith.mulf %get3A_765, %get3A_770 : vector<16xf32>
        %add3A_772 = arith.addf %mul3A_760, %mul3A_771 : vector<16xf32>
        %get3A_773 = arith.index_cast %rem3A_94 : i32 to index
        %get3A_774 = arith.index_cast %add3A_749 : i32 to index
        %get3A_775 = arith.constant 32 : index
        %get3A_776 = tpu.vector_load %arg11[%get3A_773, %get3A_774, %get3A_775] {strides = array<i32>} : memref<2x128x128xf32, #tpu.memory_space<vmem>>, vector<1x1x16xf32>,
        %get3A_777 = vector.shape_cast %get3A_776 : vector<1x1x16xf32> to vector<16xf32>
        %get3A_778 = arith.index_cast %rem3A_94 : i32 to index
        %get3A_779 = arith.index_cast %add3A_749 : i32 to index
        %get3A_780 = arith.constant 32 : index
        %get3A_781 = tpu.vector_load %arg12[%get3A_778, %get3A_779, %get3A_780] {strides = array<i32>} : memref<2x128x128xf32, #tpu.memory_space<vmem>>, vector<1x1x16xf32>,
        %get3A_782 = vector.shape_cast %get3A_781 : vector<1x1x16xf32> to vector<16xf32>
        %mul3A_783 = arith.mulf %get3A_777, %get3A_782 : vector<16xf32>
        %add3A_784 = arith.addf %add3A_772, %mul3A_783 : vector<16xf32>
        %get3A_785 = arith.index_cast %rem3A_94 : i32 to index
        %get3A_786 = arith.index_cast %add3A_749 : i32 to index
        %get3A_787 = arith.constant 48 : index
        %get3A_788 = tpu.vector_load %arg11[%get3A_785, %get3A_786, %get3A_787] {strides = array<i32>} : memref<2x128x128xf32, #tpu.memory_space<vmem>>, vector<1x1x16xf32>,
        %get3A_789 = vector.shape_cast %get3A_788 : vector<1x1x16xf32> to vector<16xf32>
        %get3A_790 = arith.index_cast %rem3A_94 : i32 to index
        %get3A_791 = arith.index_cast %add3A_749 : i32 to index
        %get3A_792 = arith.constant 48 : index
        %get3A_793 = tpu.vector_load %arg12[%get3A_790, %get3A_791, %get3A_792] {strides = array<i32>} : memref<2x128x128xf32, #tpu.memory_space<vmem>>, vector<1x1x16xf32>,
        %get3A_794 = vector.shape_cast %get3A_793 : vector<1x1x16xf32> to vector<16xf32>
        %mul3A_795 = arith.mulf %get3A_789, %get3A_794 : vector<16xf32>
        %add3A_796 = arith.addf %add3A_784, %mul3A_795 : vector<16xf32>
        %get3A_797 = arith.index_cast %rem3A_94 : i32 to index
        %get3A_798 = arith.index_cast %add3A_749 : i32 to index
        %get3A_799 = arith.constant 64 : index
        %get3A_800 = tpu.vector_load %arg11[%get3A_797, %get3A_798, %get3A_799] {strides = array<i32>} : memref<2x128x128xf32, #tpu.memory_space<vmem>>, vector<1x1x16xf32>,
        %get3A_801 = vector.shape_cast %get3A_800 : vector<1x1x16xf32> to vector<16xf32>
        %get3A_802 = arith.index_cast %rem3A_94 : i32 to index
        %get3A_803 = arith.index_cast %add3A_749 : i32 to index
        %get3A_804 = arith.constant 64 : index
        %get3A_805 = tpu.vector_load %arg12[%get3A_802, %get3A_803, %get3A_804] {strides = array<i32>} : memref<2x128x128xf32, #tpu.memory_space<vmem>>, vector<1x1x16xf32>,
        %get3A_806 = vector.shape_cast %get3A_805 : vector<1x1x16xf32> to vector<16xf32>
        %mul3A_807 = arith.mulf %get3A_801, %get3A_806 : vector<16xf32>
        %add3A_808 = arith.addf %add3A_796, %mul3A_807 : vector<16xf32>
        %get3A_809 = arith.index_cast %rem3A_94 : i32 to index
        %get3A_810 = arith.index_cast %add3A_749 : i32 to index
        %get3A_811 = arith.constant 80 : index
        %get3A_812 = tpu.vector_load %arg11[%get3A_809, %get3A_810, %get3A_811] {strides = array<i32>} : memref<2x128x128xf32, #tpu.memory_space<vmem>>, vector<1x1x16xf32>,
        %get3A_813 = vector.shape_cast %get3A_812 : vector<1x1x16xf32> to vector<16xf32>
        %get3A_814 = arith.index_cast %rem3A_94 : i32 to index
        %get3A_815 = arith.index_cast %add3A_749 : i32 to index
        %get3A_816 = arith.constant 80 : index
        %get3A_817 = tpu.vector_load %arg12[%get3A_814, %get3A_815, %get3A_816] {strides = array<i32>} : memref<2x128x128xf32, #tpu.memory_space<vmem>>, vector<1x1x16xf32>,
        %get3A_818 = vector.shape_cast %get3A_817 : vector<1x1x16xf32> to vector<16xf32>
        %mul3A_819 = arith.mulf %get3A_813, %get3A_818 : vector<16xf32>
        %add3A_820 = arith.addf %add3A_808, %mul3A_819 : vector<16xf32>
        %get3A_821 = arith.index_cast %rem3A_94 : i32 to index
        %get3A_822 = arith.index_cast %add3A_749 : i32 to index
        %get3A_823 = arith.constant 96 : index
        %get3A_824 = tpu.vector_load %arg11[%get3A_821, %get3A_822, %get3A_823] {strides = array<i32>} : memref<2x128x128xf32, #tpu.memory_space<vmem>>, vector<1x1x16xf32>,
        %get3A_825 = vector.shape_cast %get3A_824 : vector<1x1x16xf32> to vector<16xf32>
        %get3A_826 = arith.index_cast %rem3A_94 : i32 to index
        %get3A_827 = arith.index_cast %add3A_749 : i32 to index
        %get3A_828 = arith.constant 96 : index
        %get3A_829 = tpu.vector_load %arg12[%get3A_826, %get3A_827, %get3A_828] {strides = array<i32>} : memref<2x128x128xf32, #tpu.memory_space<vmem>>, vector<1x1x16xf32>,
        %get3A_830 = vector.shape_cast %get3A_829 : vector<1x1x16xf32> to vector<16xf32>
        %mul3A_831 = arith.mulf %get3A_825, %get3A_830 : vector<16xf32>
        %add3A_832 = arith.addf %add3A_820, %mul3A_831 : vector<16xf32>
        %get3A_833 = arith.index_cast %rem3A_94 : i32 to index
        %get3A_834 = arith.index_cast %add3A_749 : i32 to index
        %get3A_835 = arith.constant 112 : index
        %get3A_836 = tpu.vector_load %arg11[%get3A_833, %get3A_834, %get3A_835] {strides = array<i32>} : memref<2x128x128xf32, #tpu.memory_space<vmem>>, vector<1x1x16xf32>,
        %get3A_837 = vector.shape_cast %get3A_836 : vector<1x1x16xf32> to vector<16xf32>
        %get3A_838 = arith.index_cast %rem3A_94 : i32 to index
        %get3A_839 = arith.index_cast %add3A_749 : i32 to index
        %get3A_840 = arith.constant 112 : index
        %get3A_841 = tpu.vector_load %arg12[%get3A_838, %get3A_839, %get3A_840] {strides = array<i32>} : memref<2x128x128xf32, #tpu.memory_space<vmem>>, vector<1x1x16xf32>,
        %get3A_842 = vector.shape_cast %get3A_841 : vector<1x1x16xf32> to vector<16xf32>
        %mul3A_843 = arith.mulf %get3A_837, %get3A_842 : vector<16xf32>
        %add3A_844 = arith.addf %add3A_832, %mul3A_843 : vector<16xf32>
        %add3A_845 = arith.constant 14 : i32
        %add3A_846 = arith.addi %mul3A_166, %add3A_845 : i32
        %get3A_847 = arith.index_cast %rem3A_94 : i32 to index
        %get3A_848 = arith.index_cast %add3A_846 : i32 to index
        %get3A_849 = arith.constant 0 : index
        %get3A_850 = tpu.vector_load %arg11[%get3A_847, %get3A_848, %get3A_849] {strides = array<i32>} : memref<2x128x128xf32, #tpu.memory_space<vmem>>, vector<1x1x16xf32>,
        %get3A_851 = vector.shape_cast %get3A_850 : vector<1x1x16xf32> to vector<16xf32>
        %get3A_852 = arith.index_cast %rem3A_94 : i32 to index
        %get3A_853 = arith.index_cast %add3A_846 : i32 to index
        %get3A_854 = arith.constant 0 : index
        %get3A_855 = tpu.vector_load %arg12[%get3A_852, %get3A_853, %get3A_854] {strides = array<i32>} : memref<2x128x128xf32, #tpu.memory_space<vmem>>, vector<1x1x16xf32>,
        %get3A_856 = vector.shape_cast %get3A_855 : vector<1x1x16xf32> to vector<16xf32>
        %mul3A_857 = arith.mulf %get3A_851, %get3A_856 : vector<16xf32>
        %get3A_858 = arith.index_cast %rem3A_94 : i32 to index
        %get3A_859 = arith.index_cast %add3A_846 : i32 to index
        %get3A_860 = arith.constant 16 : index
        %get3A_861 = tpu.vector_load %arg11[%get3A_858, %get3A_859, %get3A_860] {strides = array<i32>} : memref<2x128x128xf32, #tpu.memory_space<vmem>>, vector<1x1x16xf32>,
        %get3A_862 = vector.shape_cast %get3A_861 : vector<1x1x16xf32> to vector<16xf32>
        %get3A_863 = arith.index_cast %rem3A_94 : i32 to index
        %get3A_864 = arith.index_cast %add3A_846 : i32 to index
        %get3A_865 = arith.constant 16 : index
        %get3A_866 = tpu.vector_load %arg12[%get3A_863, %get3A_864, %get3A_865] {strides = array<i32>} : memref<2x128x128xf32, #tpu.memory_space<vmem>>, vector<1x1x16xf32>,
        %get3A_867 = vector.shape_cast %get3A_866 : vector<1x1x16xf32> to vector<16xf32>
        %mul3A_868 = arith.mulf %get3A_862, %get3A_867 : vector<16xf32>
        %add3A_869 = arith.addf %mul3A_857, %mul3A_868 : vector<16xf32>
        %get3A_870 = arith.index_cast %rem3A_94 : i32 to index
        %get3A_871 = arith.index_cast %add3A_846 : i32 to index
        %get3A_872 = arith.constant 32 : index
        %get3A_873 = tpu.vector_load %arg11[%get3A_870, %get3A_871, %get3A_872] {strides = array<i32>} : memref<2x128x128xf32, #tpu.memory_space<vmem>>, vector<1x1x16xf32>,
        %get3A_874 = vector.shape_cast %get3A_873 : vector<1x1x16xf32> to vector<16xf32>
        %get3A_875 = arith.index_cast %rem3A_94 : i32 to index
        %get3A_876 = arith.index_cast %add3A_846 : i32 to index
        %get3A_877 = arith.constant 32 : index
        %get3A_878 = tpu.vector_load %arg12[%get3A_875, %get3A_876, %get3A_877] {strides = array<i32>} : memref<2x128x128xf32, #tpu.memory_space<vmem>>, vector<1x1x16xf32>,
        %get3A_879 = vector.shape_cast %get3A_878 : vector<1x1x16xf32> to vector<16xf32>
        %mul3A_880 = arith.mulf %get3A_874, %get3A_879 : vector<16xf32>
        %add3A_881 = arith.addf %add3A_869, %mul3A_880 : vector<16xf32>
        %get3A_882 = arith.index_cast %rem3A_94 : i32 to index
        %get3A_883 = arith.index_cast %add3A_846 : i32 to index
        %get3A_884 = arith.constant 48 : index
        %get3A_885 = tpu.vector_load %arg11[%get3A_882, %get3A_883, %get3A_884] {strides = array<i32>} : memref<2x128x128xf32, #tpu.memory_space<vmem>>, vector<1x1x16xf32>,
        %get3A_886 = vector.shape_cast %get3A_885 : vector<1x1x16xf32> to vector<16xf32>
        %get3A_887 = arith.index_cast %rem3A_94 : i32 to index
        %get3A_888 = arith.index_cast %add3A_846 : i32 to index
        %get3A_889 = arith.constant 48 : index
        %get3A_890 = tpu.vector_load %arg12[%get3A_887, %get3A_888, %get3A_889] {strides = array<i32>} : memref<2x128x128xf32, #tpu.memory_space<vmem>>, vector<1x1x16xf32>,
        %get3A_891 = vector.shape_cast %get3A_890 : vector<1x1x16xf32> to vector<16xf32>
        %mul3A_892 = arith.mulf %get3A_886, %get3A_891 : vector<16xf32>
        %add3A_893 = arith.addf %add3A_881, %mul3A_892 : vector<16xf32>
        %get3A_894 = arith.index_cast %rem3A_94 : i32 to index
        %get3A_895 = arith.index_cast %add3A_846 : i32 to index
        %get3A_896 = arith.constant 64 : index
        %get3A_897 = tpu.vector_load %arg11[%get3A_894, %get3A_895, %get3A_896] {strides = array<i32>} : memref<2x128x128xf32, #tpu.memory_space<vmem>>, vector<1x1x16xf32>,
        %get3A_898 = vector.shape_cast %get3A_897 : vector<1x1x16xf32> to vector<16xf32>
        %get3A_899 = arith.index_cast %rem3A_94 : i32 to index
        %get3A_900 = arith.index_cast %add3A_846 : i32 to index
        %get3A_901 = arith.constant 64 : index
        %get3A_902 = tpu.vector_load %arg12[%get3A_899, %get3A_900, %get3A_901] {strides = array<i32>} : memref<2x128x128xf32, #tpu.memory_space<vmem>>, vector<1x1x16xf32>,
        %get3A_903 = vector.shape_cast %get3A_902 : vector<1x1x16xf32> to vector<16xf32>
        %mul3A_904 = arith.mulf %get3A_898, %get3A_903 : vector<16xf32>
        %add3A_905 = arith.addf %add3A_893, %mul3A_904 : vector<16xf32>
        %get3A_906 = arith.index_cast %rem3A_94 : i32 to index
        %get3A_907 = arith.index_cast %add3A_846 : i32 to index
        %get3A_908 = arith.constant 80 : index
        %get3A_909 = tpu.vector_load %arg11[%get3A_906, %get3A_907, %get3A_908] {strides = array<i32>} : memref<2x128x128xf32, #tpu.memory_space<vmem>>, vector<1x1x16xf32>,
        %get3A_910 = vector.shape_cast %get3A_909 : vector<1x1x16xf32> to vector<16xf32>
        %get3A_911 = arith.index_cast %rem3A_94 : i32 to index
        %get3A_912 = arith.index_cast %add3A_846 : i32 to index
        %get3A_913 = arith.constant 80 : index
        %get3A_914 = tpu.vector_load %arg12[%get3A_911, %get3A_912, %get3A_913] {strides = array<i32>} : memref<2x128x128xf32, #tpu.memory_space<vmem>>, vector<1x1x16xf32>,
        %get3A_915 = vector.shape_cast %get3A_914 : vector<1x1x16xf32> to vector<16xf32>
        %mul3A_916 = arith.mulf %get3A_910, %get3A_915 : vector<16xf32>
        %add3A_917 = arith.addf %add3A_905, %mul3A_916 : vector<16xf32>
        %get3A_918 = arith.index_cast %rem3A_94 : i32 to index
        %get3A_919 = arith.index_cast %add3A_846 : i32 to index
        %get3A_920 = arith.constant 96 : index
        %get3A_921 = tpu.vector_load %arg11[%get3A_918, %get3A_919, %get3A_920] {strides = array<i32>} : memref<2x128x128xf32, #tpu.memory_space<vmem>>, vector<1x1x16xf32>,
        %get3A_922 = vector.shape_cast %get3A_921 : vector<1x1x16xf32> to vector<16xf32>
        %get3A_923 = arith.index_cast %rem3A_94 : i32 to index
        %get3A_924 = arith.index_cast %add3A_846 : i32 to index
        %get3A_925 = arith.constant 96 : index
        %get3A_926 = tpu.vector_load %arg12[%get3A_923, %get3A_924, %get3A_925] {strides = array<i32>} : memref<2x128x128xf32, #tpu.memory_space<vmem>>, vector<1x1x16xf32>,
        %get3A_927 = vector.shape_cast %get3A_926 : vector<1x1x16xf32> to vector<16xf32>
        %mul3A_928 = arith.mulf %get3A_922, %get3A_927 : vector<16xf32>
        %add3A_929 = arith.addf %add3A_917, %mul3A_928 : vector<16xf32>
        %get3A_930 = arith.index_cast %rem3A_94 : i32 to index
        %get3A_931 = arith.index_cast %add3A_846 : i32 to index
        %get3A_932 = arith.constant 112 : index
        %get3A_933 = tpu.vector_load %arg11[%get3A_930, %get3A_931, %get3A_932] {strides = array<i32>} : memref<2x128x128xf32, #tpu.memory_space<vmem>>, vector<1x1x16xf32>,
        %get3A_934 = vector.shape_cast %get3A_933 : vector<1x1x16xf32> to vector<16xf32>
        %get3A_935 = arith.index_cast %rem3A_94 : i32 to index
        %get3A_936 = arith.index_cast %add3A_846 : i32 to index
        %get3A_937 = arith.constant 112 : index
        %get3A_938 = tpu.vector_load %arg12[%get3A_935, %get3A_936, %get3A_937] {strides = array<i32>} : memref<2x128x128xf32, #tpu.memory_space<vmem>>, vector<1x1x16xf32>,
        %get3A_939 = vector.shape_cast %get3A_938 : vector<1x1x16xf32> to vector<16xf32>
        %mul3A_940 = arith.mulf %get3A_934, %get3A_939 : vector<16xf32>
        %add3A_941 = arith.addf %add3A_929, %mul3A_940 : vector<16xf32>
        %add3A_942 = arith.constant 1 : i32
        %add3A_943 = arith.addi %mul3A_166, %add3A_942 : i32
        %get3A_944 = arith.index_cast %rem3A_94 : i32 to index
        %get3A_945 = arith.index_cast %add3A_943 : i32 to index
        %get3A_946 = arith.constant 0 : index
        %get3A_947 = tpu.vector_load %arg11[%get3A_944, %get3A_945, %get3A_946] {strides = array<i32>} : memref<2x128x128xf32, #tpu.memory_space<vmem>>, vector<1x1x16xf32>,
        %get3A_948 = vector.shape_cast %get3A_947 : vector<1x1x16xf32> to vector<16xf32>
        %get3A_949 = arith.index_cast %rem3A_94 : i32 to index
        %get3A_950 = arith.index_cast %add3A_943 : i32 to index
        %get3A_951 = arith.constant 0 : index
        %get3A_952 = tpu.vector_load %arg12[%get3A_949, %get3A_950, %get3A_951] {strides = array<i32>} : memref<2x128x128xf32, #tpu.memory_space<vmem>>, vector<1x1x16xf32>,
        %get3A_953 = vector.shape_cast %get3A_952 : vector<1x1x16xf32> to vector<16xf32>
        %mul3A_954 = arith.mulf %get3A_948, %get3A_953 : vector<16xf32>
        %get3A_955 = arith.index_cast %rem3A_94 : i32 to index
        %get3A_956 = arith.index_cast %add3A_943 : i32 to index
        %get3A_957 = arith.constant 16 : index
        %get3A_958 = tpu.vector_load %arg11[%get3A_955, %get3A_956, %get3A_957] {strides = array<i32>} : memref<2x128x128xf32, #tpu.memory_space<vmem>>, vector<1x1x16xf32>,
        %get3A_959 = vector.shape_cast %get3A_958 : vector<1x1x16xf32> to vector<16xf32>
        %get3A_960 = arith.index_cast %rem3A_94 : i32 to index
        %get3A_961 = arith.index_cast %add3A_943 : i32 to index
        %get3A_962 = arith.constant 16 : index
        %get3A_963 = tpu.vector_load %arg12[%get3A_960, %get3A_961, %get3A_962] {strides = array<i32>} : memref<2x128x128xf32, #tpu.memory_space<vmem>>, vector<1x1x16xf32>,
        %get3A_964 = vector.shape_cast %get3A_963 : vector<1x1x16xf32> to vector<16xf32>
        %mul3A_965 = arith.mulf %get3A_959, %get3A_964 : vector<16xf32>
        %add3A_966 = arith.addf %mul3A_954, %mul3A_965 : vector<16xf32>
        %get3A_967 = arith.index_cast %rem3A_94 : i32 to index
        %get3A_968 = arith.index_cast %add3A_943 : i32 to index
        %get3A_969 = arith.constant 32 : index
        %get3A_970 = tpu.vector_load %arg11[%get3A_967, %get3A_968, %get3A_969] {strides = array<i32>} : memref<2x128x128xf32, #tpu.memory_space<vmem>>, vector<1x1x16xf32>,
        %get3A_971 = vector.shape_cast %get3A_970 : vector<1x1x16xf32> to vector<16xf32>
        %get3A_972 = arith.index_cast %rem3A_94 : i32 to index
        %get3A_973 = arith.index_cast %add3A_943 : i32 to index
        %get3A_974 = arith.constant 32 : index
        %get3A_975 = tpu.vector_load %arg12[%get3A_972, %get3A_973, %get3A_974] {strides = array<i32>} : memref<2x128x128xf32, #tpu.memory_space<vmem>>, vector<1x1x16xf32>,
        %get3A_976 = vector.shape_cast %get3A_975 : vector<1x1x16xf32> to vector<16xf32>
        %mul3A_977 = arith.mulf %get3A_971, %get3A_976 : vector<16xf32>
        %add3A_978 = arith.addf %add3A_966, %mul3A_977 : vector<16xf32>
        %get3A_979 = arith.index_cast %rem3A_94 : i32 to index
        %get3A_980 = arith.index_cast %add3A_943 : i32 to index
        %get3A_981 = arith.constant 48 : index
        %get3A_982 = tpu.vector_load %arg11[%get3A_979, %get3A_980, %get3A_981] {strides = array<i32>} : memref<2x128x128xf32, #tpu.memory_space<vmem>>, vector<1x1x16xf32>,
        %get3A_983 = vector.shape_cast %get3A_982 : vector<1x1x16xf32> to vector<16xf32>
        %get3A_984 = arith.index_cast %rem3A_94 : i32 to index
        %get3A_985 = arith.index_cast %add3A_943 : i32 to index
        %get3A_986 = arith.constant 48 : index
        %get3A_987 = tpu.vector_load %arg12[%get3A_984, %get3A_985, %get3A_986] {strides = array<i32>} : memref<2x128x128xf32, #tpu.memory_space<vmem>>, vector<1x1x16xf32>,
        %get3A_988 = vector.shape_cast %get3A_987 : vector<1x1x16xf32> to vector<16xf32>
        %mul3A_989 = arith.mulf %get3A_983, %get3A_988 : vector<16xf32>
        %add3A_990 = arith.addf %add3A_978, %mul3A_989 : vector<16xf32>
        %get3A_991 = arith.index_cast %rem3A_94 : i32 to index
        %get3A_992 = arith.index_cast %add3A_943 : i32 to index
        %get3A_993 = arith.constant 64 : index
        %get3A_994 = tpu.vector_load %arg11[%get3A_991, %get3A_992, %get3A_993] {strides = array<i32>} : memref<2x128x128xf32, #tpu.memory_space<vmem>>, vector<1x1x16xf32>,
        %get3A_995 = vector.shape_cast %get3A_994 : vector<1x1x16xf32> to vector<16xf32>
        %get3A_996 = arith.index_cast %rem3A_94 : i32 to index
        %get3A_997 = arith.index_cast %add3A_943 : i32 to index
        %get3A_998 = arith.constant 64 : index
        %get3A_999 = tpu.vector_load %arg12[%get3A_996, %get3A_997, %get3A_998] {strides = array<i32>} : memref<2x128x128xf32, #tpu.memory_space<vmem>>, vector<1x1x16xf32>,
        %get3A_1000 = vector.shape_cast %get3A_999 : vector<1x1x16xf32> to vector<16xf32>
        %mul3A_1001 = arith.mulf %get3A_995, %get3A_1000 : vector<16xf32>
        %add3A_1002 = arith.addf %add3A_990, %mul3A_1001 : vector<16xf32>
        %get3A_1003 = arith.index_cast %rem3A_94 : i32 to index
        %get3A_1004 = arith.index_cast %add3A_943 : i32 to index
        %get3A_1005 = arith.constant 80 : index
        %get3A_1006 = tpu.vector_load %arg11[%get3A_1003, %get3A_1004, %get3A_1005] {strides = array<i32>} : memref<2x128x128xf32, #tpu.memory_space<vmem>>, vector<1x1x16xf32>,
        %get3A_1007 = vector.shape_cast %get3A_1006 : vector<1x1x16xf32> to vector<16xf32>
        %get3A_1008 = arith.index_cast %rem3A_94 : i32 to index
        %get3A_1009 = arith.index_cast %add3A_943 : i32 to index
        %get3A_1010 = arith.constant 80 : index
        %get3A_1011 = tpu.vector_load %arg12[%get3A_1008, %get3A_1009, %get3A_1010] {strides = array<i32>} : memref<2x128x128xf32, #tpu.memory_space<vmem>>, vector<1x1x16xf32>,
        %get3A_1012 = vector.shape_cast %get3A_1011 : vector<1x1x16xf32> to vector<16xf32>
        %mul3A_1013 = arith.mulf %get3A_1007, %get3A_1012 : vector<16xf32>
        %add3A_1014 = arith.addf %add3A_1002, %mul3A_1013 : vector<16xf32>
        %get3A_1015 = arith.index_cast %rem3A_94 : i32 to index
        %get3A_1016 = arith.index_cast %add3A_943 : i32 to index
        %get3A_1017 = arith.constant 96 : index
        %get3A_1018 = tpu.vector_load %arg11[%get3A_1015, %get3A_1016, %get3A_1017] {strides = array<i32>} : memref<2x128x128xf32, #tpu.memory_space<vmem>>, vector<1x1x16xf32>,
        %get3A_1019 = vector.shape_cast %get3A_1018 : vector<1x1x16xf32> to vector<16xf32>
        %get3A_1020 = arith.index_cast %rem3A_94 : i32 to index
        %get3A_1021 = arith.index_cast %add3A_943 : i32 to index
        %get3A_1022 = arith.constant 96 : index
        %get3A_1023 = tpu.vector_load %arg12[%get3A_1020, %get3A_1021, %get3A_1022] {strides = array<i32>} : memref<2x128x128xf32, #tpu.memory_space<vmem>>, vector<1x1x16xf32>,
        %get3A_1024 = vector.shape_cast %get3A_1023 : vector<1x1x16xf32> to vector<16xf32>
        %mul3A_1025 = arith.mulf %get3A_1019, %get3A_1024 : vector<16xf32>
        %add3A_1026 = arith.addf %add3A_1014, %mul3A_1025 : vector<16xf32>
        %get3A_1027 = arith.index_cast %rem3A_94 : i32 to index
        %get3A_1028 = arith.index_cast %add3A_943 : i32 to index
        %get3A_1029 = arith.constant 112 : index
        %get3A_1030 = tpu.vector_load %arg11[%get3A_1027, %get3A_1028, %get3A_1029] {strides = array<i32>} : memref<2x128x128xf32, #tpu.memory_space<vmem>>, vector<1x1x16xf32>,
        %get3A_1031 = vector.shape_cast %get3A_1030 : vector<1x1x16xf32> to vector<16xf32>
        %get3A_1032 = arith.index_cast %rem3A_94 : i32 to index
        %get3A_1033 = arith.index_cast %add3A_943 : i32 to index
        %get3A_1034 = arith.constant 112 : index
        %get3A_1035 = tpu.vector_load %arg12[%get3A_1032, %get3A_1033, %get3A_1034] {strides = array<i32>} : memref<2x128x128xf32, #tpu.memory_space<vmem>>, vector<1x1x16xf32>,
        %get3A_1036 = vector.shape_cast %get3A_1035 : vector<1x1x16xf32> to vector<16xf32>
        %mul3A_1037 = arith.mulf %get3A_1031, %get3A_1036 : vector<16xf32>
        %add3A_1038 = arith.addf %add3A_1026, %mul3A_1037 : vector<16xf32>
        %add3A_1039 = arith.constant 9 : i32
        %add3A_1040 = arith.addi %mul3A_166, %add3A_1039 : i32
        %get3A_1041 = arith.index_cast %rem3A_94 : i32 to index
        %get3A_1042 = arith.index_cast %add3A_1040 : i32 to index
        %get3A_1043 = arith.constant 0 : index
        %get3A_1044 = tpu.vector_load %arg11[%get3A_1041, %get3A_1042, %get3A_1043] {strides = array<i32>} : memref<2x128x128xf32, #tpu.memory_space<vmem>>, vector<1x1x16xf32>,
        %get3A_1045 = vector.shape_cast %get3A_1044 : vector<1x1x16xf32> to vector<16xf32>
        %get3A_1046 = arith.index_cast %rem3A_94 : i32 to index
        %get3A_1047 = arith.index_cast %add3A_1040 : i32 to index
        %get3A_1048 = arith.constant 0 : index
        %get3A_1049 = tpu.vector_load %arg12[%get3A_1046, %get3A_1047, %get3A_1048] {strides = array<i32>} : memref<2x128x128xf32, #tpu.memory_space<vmem>>, vector<1x1x16xf32>,
        %get3A_1050 = vector.shape_cast %get3A_1049 : vector<1x1x16xf32> to vector<16xf32>
        %mul3A_1051 = arith.mulf %get3A_1045, %get3A_1050 : vector<16xf32>
        %get3A_1052 = arith.index_cast %rem3A_94 : i32 to index
        %get3A_1053 = arith.index_cast %add3A_1040 : i32 to index
        %get3A_1054 = arith.constant 16 : index
        %get3A_1055 = tpu.vector_load %arg11[%get3A_1052, %get3A_1053, %get3A_1054] {strides = array<i32>} : memref<2x128x128xf32, #tpu.memory_space<vmem>>, vector<1x1x16xf32>,
        %get3A_1056 = vector.shape_cast %get3A_1055 : vector<1x1x16xf32> to vector<16xf32>
        %get3A_1057 = arith.index_cast %rem3A_94 : i32 to index
        %get3A_1058 = arith.index_cast %add3A_1040 : i32 to index
        %get3A_1059 = arith.constant 16 : index
        %get3A_1060 = tpu.vector_load %arg12[%get3A_1057, %get3A_1058, %get3A_1059] {strides = array<i32>} : memref<2x128x128xf32, #tpu.memory_space<vmem>>, vector<1x1x16xf32>,
        %get3A_1061 = vector.shape_cast %get3A_1060 : vector<1x1x16xf32> to vector<16xf32>
        %mul3A_1062 = arith.mulf %get3A_1056, %get3A_1061 : vector<16xf32>
        %add3A_1063 = arith.addf %mul3A_1051, %mul3A_1062 : vector<16xf32>
        %get3A_1064 = arith.index_cast %rem3A_94 : i32 to index
        %get3A_1065 = arith.index_cast %add3A_1040 : i32 to index
        %get3A_1066 = arith.constant 32 : index
        %get3A_1067 = tpu.vector_load %arg11[%get3A_1064, %get3A_1065, %get3A_1066] {strides = array<i32>} : memref<2x128x128xf32, #tpu.memory_space<vmem>>, vector<1x1x16xf32>,
        %get3A_1068 = vector.shape_cast %get3A_1067 : vector<1x1x16xf32> to vector<16xf32>
        %get3A_1069 = arith.index_cast %rem3A_94 : i32 to index
        %get3A_1070 = arith.index_cast %add3A_1040 : i32 to index
        %get3A_1071 = arith.constant 32 : index
        %get3A_1072 = tpu.vector_load %arg12[%get3A_1069, %get3A_1070, %get3A_1071] {strides = array<i32>} : memref<2x128x128xf32, #tpu.memory_space<vmem>>, vector<1x1x16xf32>,
        %get3A_1073 = vector.shape_cast %get3A_1072 : vector<1x1x16xf32> to vector<16xf32>
        %mul3A_1074 = arith.mulf %get3A_1068, %get3A_1073 : vector<16xf32>
        %add3A_1075 = arith.addf %add3A_1063, %mul3A_1074 : vector<16xf32>
        %get3A_1076 = arith.index_cast %rem3A_94 : i32 to index
        %get3A_1077 = arith.index_cast %add3A_1040 : i32 to index
        %get3A_1078 = arith.constant 48 : index
        %get3A_1079 = tpu.vector_load %arg11[%get3A_1076, %get3A_1077, %get3A_1078] {strides = array<i32>} : memref<2x128x128xf32, #tpu.memory_space<vmem>>, vector<1x1x16xf32>,
        %get3A_1080 = vector.shape_cast %get3A_1079 : vector<1x1x16xf32> to vector<16xf32>
        %get3A_1081 = arith.index_cast %rem3A_94 : i32 to index
        %get3A_1082 = arith.index_cast %add3A_1040 : i32 to index
        %get3A_1083 = arith.constant 48 : index
        %get3A_1084 = tpu.vector_load %arg12[%get3A_1081, %get3A_1082, %get3A_1083] {strides = array<i32>} : memref<2x128x128xf32, #tpu.memory_space<vmem>>, vector<1x1x16xf32>,
        %get3A_1085 = vector.shape_cast %get3A_1084 : vector<1x1x16xf32> to vector<16xf32>
        %mul3A_1086 = arith.mulf %get3A_1080, %get3A_1085 : vector<16xf32>
        %add3A_1087 = arith.addf %add3A_1075, %mul3A_1086 : vector<16xf32>
        %get3A_1088 = arith.index_cast %rem3A_94 : i32 to index
        %get3A_1089 = arith.index_cast %add3A_1040 : i32 to index
        %get3A_1090 = arith.constant 64 : index
        %get3A_1091 = tpu.vector_load %arg11[%get3A_1088, %get3A_1089, %get3A_1090] {strides = array<i32>} : memref<2x128x128xf32, #tpu.memory_space<vmem>>, vector<1x1x16xf32>,
        %get3A_1092 = vector.shape_cast %get3A_1091 : vector<1x1x16xf32> to vector<16xf32>
        %get3A_1093 = arith.index_cast %rem3A_94 : i32 to index
        %get3A_1094 = arith.index_cast %add3A_1040 : i32 to index
        %get3A_1095 = arith.constant 64 : index
        %get3A_1096 = tpu.vector_load %arg12[%get3A_1093, %get3A_1094, %get3A_1095] {strides = array<i32>} : memref<2x128x128xf32, #tpu.memory_space<vmem>>, vector<1x1x16xf32>,
        %get3A_1097 = vector.shape_cast %get3A_1096 : vector<1x1x16xf32> to vector<16xf32>
        %mul3A_1098 = arith.mulf %get3A_1092, %get3A_1097 : vector<16xf32>
        %add3A_1099 = arith.addf %add3A_1087, %mul3A_1098 : vector<16xf32>
        %get3A_1100 = arith.index_cast %rem3A_94 : i32 to index
        %get3A_1101 = arith.index_cast %add3A_1040 : i32 to index
        %get3A_1102 = arith.constant 80 : index
        %get3A_1103 = tpu.vector_load %arg11[%get3A_1100, %get3A_1101, %get3A_1102] {strides = array<i32>} : memref<2x128x128xf32, #tpu.memory_space<vmem>>, vector<1x1x16xf32>,
        %get3A_1104 = vector.shape_cast %get3A_1103 : vector<1x1x16xf32> to vector<16xf32>
        %get3A_1105 = arith.index_cast %rem3A_94 : i32 to index
        %get3A_1106 = arith.index_cast %add3A_1040 : i32 to index
        %get3A_1107 = arith.constant 80 : index
        %get3A_1108 = tpu.vector_load %arg12[%get3A_1105, %get3A_1106, %get3A_1107] {strides = array<i32>} : memref<2x128x128xf32, #tpu.memory_space<vmem>>, vector<1x1x16xf32>,
        %get3A_1109 = vector.shape_cast %get3A_1108 : vector<1x1x16xf32> to vector<16xf32>
        %mul3A_1110 = arith.mulf %get3A_1104, %get3A_1109 : vector<16xf32>
        %add3A_1111 = arith.addf %add3A_1099, %mul3A_1110 : vector<16xf32>
        %get3A_1112 = arith.index_cast %rem3A_94 : i32 to index
        %get3A_1113 = arith.index_cast %add3A_1040 : i32 to index
        %get3A_1114 = arith.constant 96 : index
        %get3A_1115 = tpu.vector_load %arg11[%get3A_1112, %get3A_1113, %get3A_1114] {strides = array<i32>} : memref<2x128x128xf32, #tpu.memory_space<vmem>>, vector<1x1x16xf32>,
        %get3A_1116 = vector.shape_cast %get3A_1115 : vector<1x1x16xf32> to vector<16xf32>
        %get3A_1117 = arith.index_cast %rem3A_94 : i32 to index
        %get3A_1118 = arith.index_cast %add3A_1040 : i32 to index
        %get3A_1119 = arith.constant 96 : index
        %get3A_1120 = tpu.vector_load %arg12[%get3A_1117, %get3A_1118, %get3A_1119] {strides = array<i32>} : memref<2x128x128xf32, #tpu.memory_space<vmem>>, vector<1x1x16xf32>,
        %get3A_1121 = vector.shape_cast %get3A_1120 : vector<1x1x16xf32> to vector<16xf32>
        %mul3A_1122 = arith.mulf %get3A_1116, %get3A_1121 : vector<16xf32>
        %add3A_1123 = arith.addf %add3A_1111, %mul3A_1122 : vector<16xf32>
        %get3A_1124 = arith.index_cast %rem3A_94 : i32 to index
        %get3A_1125 = arith.index_cast %add3A_1040 : i32 to index
        %get3A_1126 = arith.constant 112 : index
        %get3A_1127 = tpu.vector_load %arg11[%get3A_1124, %get3A_1125, %get3A_1126] {strides = array<i32>} : memref<2x128x128xf32, #tpu.memory_space<vmem>>, vector<1x1x16xf32>,
        %get3A_1128 = vector.shape_cast %get3A_1127 : vector<1x1x16xf32> to vector<16xf32>
        %get3A_1129 = arith.index_cast %rem3A_94 : i32 to index
        %get3A_1130 = arith.index_cast %add3A_1040 : i32 to index
        %get3A_1131 = arith.constant 112 : index
        %get3A_1132 = tpu.vector_load %arg12[%get3A_1129, %get3A_1130, %get3A_1131] {strides = array<i32>} : memref<2x128x128xf32, #tpu.memory_space<vmem>>, vector<1x1x16xf32>,
        %get3A_1133 = vector.shape_cast %get3A_1132 : vector<1x1x16xf32> to vector<16xf32>
        %mul3A_1134 = arith.mulf %get3A_1128, %get3A_1133 : vector<16xf32>
        %add3A_1135 = arith.addf %add3A_1123, %mul3A_1134 : vector<16xf32>
        %add3A_1136 = arith.constant 5 : i32
        %add3A_1137 = arith.addi %mul3A_166, %add3A_1136 : i32
        %get3A_1138 = arith.index_cast %rem3A_94 : i32 to index
        %get3A_1139 = arith.index_cast %add3A_1137 : i32 to index
        %get3A_1140 = arith.constant 0 : index
        %get3A_1141 = tpu.vector_load %arg11[%get3A_1138, %get3A_1139, %get3A_1140] {strides = array<i32>} : memref<2x128x128xf32, #tpu.memory_space<vmem>>, vector<1x1x16xf32>,
        %get3A_1142 = vector.shape_cast %get3A_1141 : vector<1x1x16xf32> to vector<16xf32>
        %get3A_1143 = arith.index_cast %rem3A_94 : i32 to index
        %get3A_1144 = arith.index_cast %add3A_1137 : i32 to index
        %get3A_1145 = arith.constant 0 : index
        %get3A_1146 = tpu.vector_load %arg12[%get3A_1143, %get3A_1144, %get3A_1145] {strides = array<i32>} : memref<2x128x128xf32, #tpu.memory_space<vmem>>, vector<1x1x16xf32>,
        %get3A_1147 = vector.shape_cast %get3A_1146 : vector<1x1x16xf32> to vector<16xf32>
        %mul3A_1148 = arith.mulf %get3A_1142, %get3A_1147 : vector<16xf32>
        %get3A_1149 = arith.index_cast %rem3A_94 : i32 to index
        %get3A_1150 = arith.index_cast %add3A_1137 : i32 to index
        %get3A_1151 = arith.constant 16 : index
        %get3A_1152 = tpu.vector_load %arg11[%get3A_1149, %get3A_1150, %get3A_1151] {strides = array<i32>} : memref<2x128x128xf32, #tpu.memory_space<vmem>>, vector<1x1x16xf32>,
        %get3A_1153 = vector.shape_cast %get3A_1152 : vector<1x1x16xf32> to vector<16xf32>
        %get3A_1154 = arith.index_cast %rem3A_94 : i32 to index
        %get3A_1155 = arith.index_cast %add3A_1137 : i32 to index
        %get3A_1156 = arith.constant 16 : index
        %get3A_1157 = tpu.vector_load %arg12[%get3A_1154, %get3A_1155, %get3A_1156] {strides = array<i32>} : memref<2x128x128xf32, #tpu.memory_space<vmem>>, vector<1x1x16xf32>,
        %get3A_1158 = vector.shape_cast %get3A_1157 : vector<1x1x16xf32> to vector<16xf32>
        %mul3A_1159 = arith.mulf %get3A_1153, %get3A_1158 : vector<16xf32>
        %add3A_1160 = arith.addf %mul3A_1148, %mul3A_1159 : vector<16xf32>
        %get3A_1161 = arith.index_cast %rem3A_94 : i32 to index
        %get3A_1162 = arith.index_cast %add3A_1137 : i32 to index
        %get3A_1163 = arith.constant 32 : index
        %get3A_1164 = tpu.vector_load %arg11[%get3A_1161, %get3A_1162, %get3A_1163] {strides = array<i32>} : memref<2x128x128xf32, #tpu.memory_space<vmem>>, vector<1x1x16xf32>,
        %get3A_1165 = vector.shape_cast %get3A_1164 : vector<1x1x16xf32> to vector<16xf32>
        %get3A_1166 = arith.index_cast %rem3A_94 : i32 to index
        %get3A_1167 = arith.index_cast %add3A_1137 : i32 to index
        %get3A_1168 = arith.constant 32 : index
        %get3A_1169 = tpu.vector_load %arg12[%get3A_1166, %get3A_1167, %get3A_1168] {strides = array<i32>} : memref<2x128x128xf32, #tpu.memory_space<vmem>>, vector<1x1x16xf32>,
        %get3A_1170 = vector.shape_cast %get3A_1169 : vector<1x1x16xf32> to vector<16xf32>
        %mul3A_1171 = arith.mulf %get3A_1165, %get3A_1170 : vector<16xf32>
        %add3A_1172 = arith.addf %add3A_1160, %mul3A_1171 : vector<16xf32>
        %get3A_1173 = arith.index_cast %rem3A_94 : i32 to index
        %get3A_1174 = arith.index_cast %add3A_1137 : i32 to index
        %get3A_1175 = arith.constant 48 : index
        %get3A_1176 = tpu.vector_load %arg11[%get3A_1173, %get3A_1174, %get3A_1175] {strides = array<i32>} : memref<2x128x128xf32, #tpu.memory_space<vmem>>, vector<1x1x16xf32>,
        %get3A_1177 = vector.shape_cast %get3A_1176 : vector<1x1x16xf32> to vector<16xf32>
        %get3A_1178 = arith.index_cast %rem3A_94 : i32 to index
        %get3A_1179 = arith.index_cast %add3A_1137 : i32 to index
        %get3A_1180 = arith.constant 48 : index
        %get3A_1181 = tpu.vector_load %arg12[%get3A_1178, %get3A_1179, %get3A_1180] {strides = array<i32>} : memref<2x128x128xf32, #tpu.memory_space<vmem>>, vector<1x1x16xf32>,
        %get3A_1182 = vector.shape_cast %get3A_1181 : vector<1x1x16xf32> to vector<16xf32>
        %mul3A_1183 = arith.mulf %get3A_1177, %get3A_1182 : vector<16xf32>
        %add3A_1184 = arith.addf %add3A_1172, %mul3A_1183 : vector<16xf32>
        %get3A_1185 = arith.index_cast %rem3A_94 : i32 to index
        %get3A_1186 = arith.index_cast %add3A_1137 : i32 to index
        %get3A_1187 = arith.constant 64 : index
        %get3A_1188 = tpu.vector_load %arg11[%get3A_1185, %get3A_1186, %get3A_1187] {strides = array<i32>} : memref<2x128x128xf32, #tpu.memory_space<vmem>>, vector<1x1x16xf32>,
        %get3A_1189 = vector.shape_cast %get3A_1188 : vector<1x1x16xf32> to vector<16xf32>
        %get3A_1190 = arith.index_cast %rem3A_94 : i32 to index
        %get3A_1191 = arith.index_cast %add3A_1137 : i32 to index
        %get3A_1192 = arith.constant 64 : index
        %get3A_1193 = tpu.vector_load %arg12[%get3A_1190, %get3A_1191, %get3A_1192] {strides = array<i32>} : memref<2x128x128xf32, #tpu.memory_space<vmem>>, vector<1x1x16xf32>,
        %get3A_1194 = vector.shape_cast %get3A_1193 : vector<1x1x16xf32> to vector<16xf32>
        %mul3A_1195 = arith.mulf %get3A_1189, %get3A_1194 : vector<16xf32>
        %add3A_1196 = arith.addf %add3A_1184, %mul3A_1195 : vector<16xf32>
        %get3A_1197 = arith.index_cast %rem3A_94 : i32 to index
        %get3A_1198 = arith.index_cast %add3A_1137 : i32 to index
        %get3A_1199 = arith.constant 80 : index
        %get3A_1200 = tpu.vector_load %arg11[%get3A_1197, %get3A_1198, %get3A_1199] {strides = array<i32>} : memref<2x128x128xf32, #tpu.memory_space<vmem>>, vector<1x1x16xf32>,
        %get3A_1201 = vector.shape_cast %get3A_1200 : vector<1x1x16xf32> to vector<16xf32>
        %get3A_1202 = arith.index_cast %rem3A_94 : i32 to index
        %get3A_1203 = arith.index_cast %add3A_1137 : i32 to index
        %get3A_1204 = arith.constant 80 : index
        %get3A_1205 = tpu.vector_load %arg12[%get3A_1202, %get3A_1203, %get3A_1204] {strides = array<i32>} : memref<2x128x128xf32, #tpu.memory_space<vmem>>, vector<1x1x16xf32>,
        %get3A_1206 = vector.shape_cast %get3A_1205 : vector<1x1x16xf32> to vector<16xf32>
        %mul3A_1207 = arith.mulf %get3A_1201, %get3A_1206 : vector<16xf32>
        %add3A_1208 = arith.addf %add3A_1196, %mul3A_1207 : vector<16xf32>
        %get3A_1209 = arith.index_cast %rem3A_94 : i32 to index
        %get3A_1210 = arith.index_cast %add3A_1137 : i32 to index
        %get3A_1211 = arith.constant 96 : index
        %get3A_1212 = tpu.vector_load %arg11[%get3A_1209, %get3A_1210, %get3A_1211] {strides = array<i32>} : memref<2x128x128xf32, #tpu.memory_space<vmem>>, vector<1x1x16xf32>,
        %get3A_1213 = vector.shape_cast %get3A_1212 : vector<1x1x16xf32> to vector<16xf32>
        %get3A_1214 = arith.index_cast %rem3A_94 : i32 to index
        %get3A_1215 = arith.index_cast %add3A_1137 : i32 to index
        %get3A_1216 = arith.constant 96 : index
        %get3A_1217 = tpu.vector_load %arg12[%get3A_1214, %get3A_1215, %get3A_1216] {strides = array<i32>} : memref<2x128x128xf32, #tpu.memory_space<vmem>>, vector<1x1x16xf32>,
        %get3A_1218 = vector.shape_cast %get3A_1217 : vector<1x1x16xf32> to vector<16xf32>
        %mul3A_1219 = arith.mulf %get3A_1213, %get3A_1218 : vector<16xf32>
        %add3A_1220 = arith.addf %add3A_1208, %mul3A_1219 : vector<16xf32>
        %get3A_1221 = arith.index_cast %rem3A_94 : i32 to index
        %get3A_1222 = arith.index_cast %add3A_1137 : i32 to index
        %get3A_1223 = arith.constant 112 : index
        %get3A_1224 = tpu.vector_load %arg11[%get3A_1221, %get3A_1222, %get3A_1223] {strides = array<i32>} : memref<2x128x128xf32, #tpu.memory_space<vmem>>, vector<1x1x16xf32>,
        %get3A_1225 = vector.shape_cast %get3A_1224 : vector<1x1x16xf32> to vector<16xf32>
        %get3A_1226 = arith.index_cast %rem3A_94 : i32 to index
        %get3A_1227 = arith.index_cast %add3A_1137 : i32 to index
        %get3A_1228 = arith.constant 112 : index
        %get3A_1229 = tpu.vector_load %arg12[%get3A_1226, %get3A_1227, %get3A_1228] {strides = array<i32>} : memref<2x128x128xf32, #tpu.memory_space<vmem>>, vector<1x1x16xf32>,
        %get3A_1230 = vector.shape_cast %get3A_1229 : vector<1x1x16xf32> to vector<16xf32>
        %mul3A_1231 = arith.mulf %get3A_1225, %get3A_1230 : vector<16xf32>
        %add3A_1232 = arith.addf %add3A_1220, %mul3A_1231 : vector<16xf32>
        %add3A_1233 = arith.constant 13 : i32
        %add3A_1234 = arith.addi %mul3A_166, %add3A_1233 : i32
        %get3A_1235 = arith.index_cast %rem3A_94 : i32 to index
        %get3A_1236 = arith.index_cast %add3A_1234 : i32 to index
        %get3A_1237 = arith.constant 0 : index
        %get3A_1238 = tpu.vector_load %arg11[%get3A_1235, %get3A_1236, %get3A_1237] {strides = array<i32>} : memref<2x128x128xf32, #tpu.memory_space<vmem>>, vector<1x1x16xf32>,
        %get3A_1239 = vector.shape_cast %get3A_1238 : vector<1x1x16xf32> to vector<16xf32>
        %get3A_1240 = arith.index_cast %rem3A_94 : i32 to index
        %get3A_1241 = arith.index_cast %add3A_1234 : i32 to index
        %get3A_1242 = arith.constant 0 : index
        %get3A_1243 = tpu.vector_load %arg12[%get3A_1240, %get3A_1241, %get3A_1242] {strides = array<i32>} : memref<2x128x128xf32, #tpu.memory_space<vmem>>, vector<1x1x16xf32>,
        %get3A_1244 = vector.shape_cast %get3A_1243 : vector<1x1x16xf32> to vector<16xf32>
        %mul3A_1245 = arith.mulf %get3A_1239, %get3A_1244 : vector<16xf32>
        %get3A_1246 = arith.index_cast %rem3A_94 : i32 to index
        %get3A_1247 = arith.index_cast %add3A_1234 : i32 to index
        %get3A_1248 = arith.constant 16 : index
        %get3A_1249 = tpu.vector_load %arg11[%get3A_1246, %get3A_1247, %get3A_1248] {strides = array<i32>} : memref<2x128x128xf32, #tpu.memory_space<vmem>>, vector<1x1x16xf32>,
        %get3A_1250 = vector.shape_cast %get3A_1249 : vector<1x1x16xf32> to vector<16xf32>
        %get3A_1251 = arith.index_cast %rem3A_94 : i32 to index
        %get3A_1252 = arith.index_cast %add3A_1234 : i32 to index
        %get3A_1253 = arith.constant 16 : index
        %get3A_1254 = tpu.vector_load %arg12[%get3A_1251, %get3A_1252, %get3A_1253] {strides = array<i32>} : memref<2x128x128xf32, #tpu.memory_space<vmem>>, vector<1x1x16xf32>,
        %get3A_1255 = vector.shape_cast %get3A_1254 : vector<1x1x16xf32> to vector<16xf32>
        %mul3A_1256 = arith.mulf %get3A_1250, %get3A_1255 : vector<16xf32>
        %add3A_1257 = arith.addf %mul3A_1245, %mul3A_1256 : vector<16xf32>
        %get3A_1258 = arith.index_cast %rem3A_94 : i32 to index
        %get3A_1259 = arith.index_cast %add3A_1234 : i32 to index
        %get3A_1260 = arith.constant 32 : index
        %get3A_1261 = tpu.vector_load %arg11[%get3A_1258, %get3A_1259, %get3A_1260] {strides = array<i32>} : memref<2x128x128xf32, #tpu.memory_space<vmem>>, vector<1x1x16xf32>,
        %get3A_1262 = vector.shape_cast %get3A_1261 : vector<1x1x16xf32> to vector<16xf32>
        %get3A_1263 = arith.index_cast %rem3A_94 : i32 to index
        %get3A_1264 = arith.index_cast %add3A_1234 : i32 to index
        %get3A_1265 = arith.constant 32 : index
        %get3A_1266 = tpu.vector_load %arg12[%get3A_1263, %get3A_1264, %get3A_1265] {strides = array<i32>} : memref<2x128x128xf32, #tpu.memory_space<vmem>>, vector<1x1x16xf32>,
        %get3A_1267 = vector.shape_cast %get3A_1266 : vector<1x1x16xf32> to vector<16xf32>
        %mul3A_1268 = arith.mulf %get3A_1262, %get3A_1267 : vector<16xf32>
        %add3A_1269 = arith.addf %add3A_1257, %mul3A_1268 : vector<16xf32>
        %get3A_1270 = arith.index_cast %rem3A_94 : i32 to index
        %get3A_1271 = arith.index_cast %add3A_1234 : i32 to index
        %get3A_1272 = arith.constant 48 : index
        %get3A_1273 = tpu.vector_load %arg11[%get3A_1270, %get3A_1271, %get3A_1272] {strides = array<i32>} : memref<2x128x128xf32, #tpu.memory_space<vmem>>, vector<1x1x16xf32>,
        %get3A_1274 = vector.shape_cast %get3A_1273 : vector<1x1x16xf32> to vector<16xf32>
        %get3A_1275 = arith.index_cast %rem3A_94 : i32 to index
        %get3A_1276 = arith.index_cast %add3A_1234 : i32 to index
        %get3A_1277 = arith.constant 48 : index
        %get3A_1278 = tpu.vector_load %arg12[%get3A_1275, %get3A_1276, %get3A_1277] {strides = array<i32>} : memref<2x128x128xf32, #tpu.memory_space<vmem>>, vector<1x1x16xf32>,
        %get3A_1279 = vector.shape_cast %get3A_1278 : vector<1x1x16xf32> to vector<16xf32>
        %mul3A_1280 = arith.mulf %get3A_1274, %get3A_1279 : vector<16xf32>
        %add3A_1281 = arith.addf %add3A_1269, %mul3A_1280 : vector<16xf32>
        %get3A_1282 = arith.index_cast %rem3A_94 : i32 to index
        %get3A_1283 = arith.index_cast %add3A_1234 : i32 to index
        %get3A_1284 = arith.constant 64 : index
        %get3A_1285 = tpu.vector_load %arg11[%get3A_1282, %get3A_1283, %get3A_1284] {strides = array<i32>} : memref<2x128x128xf32, #tpu.memory_space<vmem>>, vector<1x1x16xf32>,
        %get3A_1286 = vector.shape_cast %get3A_1285 : vector<1x1x16xf32> to vector<16xf32>
        %get3A_1287 = arith.index_cast %rem3A_94 : i32 to index
        %get3A_1288 = arith.index_cast %add3A_1234 : i32 to index
        %get3A_1289 = arith.constant 64 : index
        %get3A_1290 = tpu.vector_load %arg12[%get3A_1287, %get3A_1288, %get3A_1289] {strides = array<i32>} : memref<2x128x128xf32, #tpu.memory_space<vmem>>, vector<1x1x16xf32>,
        %get3A_1291 = vector.shape_cast %get3A_1290 : vector<1x1x16xf32> to vector<16xf32>
        %mul3A_1292 = arith.mulf %get3A_1286, %get3A_1291 : vector<16xf32>
        %add3A_1293 = arith.addf %add3A_1281, %mul3A_1292 : vector<16xf32>
        %get3A_1294 = arith.index_cast %rem3A_94 : i32 to index
        %get3A_1295 = arith.index_cast %add3A_1234 : i32 to index
        %get3A_1296 = arith.constant 80 : index
        %get3A_1297 = tpu.vector_load %arg11[%get3A_1294, %get3A_1295, %get3A_1296] {strides = array<i32>} : memref<2x128x128xf32, #tpu.memory_space<vmem>>, vector<1x1x16xf32>,
        %get3A_1298 = vector.shape_cast %get3A_1297 : vector<1x1x16xf32> to vector<16xf32>
        %get3A_1299 = arith.index_cast %rem3A_94 : i32 to index
        %get3A_1300 = arith.index_cast %add3A_1234 : i32 to index
        %get3A_1301 = arith.constant 80 : index
        %get3A_1302 = tpu.vector_load %arg12[%get3A_1299, %get3A_1300, %get3A_1301] {strides = array<i32>} : memref<2x128x128xf32, #tpu.memory_space<vmem>>, vector<1x1x16xf32>,
        %get3A_1303 = vector.shape_cast %get3A_1302 : vector<1x1x16xf32> to vector<16xf32>
        %mul3A_1304 = arith.mulf %get3A_1298, %get3A_1303 : vector<16xf32>
        %add3A_1305 = arith.addf %add3A_1293, %mul3A_1304 : vector<16xf32>
        %get3A_1306 = arith.index_cast %rem3A_94 : i32 to index
        %get3A_1307 = arith.index_cast %add3A_1234 : i32 to index
        %get3A_1308 = arith.constant 96 : index
        %get3A_1309 = tpu.vector_load %arg11[%get3A_1306, %get3A_1307, %get3A_1308] {strides = array<i32>} : memref<2x128x128xf32, #tpu.memory_space<vmem>>, vector<1x1x16xf32>,
        %get3A_1310 = vector.shape_cast %get3A_1309 : vector<1x1x16xf32> to vector<16xf32>
        %get3A_1311 = arith.index_cast %rem3A_94 : i32 to index
        %get3A_1312 = arith.index_cast %add3A_1234 : i32 to index
        %get3A_1313 = arith.constant 96 : index
        %get3A_1314 = tpu.vector_load %arg12[%get3A_1311, %get3A_1312, %get3A_1313] {strides = array<i32>} : memref<2x128x128xf32, #tpu.memory_space<vmem>>, vector<1x1x16xf32>,
        %get3A_1315 = vector.shape_cast %get3A_1314 : vector<1x1x16xf32> to vector<16xf32>
        %mul3A_1316 = arith.mulf %get3A_1310, %get3A_1315 : vector<16xf32>
        %add3A_1317 = arith.addf %add3A_1305, %mul3A_1316 : vector<16xf32>
        %get3A_1318 = arith.index_cast %rem3A_94 : i32 to index
        %get3A_1319 = arith.index_cast %add3A_1234 : i32 to index
        %get3A_1320 = arith.constant 112 : index
        %get3A_1321 = tpu.vector_load %arg11[%get3A_1318, %get3A_1319, %get3A_1320] {strides = array<i32>} : memref<2x128x128xf32, #tpu.memory_space<vmem>>, vector<1x1x16xf32>,
        %get3A_1322 = vector.shape_cast %get3A_1321 : vector<1x1x16xf32> to vector<16xf32>
        %get3A_1323 = arith.index_cast %rem3A_94 : i32 to index
        %get3A_1324 = arith.index_cast %add3A_1234 : i32 to index
        %get3A_1325 = arith.constant 112 : index
        %get3A_1326 = tpu.vector_load %arg12[%get3A_1323, %get3A_1324, %get3A_1325] {strides = array<i32>} : memref<2x128x128xf32, #tpu.memory_space<vmem>>, vector<1x1x16xf32>,
        %get3A_1327 = vector.shape_cast %get3A_1326 : vector<1x1x16xf32> to vector<16xf32>
        %mul3A_1328 = arith.mulf %get3A_1322, %get3A_1327 : vector<16xf32>
        %add3A_1329 = arith.addf %add3A_1317, %mul3A_1328 : vector<16xf32>
        %add3A_1330 = arith.constant 3 : i32
        %add3A_1331 = arith.addi %mul3A_166, %add3A_1330 : i32
        %get3A_1332 = arith.index_cast %rem3A_94 : i32 to index
        %get3A_1333 = arith.index_cast %add3A_1331 : i32 to index
        %get3A_1334 = arith.constant 0 : index
        %get3A_1335 = tpu.vector_load %arg11[%get3A_1332, %get3A_1333, %get3A_1334] {strides = array<i32>} : memref<2x128x128xf32, #tpu.memory_space<vmem>>, vector<1x1x16xf32>,
        %get3A_1336 = vector.shape_cast %get3A_1335 : vector<1x1x16xf32> to vector<16xf32>
        %get3A_1337 = arith.index_cast %rem3A_94 : i32 to index
        %get3A_1338 = arith.index_cast %add3A_1331 : i32 to index
        %get3A_1339 = arith.constant 0 : index
        %get3A_1340 = tpu.vector_load %arg12[%get3A_1337, %get3A_1338, %get3A_1339] {strides = array<i32>} : memref<2x128x128xf32, #tpu.memory_space<vmem>>, vector<1x1x16xf32>,
        %get3A_1341 = vector.shape_cast %get3A_1340 : vector<1x1x16xf32> to vector<16xf32>
        %mul3A_1342 = arith.mulf %get3A_1336, %get3A_1341 : vector<16xf32>
        %get3A_1343 = arith.index_cast %rem3A_94 : i32 to index
        %get3A_1344 = arith.index_cast %add3A_1331 : i32 to index
        %get3A_1345 = arith.constant 16 : index
        %get3A_1346 = tpu.vector_load %arg11[%get3A_1343, %get3A_1344, %get3A_1345] {strides = array<i32>} : memref<2x128x128xf32, #tpu.memory_space<vmem>>, vector<1x1x16xf32>,
        %get3A_1347 = vector.shape_cast %get3A_1346 : vector<1x1x16xf32> to vector<16xf32>
        %get3A_1348 = arith.index_cast %rem3A_94 : i32 to index
        %get3A_1349 = arith.index_cast %add3A_1331 : i32 to index
        %get3A_1350 = arith.constant 16 : index
        %get3A_1351 = tpu.vector_load %arg12[%get3A_1348, %get3A_1349, %get3A_1350] {strides = array<i32>} : memref<2x128x128xf32, #tpu.memory_space<vmem>>, vector<1x1x16xf32>,
        %get3A_1352 = vector.shape_cast %get3A_1351 : vector<1x1x16xf32> to vector<16xf32>
        %mul3A_1353 = arith.mulf %get3A_1347, %get3A_1352 : vector<16xf32>
        %add3A_1354 = arith.addf %mul3A_1342, %mul3A_1353 : vector<16xf32>
        %get3A_1355 = arith.index_cast %rem3A_94 : i32 to index
        %get3A_1356 = arith.index_cast %add3A_1331 : i32 to index
        %get3A_1357 = arith.constant 32 : index
        %get3A_1358 = tpu.vector_load %arg11[%get3A_1355, %get3A_1356, %get3A_1357] {strides = array<i32>} : memref<2x128x128xf32, #tpu.memory_space<vmem>>, vector<1x1x16xf32>,
        %get3A_1359 = vector.shape_cast %get3A_1358 : vector<1x1x16xf32> to vector<16xf32>
        %get3A_1360 = arith.index_cast %rem3A_94 : i32 to index
        %get3A_1361 = arith.index_cast %add3A_1331 : i32 to index
        %get3A_1362 = arith.constant 32 : index
        %get3A_1363 = tpu.vector_load %arg12[%get3A_1360, %get3A_1361, %get3A_1362] {strides = array<i32>} : memref<2x128x128xf32, #tpu.memory_space<vmem>>, vector<1x1x16xf32>,
        %get3A_1364 = vector.shape_cast %get3A_1363 : vector<1x1x16xf32> to vector<16xf32>
        %mul3A_1365 = arith.mulf %get3A_1359, %get3A_1364 : vector<16xf32>
        %add3A_1366 = arith.addf %add3A_1354, %mul3A_1365 : vector<16xf32>
        %get3A_1367 = arith.index_cast %rem3A_94 : i32 to index
        %get3A_1368 = arith.index_cast %add3A_1331 : i32 to index
        %get3A_1369 = arith.constant 48 : index
        %get3A_1370 = tpu.vector_load %arg11[%get3A_1367, %get3A_1368, %get3A_1369] {strides = array<i32>} : memref<2x128x128xf32, #tpu.memory_space<vmem>>, vector<1x1x16xf32>,
        %get3A_1371 = vector.shape_cast %get3A_1370 : vector<1x1x16xf32> to vector<16xf32>
        %get3A_1372 = arith.index_cast %rem3A_94 : i32 to index
        %get3A_1373 = arith.index_cast %add3A_1331 : i32 to index
        %get3A_1374 = arith.constant 48 : index
        %get3A_1375 = tpu.vector_load %arg12[%get3A_1372, %get3A_1373, %get3A_1374] {strides = array<i32>} : memref<2x128x128xf32, #tpu.memory_space<vmem>>, vector<1x1x16xf32>,
        %get3A_1376 = vector.shape_cast %get3A_1375 : vector<1x1x16xf32> to vector<16xf32>
        %mul3A_1377 = arith.mulf %get3A_1371, %get3A_1376 : vector<16xf32>
        %add3A_1378 = arith.addf %add3A_1366, %mul3A_1377 : vector<16xf32>
        %get3A_1379 = arith.index_cast %rem3A_94 : i32 to index
        %get3A_1380 = arith.index_cast %add3A_1331 : i32 to index
        %get3A_1381 = arith.constant 64 : index
        %get3A_1382 = tpu.vector_load %arg11[%get3A_1379, %get3A_1380, %get3A_1381] {strides = array<i32>} : memref<2x128x128xf32, #tpu.memory_space<vmem>>, vector<1x1x16xf32>,
        %get3A_1383 = vector.shape_cast %get3A_1382 : vector<1x1x16xf32> to vector<16xf32>
        %get3A_1384 = arith.index_cast %rem3A_94 : i32 to index
        %get3A_1385 = arith.index_cast %add3A_1331 : i32 to index
        %get3A_1386 = arith.constant 64 : index
        %get3A_1387 = tpu.vector_load %arg12[%get3A_1384, %get3A_1385, %get3A_1386] {strides = array<i32>} : memref<2x128x128xf32, #tpu.memory_space<vmem>>, vector<1x1x16xf32>,
        %get3A_1388 = vector.shape_cast %get3A_1387 : vector<1x1x16xf32> to vector<16xf32>
        %mul3A_1389 = arith.mulf %get3A_1383, %get3A_1388 : vector<16xf32>
        %add3A_1390 = arith.addf %add3A_1378, %mul3A_1389 : vector<16xf32>
        %get3A_1391 = arith.index_cast %rem3A_94 : i32 to index
        %get3A_1392 = arith.index_cast %add3A_1331 : i32 to index
        %get3A_1393 = arith.constant 80 : index
        %get3A_1394 = tpu.vector_load %arg11[%get3A_1391, %get3A_1392, %get3A_1393] {strides = array<i32>} : memref<2x128x128xf32, #tpu.memory_space<vmem>>, vector<1x1x16xf32>,
        %get3A_1395 = vector.shape_cast %get3A_1394 : vector<1x1x16xf32> to vector<16xf32>
        %get3A_1396 = arith.index_cast %rem3A_94 : i32 to index
        %get3A_1397 = arith.index_cast %add3A_1331 : i32 to index
        %get3A_1398 = arith.constant 80 : index
        %get3A_1399 = tpu.vector_load %arg12[%get3A_1396, %get3A_1397, %get3A_1398] {strides = array<i32>} : memref<2x128x128xf32, #tpu.memory_space<vmem>>, vector<1x1x16xf32>,
        %get3A_1400 = vector.shape_cast %get3A_1399 : vector<1x1x16xf32> to vector<16xf32>
        %mul3A_1401 = arith.mulf %get3A_1395, %get3A_1400 : vector<16xf32>
        %add3A_1402 = arith.addf %add3A_1390, %mul3A_1401 : vector<16xf32>
        %get3A_1403 = arith.index_cast %rem3A_94 : i32 to index
        %get3A_1404 = arith.index_cast %add3A_1331 : i32 to index
        %get3A_1405 = arith.constant 96 : index
        %get3A_1406 = tpu.vector_load %arg11[%get3A_1403, %get3A_1404, %get3A_1405] {strides = array<i32>} : memref<2x128x128xf32, #tpu.memory_space<vmem>>, vector<1x1x16xf32>,
        %get3A_1407 = vector.shape_cast %get3A_1406 : vector<1x1x16xf32> to vector<16xf32>
        %get3A_1408 = arith.index_cast %rem3A_94 : i32 to index
        %get3A_1409 = arith.index_cast %add3A_1331 : i32 to index
        %get3A_1410 = arith.constant 96 : index
        %get3A_1411 = tpu.vector_load %arg12[%get3A_1408, %get3A_1409, %get3A_1410] {strides = array<i32>} : memref<2x128x128xf32, #tpu.memory_space<vmem>>, vector<1x1x16xf32>,
        %get3A_1412 = vector.shape_cast %get3A_1411 : vector<1x1x16xf32> to vector<16xf32>
        %mul3A_1413 = arith.mulf %get3A_1407, %get3A_1412 : vector<16xf32>
        %add3A_1414 = arith.addf %add3A_1402, %mul3A_1413 : vector<16xf32>
        %get3A_1415 = arith.index_cast %rem3A_94 : i32 to index
        %get3A_1416 = arith.index_cast %add3A_1331 : i32 to index
        %get3A_1417 = arith.constant 112 : index
        %get3A_1418 = tpu.vector_load %arg11[%get3A_1415, %get3A_1416, %get3A_1417] {strides = array<i32>} : memref<2x128x128xf32, #tpu.memory_space<vmem>>, vector<1x1x16xf32>,
        %get3A_1419 = vector.shape_cast %get3A_1418 : vector<1x1x16xf32> to vector<16xf32>
        %get3A_1420 = arith.index_cast %rem3A_94 : i32 to index
        %get3A_1421 = arith.index_cast %add3A_1331 : i32 to index
        %get3A_1422 = arith.constant 112 : index
        %get3A_1423 = tpu.vector_load %arg12[%get3A_1420, %get3A_1421, %get3A_1422] {strides = array<i32>} : memref<2x128x128xf32, #tpu.memory_space<vmem>>, vector<1x1x16xf32>,
        %get3A_1424 = vector.shape_cast %get3A_1423 : vector<1x1x16xf32> to vector<16xf32>
        %mul3A_1425 = arith.mulf %get3A_1419, %get3A_1424 : vector<16xf32>
        %add3A_1426 = arith.addf %add3A_1414, %mul3A_1425 : vector<16xf32>
        %add3A_1427 = arith.constant 11 : i32
        %add3A_1428 = arith.addi %mul3A_166, %add3A_1427 : i32
        %get3A_1429 = arith.index_cast %rem3A_94 : i32 to index
        %get3A_1430 = arith.index_cast %add3A_1428 : i32 to index
        %get3A_1431 = arith.constant 0 : index
        %get3A_1432 = tpu.vector_load %arg11[%get3A_1429, %get3A_1430, %get3A_1431] {strides = array<i32>} : memref<2x128x128xf32, #tpu.memory_space<vmem>>, vector<1x1x16xf32>,
        %get3A_1433 = vector.shape_cast %get3A_1432 : vector<1x1x16xf32> to vector<16xf32>
        %get3A_1434 = arith.index_cast %rem3A_94 : i32 to index
        %get3A_1435 = arith.index_cast %add3A_1428 : i32 to index
        %get3A_1436 = arith.constant 0 : index
        %get3A_1437 = tpu.vector_load %arg12[%get3A_1434, %get3A_1435, %get3A_1436] {strides = array<i32>} : memref<2x128x128xf32, #tpu.memory_space<vmem>>, vector<1x1x16xf32>,
        %get3A_1438 = vector.shape_cast %get3A_1437 : vector<1x1x16xf32> to vector<16xf32>
        %mul3A_1439 = arith.mulf %get3A_1433, %get3A_1438 : vector<16xf32>
        %get3A_1440 = arith.index_cast %rem3A_94 : i32 to index
        %get3A_1441 = arith.index_cast %add3A_1428 : i32 to index
        %get3A_1442 = arith.constant 16 : index
        %get3A_1443 = tpu.vector_load %arg11[%get3A_1440, %get3A_1441, %get3A_1442] {strides = array<i32>} : memref<2x128x128xf32, #tpu.memory_space<vmem>>, vector<1x1x16xf32>,
        %get3A_1444 = vector.shape_cast %get3A_1443 : vector<1x1x16xf32> to vector<16xf32>
        %get3A_1445 = arith.index_cast %rem3A_94 : i32 to index
        %get3A_1446 = arith.index_cast %add3A_1428 : i32 to index
        %get3A_1447 = arith.constant 16 : index
        %get3A_1448 = tpu.vector_load %arg12[%get3A_1445, %get3A_1446, %get3A_1447] {strides = array<i32>} : memref<2x128x128xf32, #tpu.memory_space<vmem>>, vector<1x1x16xf32>,
        %get3A_1449 = vector.shape_cast %get3A_1448 : vector<1x1x16xf32> to vector<16xf32>
        %mul3A_1450 = arith.mulf %get3A_1444, %get3A_1449 : vector<16xf32>
        %add3A_1451 = arith.addf %mul3A_1439, %mul3A_1450 : vector<16xf32>
        %get3A_1452 = arith.index_cast %rem3A_94 : i32 to index
        %get3A_1453 = arith.index_cast %add3A_1428 : i32 to index
        %get3A_1454 = arith.constant 32 : index
        %get3A_1455 = tpu.vector_load %arg11[%get3A_1452, %get3A_1453, %get3A_1454] {strides = array<i32>} : memref<2x128x128xf32, #tpu.memory_space<vmem>>, vector<1x1x16xf32>,
        %get3A_1456 = vector.shape_cast %get3A_1455 : vector<1x1x16xf32> to vector<16xf32>
        %get3A_1457 = arith.index_cast %rem3A_94 : i32 to index
        %get3A_1458 = arith.index_cast %add3A_1428 : i32 to index
        %get3A_1459 = arith.constant 32 : index
        %get3A_1460 = tpu.vector_load %arg12[%get3A_1457, %get3A_1458, %get3A_1459] {strides = array<i32>} : memref<2x128x128xf32, #tpu.memory_space<vmem>>, vector<1x1x16xf32>,
        %get3A_1461 = vector.shape_cast %get3A_1460 : vector<1x1x16xf32> to vector<16xf32>
        %mul3A_1462 = arith.mulf %get3A_1456, %get3A_1461 : vector<16xf32>
        %add3A_1463 = arith.addf %add3A_1451, %mul3A_1462 : vector<16xf32>
        %get3A_1464 = arith.index_cast %rem3A_94 : i32 to index
        %get3A_1465 = arith.index_cast %add3A_1428 : i32 to index
        %get3A_1466 = arith.constant 48 : index
        %get3A_1467 = tpu.vector_load %arg11[%get3A_1464, %get3A_1465, %get3A_1466] {strides = array<i32>} : memref<2x128x128xf32, #tpu.memory_space<vmem>>, vector<1x1x16xf32>,
        %get3A_1468 = vector.shape_cast %get3A_1467 : vector<1x1x16xf32> to vector<16xf32>
        %get3A_1469 = arith.index_cast %rem3A_94 : i32 to index
        %get3A_1470 = arith.index_cast %add3A_1428 : i32 to index
        %get3A_1471 = arith.constant 48 : index
        %get3A_1472 = tpu.vector_load %arg12[%get3A_1469, %get3A_1470, %get3A_1471] {strides = array<i32>} : memref<2x128x128xf32, #tpu.memory_space<vmem>>, vector<1x1x16xf32>,
        %get3A_1473 = vector.shape_cast %get3A_1472 : vector<1x1x16xf32> to vector<16xf32>
        %mul3A_1474 = arith.mulf %get3A_1468, %get3A_1473 : vector<16xf32>
        %add3A_1475 = arith.addf %add3A_1463, %mul3A_1474 : vector<16xf32>
        %get3A_1476 = arith.index_cast %rem3A_94 : i32 to index
        %get3A_1477 = arith.index_cast %add3A_1428 : i32 to index
        %get3A_1478 = arith.constant 64 : index
        %get3A_1479 = tpu.vector_load %arg11[%get3A_1476, %get3A_1477, %get3A_1478] {strides = array<i32>} : memref<2x128x128xf32, #tpu.memory_space<vmem>>, vector<1x1x16xf32>,
        %get3A_1480 = vector.shape_cast %get3A_1479 : vector<1x1x16xf32> to vector<16xf32>
        %get3A_1481 = arith.index_cast %rem3A_94 : i32 to index
        %get3A_1482 = arith.index_cast %add3A_1428 : i32 to index
        %get3A_1483 = arith.constant 64 : index
        %get3A_1484 = tpu.vector_load %arg12[%get3A_1481, %get3A_1482, %get3A_1483] {strides = array<i32>} : memref<2x128x128xf32, #tpu.memory_space<vmem>>, vector<1x1x16xf32>,
        %get3A_1485 = vector.shape_cast %get3A_1484 : vector<1x1x16xf32> to vector<16xf32>
        %mul3A_1486 = arith.mulf %get3A_1480, %get3A_1485 : vector<16xf32>
        %add3A_1487 = arith.addf %add3A_1475, %mul3A_1486 : vector<16xf32>
        %get3A_1488 = arith.index_cast %rem3A_94 : i32 to index
        %get3A_1489 = arith.index_cast %add3A_1428 : i32 to index
        %get3A_1490 = arith.constant 80 : index
        %get3A_1491 = tpu.vector_load %arg11[%get3A_1488, %get3A_1489, %get3A_1490] {strides = array<i32>} : memref<2x128x128xf32, #tpu.memory_space<vmem>>, vector<1x1x16xf32>,
        %get3A_1492 = vector.shape_cast %get3A_1491 : vector<1x1x16xf32> to vector<16xf32>
        %get3A_1493 = arith.index_cast %rem3A_94 : i32 to index
        %get3A_1494 = arith.index_cast %add3A_1428 : i32 to index
        %get3A_1495 = arith.constant 80 : index
        %get3A_1496 = tpu.vector_load %arg12[%get3A_1493, %get3A_1494, %get3A_1495] {strides = array<i32>} : memref<2x128x128xf32, #tpu.memory_space<vmem>>, vector<1x1x16xf32>,
        %get3A_1497 = vector.shape_cast %get3A_1496 : vector<1x1x16xf32> to vector<16xf32>
        %mul3A_1498 = arith.mulf %get3A_1492, %get3A_1497 : vector<16xf32>
        %add3A_1499 = arith.addf %add3A_1487, %mul3A_1498 : vector<16xf32>
        %get3A_1500 = arith.index_cast %rem3A_94 : i32 to index
        %get3A_1501 = arith.index_cast %add3A_1428 : i32 to index
        %get3A_1502 = arith.constant 96 : index
        %get3A_1503 = tpu.vector_load %arg11[%get3A_1500, %get3A_1501, %get3A_1502] {strides = array<i32>} : memref<2x128x128xf32, #tpu.memory_space<vmem>>, vector<1x1x16xf32>,
        %get3A_1504 = vector.shape_cast %get3A_1503 : vector<1x1x16xf32> to vector<16xf32>
        %get3A_1505 = arith.index_cast %rem3A_94 : i32 to index
        %get3A_1506 = arith.index_cast %add3A_1428 : i32 to index
        %get3A_1507 = arith.constant 96 : index
        %get3A_1508 = tpu.vector_load %arg12[%get3A_1505, %get3A_1506, %get3A_1507] {strides = array<i32>} : memref<2x128x128xf32, #tpu.memory_space<vmem>>, vector<1x1x16xf32>,
        %get3A_1509 = vector.shape_cast %get3A_1508 : vector<1x1x16xf32> to vector<16xf32>
        %mul3A_1510 = arith.mulf %get3A_1504, %get3A_1509 : vector<16xf32>
        %add3A_1511 = arith.addf %add3A_1499, %mul3A_1510 : vector<16xf32>
        %get3A_1512 = arith.index_cast %rem3A_94 : i32 to index
        %get3A_1513 = arith.index_cast %add3A_1428 : i32 to index
        %get3A_1514 = arith.constant 112 : index
        %get3A_1515 = tpu.vector_load %arg11[%get3A_1512, %get3A_1513, %get3A_1514] {strides = array<i32>} : memref<2x128x128xf32, #tpu.memory_space<vmem>>, vector<1x1x16xf32>,
        %get3A_1516 = vector.shape_cast %get3A_1515 : vector<1x1x16xf32> to vector<16xf32>
        %get3A_1517 = arith.index_cast %rem3A_94 : i32 to index
        %get3A_1518 = arith.index_cast %add3A_1428 : i32 to index
        %get3A_1519 = arith.constant 112 : index
        %get3A_1520 = tpu.vector_load %arg12[%get3A_1517, %get3A_1518, %get3A_1519] {strides = array<i32>} : memref<2x128x128xf32, #tpu.memory_space<vmem>>, vector<1x1x16xf32>,
        %get3A_1521 = vector.shape_cast %get3A_1520 : vector<1x1x16xf32> to vector<16xf32>
        %mul3A_1522 = arith.mulf %get3A_1516, %get3A_1521 : vector<16xf32>
        %add3A_1523 = arith.addf %add3A_1511, %mul3A_1522 : vector<16xf32>
        %add3A_1524 = arith.constant 7 : i32
        %add3A_1525 = arith.addi %mul3A_166, %add3A_1524 : i32
        %get3A_1526 = arith.index_cast %rem3A_94 : i32 to index
        %get3A_1527 = arith.index_cast %add3A_1525 : i32 to index
        %get3A_1528 = arith.constant 0 : index
        %get3A_1529 = tpu.vector_load %arg11[%get3A_1526, %get3A_1527, %get3A_1528] {strides = array<i32>} : memref<2x128x128xf32, #tpu.memory_space<vmem>>, vector<1x1x16xf32>,
        %get3A_1530 = vector.shape_cast %get3A_1529 : vector<1x1x16xf32> to vector<16xf32>
        %get3A_1531 = arith.index_cast %rem3A_94 : i32 to index
        %get3A_1532 = arith.index_cast %add3A_1525 : i32 to index
        %get3A_1533 = arith.constant 0 : index
        %get3A_1534 = tpu.vector_load %arg12[%get3A_1531, %get3A_1532, %get3A_1533] {strides = array<i32>} : memref<2x128x128xf32, #tpu.memory_space<vmem>>, vector<1x1x16xf32>,
        %get3A_1535 = vector.shape_cast %get3A_1534 : vector<1x1x16xf32> to vector<16xf32>
        %mul3A_1536 = arith.mulf %get3A_1530, %get3A_1535 : vector<16xf32>
        %get3A_1537 = arith.index_cast %rem3A_94 : i32 to index
        %get3A_1538 = arith.index_cast %add3A_1525 : i32 to index
        %get3A_1539 = arith.constant 16 : index
        %get3A_1540 = tpu.vector_load %arg11[%get3A_1537, %get3A_1538, %get3A_1539] {strides = array<i32>} : memref<2x128x128xf32, #tpu.memory_space<vmem>>, vector<1x1x16xf32>,
        %get3A_1541 = vector.shape_cast %get3A_1540 : vector<1x1x16xf32> to vector<16xf32>
        %get3A_1542 = arith.index_cast %rem3A_94 : i32 to index
        %get3A_1543 = arith.index_cast %add3A_1525 : i32 to index
        %get3A_1544 = arith.constant 16 : index
        %get3A_1545 = tpu.vector_load %arg12[%get3A_1542, %get3A_1543, %get3A_1544] {strides = array<i32>} : memref<2x128x128xf32, #tpu.memory_space<vmem>>, vector<1x1x16xf32>,
        %get3A_1546 = vector.shape_cast %get3A_1545 : vector<1x1x16xf32> to vector<16xf32>
        %mul3A_1547 = arith.mulf %get3A_1541, %get3A_1546 : vector<16xf32>
        %add3A_1548 = arith.addf %mul3A_1536, %mul3A_1547 : vector<16xf32>
        %get3A_1549 = arith.index_cast %rem3A_94 : i32 to index
        %get3A_1550 = arith.index_cast %add3A_1525 : i32 to index
        %get3A_1551 = arith.constant 32 : index
        %get3A_1552 = tpu.vector_load %arg11[%get3A_1549, %get3A_1550, %get3A_1551] {strides = array<i32>} : memref<2x128x128xf32, #tpu.memory_space<vmem>>, vector<1x1x16xf32>,
        %get3A_1553 = vector.shape_cast %get3A_1552 : vector<1x1x16xf32> to vector<16xf32>
        %get3A_1554 = arith.index_cast %rem3A_94 : i32 to index
        %get3A_1555 = arith.index_cast %add3A_1525 : i32 to index
        %get3A_1556 = arith.constant 32 : index
        %get3A_1557 = tpu.vector_load %arg12[%get3A_1554, %get3A_1555, %get3A_1556] {strides = array<i32>} : memref<2x128x128xf32, #tpu.memory_space<vmem>>, vector<1x1x16xf32>,
        %get3A_1558 = vector.shape_cast %get3A_1557 : vector<1x1x16xf32> to vector<16xf32>
        %mul3A_1559 = arith.mulf %get3A_1553, %get3A_1558 : vector<16xf32>
        %add3A_1560 = arith.addf %add3A_1548, %mul3A_1559 : vector<16xf32>
        %get3A_1561 = arith.index_cast %rem3A_94 : i32 to index
        %get3A_1562 = arith.index_cast %add3A_1525 : i32 to index
        %get3A_1563 = arith.constant 48 : index
        %get3A_1564 = tpu.vector_load %arg11[%get3A_1561, %get3A_1562, %get3A_1563] {strides = array<i32>} : memref<2x128x128xf32, #tpu.memory_space<vmem>>, vector<1x1x16xf32>,
        %get3A_1565 = vector.shape_cast %get3A_1564 : vector<1x1x16xf32> to vector<16xf32>
        %get3A_1566 = arith.index_cast %rem3A_94 : i32 to index
        %get3A_1567 = arith.index_cast %add3A_1525 : i32 to index
        %get3A_1568 = arith.constant 48 : index
        %get3A_1569 = tpu.vector_load %arg12[%get3A_1566, %get3A_1567, %get3A_1568] {strides = array<i32>} : memref<2x128x128xf32, #tpu.memory_space<vmem>>, vector<1x1x16xf32>,
        %get3A_1570 = vector.shape_cast %get3A_1569 : vector<1x1x16xf32> to vector<16xf32>
        %mul3A_1571 = arith.mulf %get3A_1565, %get3A_1570 : vector<16xf32>
        %add3A_1572 = arith.addf %add3A_1560, %mul3A_1571 : vector<16xf32>
        %get3A_1573 = arith.index_cast %rem3A_94 : i32 to index
        %get3A_1574 = arith.index_cast %add3A_1525 : i32 to index
        %get3A_1575 = arith.constant 64 : index
        %get3A_1576 = tpu.vector_load %arg11[%get3A_1573, %get3A_1574, %get3A_1575] {strides = array<i32>} : memref<2x128x128xf32, #tpu.memory_space<vmem>>, vector<1x1x16xf32>,
        %get3A_1577 = vector.shape_cast %get3A_1576 : vector<1x1x16xf32> to vector<16xf32>
        %get3A_1578 = arith.index_cast %rem3A_94 : i32 to index
        %get3A_1579 = arith.index_cast %add3A_1525 : i32 to index
        %get3A_1580 = arith.constant 64 : index
        %get3A_1581 = tpu.vector_load %arg12[%get3A_1578, %get3A_1579, %get3A_1580] {strides = array<i32>} : memref<2x128x128xf32, #tpu.memory_space<vmem>>, vector<1x1x16xf32>,
        %get3A_1582 = vector.shape_cast %get3A_1581 : vector<1x1x16xf32> to vector<16xf32>
        %mul3A_1583 = arith.mulf %get3A_1577, %get3A_1582 : vector<16xf32>
        %add3A_1584 = arith.addf %add3A_1572, %mul3A_1583 : vector<16xf32>
        %get3A_1585 = arith.index_cast %rem3A_94 : i32 to index
        %get3A_1586 = arith.index_cast %add3A_1525 : i32 to index
        %get3A_1587 = arith.constant 80 : index
        %get3A_1588 = tpu.vector_load %arg11[%get3A_1585, %get3A_1586, %get3A_1587] {strides = array<i32>} : memref<2x128x128xf32, #tpu.memory_space<vmem>>, vector<1x1x16xf32>,
        %get3A_1589 = vector.shape_cast %get3A_1588 : vector<1x1x16xf32> to vector<16xf32>
        %get3A_1590 = arith.index_cast %rem3A_94 : i32 to index
        %get3A_1591 = arith.index_cast %add3A_1525 : i32 to index
        %get3A_1592 = arith.constant 80 : index
        %get3A_1593 = tpu.vector_load %arg12[%get3A_1590, %get3A_1591, %get3A_1592] {strides = array<i32>} : memref<2x128x128xf32, #tpu.memory_space<vmem>>, vector<1x1x16xf32>,
        %get3A_1594 = vector.shape_cast %get3A_1593 : vector<1x1x16xf32> to vector<16xf32>
        %mul3A_1595 = arith.mulf %get3A_1589, %get3A_1594 : vector<16xf32>
        %add3A_1596 = arith.addf %add3A_1584, %mul3A_1595 : vector<16xf32>
        %get3A_1597 = arith.index_cast %rem3A_94 : i32 to index
        %get3A_1598 = arith.index_cast %add3A_1525 : i32 to index
        %get3A_1599 = arith.constant 96 : index
        %get3A_1600 = tpu.vector_load %arg11[%get3A_1597, %get3A_1598, %get3A_1599] {strides = array<i32>} : memref<2x128x128xf32, #tpu.memory_space<vmem>>, vector<1x1x16xf32>,
        %get3A_1601 = vector.shape_cast %get3A_1600 : vector<1x1x16xf32> to vector<16xf32>
        %get3A_1602 = arith.index_cast %rem3A_94 : i32 to index
        %get3A_1603 = arith.index_cast %add3A_1525 : i32 to index
        %get3A_1604 = arith.constant 96 : index
        %get3A_1605 = tpu.vector_load %arg12[%get3A_1602, %get3A_1603, %get3A_1604] {strides = array<i32>} : memref<2x128x128xf32, #tpu.memory_space<vmem>>, vector<1x1x16xf32>,
        %get3A_1606 = vector.shape_cast %get3A_1605 : vector<1x1x16xf32> to vector<16xf32>
        %mul3A_1607 = arith.mulf %get3A_1601, %get3A_1606 : vector<16xf32>
        %add3A_1608 = arith.addf %add3A_1596, %mul3A_1607 : vector<16xf32>
        %get3A_1609 = arith.index_cast %rem3A_94 : i32 to index
        %get3A_1610 = arith.index_cast %add3A_1525 : i32 to index
        %get3A_1611 = arith.constant 112 : index
        %get3A_1612 = tpu.vector_load %arg11[%get3A_1609, %get3A_1610, %get3A_1611] {strides = array<i32>} : memref<2x128x128xf32, #tpu.memory_space<vmem>>, vector<1x1x16xf32>,
        %get3A_1613 = vector.shape_cast %get3A_1612 : vector<1x1x16xf32> to vector<16xf32>
        %get3A_1614 = arith.index_cast %rem3A_94 : i32 to index
        %get3A_1615 = arith.index_cast %add3A_1525 : i32 to index
        %get3A_1616 = arith.constant 112 : index
        %get3A_1617 = tpu.vector_load %arg12[%get3A_1614, %get3A_1615, %get3A_1616] {strides = array<i32>} : memref<2x128x128xf32, #tpu.memory_space<vmem>>, vector<1x1x16xf32>,
        %get3A_1618 = vector.shape_cast %get3A_1617 : vector<1x1x16xf32> to vector<16xf32>
        %mul3A_1619 = arith.mulf %get3A_1613, %get3A_1618 : vector<16xf32>
        %add3A_1620 = arith.addf %add3A_1608, %mul3A_1619 : vector<16xf32>
        %add3A_1621 = arith.constant 15 : i32
        %add3A_1622 = arith.addi %mul3A_166, %add3A_1621 : i32
        %get3A_1623 = arith.index_cast %rem3A_94 : i32 to index
        %get3A_1624 = arith.index_cast %add3A_1622 : i32 to index
        %get3A_1625 = arith.constant 0 : index
        %get3A_1626 = tpu.vector_load %arg11[%get3A_1623, %get3A_1624, %get3A_1625] {strides = array<i32>} : memref<2x128x128xf32, #tpu.memory_space<vmem>>, vector<1x1x16xf32>,
        %get3A_1627 = vector.shape_cast %get3A_1626 : vector<1x1x16xf32> to vector<16xf32>
        %get3A_1628 = arith.index_cast %rem3A_94 : i32 to index
        %get3A_1629 = arith.index_cast %add3A_1622 : i32 to index
        %get3A_1630 = arith.constant 0 : index
        %get3A_1631 = tpu.vector_load %arg12[%get3A_1628, %get3A_1629, %get3A_1630] {strides = array<i32>} : memref<2x128x128xf32, #tpu.memory_space<vmem>>, vector<1x1x16xf32>,
        %get3A_1632 = vector.shape_cast %get3A_1631 : vector<1x1x16xf32> to vector<16xf32>
        %mul3A_1633 = arith.mulf %get3A_1627, %get3A_1632 : vector<16xf32>
        %get3A_1634 = arith.index_cast %rem3A_94 : i32 to index
        %get3A_1635 = arith.index_cast %add3A_1622 : i32 to index
        %get3A_1636 = arith.constant 16 : index
        %get3A_1637 = tpu.vector_load %arg11[%get3A_1634, %get3A_1635, %get3A_1636] {strides = array<i32>} : memref<2x128x128xf32, #tpu.memory_space<vmem>>, vector<1x1x16xf32>,
        %get3A_1638 = vector.shape_cast %get3A_1637 : vector<1x1x16xf32> to vector<16xf32>
        %get3A_1639 = arith.index_cast %rem3A_94 : i32 to index
        %get3A_1640 = arith.index_cast %add3A_1622 : i32 to index
        %get3A_1641 = arith.constant 16 : index
        %get3A_1642 = tpu.vector_load %arg12[%get3A_1639, %get3A_1640, %get3A_1641] {strides = array<i32>} : memref<2x128x128xf32, #tpu.memory_space<vmem>>, vector<1x1x16xf32>,
        %get3A_1643 = vector.shape_cast %get3A_1642 : vector<1x1x16xf32> to vector<16xf32>
        %mul3A_1644 = arith.mulf %get3A_1638, %get3A_1643 : vector<16xf32>
        %add3A_1645 = arith.addf %mul3A_1633, %mul3A_1644 : vector<16xf32>
        %get3A_1646 = arith.index_cast %rem3A_94 : i32 to index
        %get3A_1647 = arith.index_cast %add3A_1622 : i32 to index
        %get3A_1648 = arith.constant 32 : index
        %get3A_1649 = tpu.vector_load %arg11[%get3A_1646, %get3A_1647, %get3A_1648] {strides = array<i32>} : memref<2x128x128xf32, #tpu.memory_space<vmem>>, vector<1x1x16xf32>,
        %get3A_1650 = vector.shape_cast %get3A_1649 : vector<1x1x16xf32> to vector<16xf32>
        %get3A_1651 = arith.index_cast %rem3A_94 : i32 to index
        %get3A_1652 = arith.index_cast %add3A_1622 : i32 to index
        %get3A_1653 = arith.constant 32 : index
        %get3A_1654 = tpu.vector_load %arg12[%get3A_1651, %get3A_1652, %get3A_1653] {strides = array<i32>} : memref<2x128x128xf32, #tpu.memory_space<vmem>>, vector<1x1x16xf32>,
        %get3A_1655 = vector.shape_cast %get3A_1654 : vector<1x1x16xf32> to vector<16xf32>
        %mul3A_1656 = arith.mulf %get3A_1650, %get3A_1655 : vector<16xf32>
        %add3A_1657 = arith.addf %add3A_1645, %mul3A_1656 : vector<16xf32>
        %get3A_1658 = arith.index_cast %rem3A_94 : i32 to index
        %get3A_1659 = arith.index_cast %add3A_1622 : i32 to index
        %get3A_1660 = arith.constant 48 : index
        %get3A_1661 = tpu.vector_load %arg11[%get3A_1658, %get3A_1659, %get3A_1660] {strides = array<i32>} : memref<2x128x128xf32, #tpu.memory_space<vmem>>, vector<1x1x16xf32>,
        %get3A_1662 = vector.shape_cast %get3A_1661 : vector<1x1x16xf32> to vector<16xf32>
        %get3A_1663 = arith.index_cast %rem3A_94 : i32 to index
        %get3A_1664 = arith.index_cast %add3A_1622 : i32 to index
        %get3A_1665 = arith.constant 48 : index
        %get3A_1666 = tpu.vector_load %arg12[%get3A_1663, %get3A_1664, %get3A_1665] {strides = array<i32>} : memref<2x128x128xf32, #tpu.memory_space<vmem>>, vector<1x1x16xf32>,
        %get3A_1667 = vector.shape_cast %get3A_1666 : vector<1x1x16xf32> to vector<16xf32>
        %mul3A_1668 = arith.mulf %get3A_1662, %get3A_1667 : vector<16xf32>
        %add3A_1669 = arith.addf %add3A_1657, %mul3A_1668 : vector<16xf32>
        %get3A_1670 = arith.index_cast %rem3A_94 : i32 to index
        %get3A_1671 = arith.index_cast %add3A_1622 : i32 to index
        %get3A_1672 = arith.constant 64 : index
        %get3A_1673 = tpu.vector_load %arg11[%get3A_1670, %get3A_1671, %get3A_1672] {strides = array<i32>} : memref<2x128x128xf32, #tpu.memory_space<vmem>>, vector<1x1x16xf32>,
        %get3A_1674 = vector.shape_cast %get3A_1673 : vector<1x1x16xf32> to vector<16xf32>
        %get3A_1675 = arith.index_cast %rem3A_94 : i32 to index
        %get3A_1676 = arith.index_cast %add3A_1622 : i32 to index
        %get3A_1677 = arith.constant 64 : index
        %get3A_1678 = tpu.vector_load %arg12[%get3A_1675, %get3A_1676, %get3A_1677] {strides = array<i32>} : memref<2x128x128xf32, #tpu.memory_space<vmem>>, vector<1x1x16xf32>,
        %get3A_1679 = vector.shape_cast %get3A_1678 : vector<1x1x16xf32> to vector<16xf32>
        %mul3A_1680 = arith.mulf %get3A_1674, %get3A_1679 : vector<16xf32>
        %add3A_1681 = arith.addf %add3A_1669, %mul3A_1680 : vector<16xf32>
        %get3A_1682 = arith.index_cast %rem3A_94 : i32 to index
        %get3A_1683 = arith.index_cast %add3A_1622 : i32 to index
        %get3A_1684 = arith.constant 80 : index
        %get3A_1685 = tpu.vector_load %arg11[%get3A_1682, %get3A_1683, %get3A_1684] {strides = array<i32>} : memref<2x128x128xf32, #tpu.memory_space<vmem>>, vector<1x1x16xf32>,
        %get3A_1686 = vector.shape_cast %get3A_1685 : vector<1x1x16xf32> to vector<16xf32>
        %get3A_1687 = arith.index_cast %rem3A_94 : i32 to index
        %get3A_1688 = arith.index_cast %add3A_1622 : i32 to index
        %get3A_1689 = arith.constant 80 : index
        %get3A_1690 = tpu.vector_load %arg12[%get3A_1687, %get3A_1688, %get3A_1689] {strides = array<i32>} : memref<2x128x128xf32, #tpu.memory_space<vmem>>, vector<1x1x16xf32>,
        %get3A_1691 = vector.shape_cast %get3A_1690 : vector<1x1x16xf32> to vector<16xf32>
        %mul3A_1692 = arith.mulf %get3A_1686, %get3A_1691 : vector<16xf32>
        %add3A_1693 = arith.addf %add3A_1681, %mul3A_1692 : vector<16xf32>
        %get3A_1694 = arith.index_cast %rem3A_94 : i32 to index
        %get3A_1695 = arith.index_cast %add3A_1622 : i32 to index
        %get3A_1696 = arith.constant 96 : index
        %get3A_1697 = tpu.vector_load %arg11[%get3A_1694, %get3A_1695, %get3A_1696] {strides = array<i32>} : memref<2x128x128xf32, #tpu.memory_space<vmem>>, vector<1x1x16xf32>,
        %get3A_1698 = vector.shape_cast %get3A_1697 : vector<1x1x16xf32> to vector<16xf32>
        %get3A_1699 = arith.index_cast %rem3A_94 : i32 to index
        %get3A_1700 = arith.index_cast %add3A_1622 : i32 to index
        %get3A_1701 = arith.constant 96 : index
        %get3A_1702 = tpu.vector_load %arg12[%get3A_1699, %get3A_1700, %get3A_1701] {strides = array<i32>} : memref<2x128x128xf32, #tpu.memory_space<vmem>>, vector<1x1x16xf32>,
        %get3A_1703 = vector.shape_cast %get3A_1702 : vector<1x1x16xf32> to vector<16xf32>
        %mul3A_1704 = arith.mulf %get3A_1698, %get3A_1703 : vector<16xf32>
        %add3A_1705 = arith.addf %add3A_1693, %mul3A_1704 : vector<16xf32>
        %get3A_1706 = arith.index_cast %rem3A_94 : i32 to index
        %get3A_1707 = arith.index_cast %add3A_1622 : i32 to index
        %get3A_1708 = arith.constant 112 : index
        %get3A_1709 = tpu.vector_load %arg11[%get3A_1706, %get3A_1707, %get3A_1708] {strides = array<i32>} : memref<2x128x128xf32, #tpu.memory_space<vmem>>, vector<1x1x16xf32>,
        %get3A_1710 = vector.shape_cast %get3A_1709 : vector<1x1x16xf32> to vector<16xf32>
        %get3A_1711 = arith.index_cast %rem3A_94 : i32 to index
        %get3A_1712 = arith.index_cast %add3A_1622 : i32 to index
        %get3A_1713 = arith.constant 112 : index
        %get3A_1714 = tpu.vector_load %arg12[%get3A_1711, %get3A_1712, %get3A_1713] {strides = array<i32>} : memref<2x128x128xf32, #tpu.memory_space<vmem>>, vector<1x1x16xf32>,
        %get3A_1715 = vector.shape_cast %get3A_1714 : vector<1x1x16xf32> to vector<16xf32>
        %mul3A_1716 = arith.mulf %get3A_1710, %get3A_1715 : vector<16xf32>
        %add3A_1717 = arith.addf %add3A_1705, %mul3A_1716 : vector<16xf32>
        %select_n3A = arith.select %eq3A_7, %add3A_262, %add3A_359 : vector<16xi1>, vector<16xf32>
        %select_n3A_1718 = arith.select %eq3A_7, %add3A_359, %add3A_262 : vector<16xi1>, vector<16xf32>
        %broadcast_in_dim3A_1719 = vector.shape_cast %xor3A_27 : vector<16xi32> to vector<16x1xi32>
        %gather3A = vector.shape_cast %broadcast_in_dim3A_1719 : vector<16x1xi32> to vector<16xi32>
        %gather3A_1720 = tpu.dynamic_gather %select_n3A_1718[%gather3A] in [0] : vector<16xf32>, vector<16xi32> -> vector<16xf32>
        %add3A_1721 = arith.addf %select_n3A, %gather3A_1720 : vector<16xf32>
        %select_n3A_1722 = arith.select %eq3A_7, %add3A_456, %add3A_553 : vector<16xi1>, vector<16xf32>
        %select_n3A_1723 = arith.select %eq3A_7, %add3A_553, %add3A_456 : vector<16xi1>, vector<16xf32>
        %broadcast_in_dim3A_1724 = vector.shape_cast %xor3A_27 : vector<16xi32> to vector<16x1xi32>
        %gather3A_1725 = vector.shape_cast %broadcast_in_dim3A_1724 : vector<16x1xi32> to vector<16xi32>
        %gather3A_1726 = tpu.dynamic_gather %select_n3A_1723[%gather3A_1725] in [0] : vector<16xf32>, vector<16xi32> -> vector<16xf32>
        %add3A_1727 = arith.addf %select_n3A_1722, %gather3A_1726 : vector<16xf32>
        %select_n3A_1728 = arith.select %eq3A_7, %add3A_650, %add3A_747 : vector<16xi1>, vector<16xf32>
        %select_n3A_1729 = arith.select %eq3A_7, %add3A_747, %add3A_650 : vector<16xi1>, vector<16xf32>
        %broadcast_in_dim3A_1730 = vector.shape_cast %xor3A_27 : vector<16xi32> to vector<16x1xi32>
        %gather3A_1731 = vector.shape_cast %broadcast_in_dim3A_1730 : vector<16x1xi32> to vector<16xi32>
        %gather3A_1732 = tpu.dynamic_gather %select_n3A_1729[%gather3A_1731] in [0] : vector<16xf32>, vector<16xi32> -> vector<16xf32>
        %add3A_1733 = arith.addf %select_n3A_1728, %gather3A_1732 : vector<16xf32>
        %select_n3A_1734 = arith.select %eq3A_7, %add3A_844, %add3A_941 : vector<16xi1>, vector<16xf32>
        %select_n3A_1735 = arith.select %eq3A_7, %add3A_941, %add3A_844 : vector<16xi1>, vector<16xf32>
        %broadcast_in_dim3A_1736 = vector.shape_cast %xor3A_27 : vector<16xi32> to vector<16x1xi32>
        %gather3A_1737 = vector.shape_cast %broadcast_in_dim3A_1736 : vector<16x1xi32> to vector<16xi32>
        %gather3A_1738 = tpu.dynamic_gather %select_n3A_1735[%gather3A_1737] in [0] : vector<16xf32>, vector<16xi32> -> vector<16xf32>
        %add3A_1739 = arith.addf %select_n3A_1734, %gather3A_1738 : vector<16xf32>
        %select_n3A_1740 = arith.select %eq3A_7, %add3A_1038, %add3A_1135 : vector<16xi1>, vector<16xf32>
        %select_n3A_1741 = arith.select %eq3A_7, %add3A_1135, %add3A_1038 : vector<16xi1>, vector<16xf32>
        %broadcast_in_dim3A_1742 = vector.shape_cast %xor3A_27 : vector<16xi32> to vector<16x1xi32>
        %gather3A_1743 = vector.shape_cast %broadcast_in_dim3A_1742 : vector<16x1xi32> to vector<16xi32>
        %gather3A_1744 = tpu.dynamic_gather %select_n3A_1741[%gather3A_1743] in [0] : vector<16xf32>, vector<16xi32> -> vector<16xf32>
        %add3A_1745 = arith.addf %select_n3A_1740, %gather3A_1744 : vector<16xf32>
        %select_n3A_1746 = arith.select %eq3A_7, %add3A_1232, %add3A_1329 : vector<16xi1>, vector<16xf32>
        %select_n3A_1747 = arith.select %eq3A_7, %add3A_1329, %add3A_1232 : vector<16xi1>, vector<16xf32>
        %broadcast_in_dim3A_1748 = vector.shape_cast %xor3A_27 : vector<16xi32> to vector<16x1xi32>
        %gather3A_1749 = vector.shape_cast %broadcast_in_dim3A_1748 : vector<16x1xi32> to vector<16xi32>
        %gather3A_1750 = tpu.dynamic_gather %select_n3A_1747[%gather3A_1749] in [0] : vector<16xf32>, vector<16xi32> -> vector<16xf32>
        %add3A_1751 = arith.addf %select_n3A_1746, %gather3A_1750 : vector<16xf32>
        %select_n3A_1752 = arith.select %eq3A_7, %add3A_1426, %add3A_1523 : vector<16xi1>, vector<16xf32>
        %select_n3A_1753 = arith.select %eq3A_7, %add3A_1523, %add3A_1426 : vector<16xi1>, vector<16xf32>
        %broadcast_in_dim3A_1754 = vector.shape_cast %xor3A_27 : vector<16xi32> to vector<16x1xi32>
        %gather3A_1755 = vector.shape_cast %broadcast_in_dim3A_1754 : vector<16x1xi32> to vector<16xi32>
        %gather3A_1756 = tpu.dynamic_gather %select_n3A_1753[%gather3A_1755] in [0] : vector<16xf32>, vector<16xi32> -> vector<16xf32>
        %add3A_1757 = arith.addf %select_n3A_1752, %gather3A_1756 : vector<16xf32>
        %select_n3A_1758 = arith.select %eq3A_7, %add3A_1620, %add3A_1717 : vector<16xi1>, vector<16xf32>
        %select_n3A_1759 = arith.select %eq3A_7, %add3A_1717, %add3A_1620 : vector<16xi1>, vector<16xf32>
        %broadcast_in_dim3A_1760 = vector.shape_cast %xor3A_27 : vector<16xi32> to vector<16x1xi32>
        %gather3A_1761 = vector.shape_cast %broadcast_in_dim3A_1760 : vector<16x1xi32> to vector<16xi32>
        %gather3A_1762 = tpu.dynamic_gather %select_n3A_1759[%gather3A_1761] in [0] : vector<16xf32>, vector<16xi32> -> vector<16xf32>
        %add3A_1763 = arith.addf %select_n3A_1758, %gather3A_1762 : vector<16xf32>
        %select_n3A_1764 = arith.select %eq3A_13, %add3A_1721, %add3A_1727 : vector<16xi1>, vector<16xf32>
        %select_n3A_1765 = arith.select %eq3A_13, %add3A_1727, %add3A_1721 : vector<16xi1>, vector<16xf32>
        %broadcast_in_dim3A_1766 = vector.shape_cast %xor3A_30 : vector<16xi32> to vector<16x1xi32>
        %gather3A_1767 = vector.shape_cast %broadcast_in_dim3A_1766 : vector<16x1xi32> to vector<16xi32>
        %gather3A_1768 = tpu.dynamic_gather %select_n3A_1765[%gather3A_1767] in [0] : vector<16xf32>, vector<16xi32> -> vector<16xf32>
        %add3A_1769 = arith.addf %select_n3A_1764, %gather3A_1768 : vector<16xf32>
        %select_n3A_1770 = arith.select %eq3A_13, %add3A_1733, %add3A_1739 : vector<16xi1>, vector<16xf32>
        %select_n3A_1771 = arith.select %eq3A_13, %add3A_1739, %add3A_1733 : vector<16xi1>, vector<16xf32>
        %broadcast_in_dim3A_1772 = vector.shape_cast %xor3A_30 : vector<16xi32> to vector<16x1xi32>
        %gather3A_1773 = vector.shape_cast %broadcast_in_dim3A_1772 : vector<16x1xi32> to vector<16xi32>
        %gather3A_1774 = tpu.dynamic_gather %select_n3A_1771[%gather3A_1773] in [0] : vector<16xf32>, vector<16xi32> -> vector<16xf32>
        %add3A_1775 = arith.addf %select_n3A_1770, %gather3A_1774 : vector<16xf32>
        %select_n3A_1776 = arith.select %eq3A_13, %add3A_1745, %add3A_1751 : vector<16xi1>, vector<16xf32>
        %select_n3A_1777 = arith.select %eq3A_13, %add3A_1751, %add3A_1745 : vector<16xi1>, vector<16xf32>
        %broadcast_in_dim3A_1778 = vector.shape_cast %xor3A_30 : vector<16xi32> to vector<16x1xi32>
        %gather3A_1779 = vector.shape_cast %broadcast_in_dim3A_1778 : vector<16x1xi32> to vector<16xi32>
        %gather3A_1780 = tpu.dynamic_gather %select_n3A_1777[%gather3A_1779] in [0] : vector<16xf32>, vector<16xi32> -> vector<16xf32>
        %add3A_1781 = arith.addf %select_n3A_1776, %gather3A_1780 : vector<16xf32>
        %select_n3A_1782 = arith.select %eq3A_13, %add3A_1757, %add3A_1763 : vector<16xi1>, vector<16xf32>
        %select_n3A_1783 = arith.select %eq3A_13, %add3A_1763, %add3A_1757 : vector<16xi1>, vector<16xf32>
        %broadcast_in_dim3A_1784 = vector.shape_cast %xor3A_30 : vector<16xi32> to vector<16x1xi32>
        %gather3A_1785 = vector.shape_cast %broadcast_in_dim3A_1784 : vector<16x1xi32> to vector<16xi32>
        %gather3A_1786 = tpu.dynamic_gather %select_n3A_1783[%gather3A_1785] in [0] : vector<16xf32>, vector<16xi32> -> vector<16xf32>
        %add3A_1787 = arith.addf %select_n3A_1782, %gather3A_1786 : vector<16xf32>
        %select_n3A_1788 = arith.select %eq3A_19, %add3A_1769, %add3A_1775 : vector<16xi1>, vector<16xf32>
        %select_n3A_1789 = arith.select %eq3A_19, %add3A_1775, %add3A_1769 : vector<16xi1>, vector<16xf32>
        %broadcast_in_dim3A_1790 = vector.shape_cast %xor3A_33 : vector<16xi32> to vector<16x1xi32>
        %gather3A_1791 = vector.shape_cast %broadcast_in_dim3A_1790 : vector<16x1xi32> to vector<16xi32>
        %gather3A_1792 = tpu.dynamic_gather %select_n3A_1789[%gather3A_1791] in [0] : vector<16xf32>, vector<16xi32> -> vector<16xf32>
        %add3A_1793 = arith.addf %select_n3A_1788, %gather3A_1792 : vector<16xf32>
        %select_n3A_1794 = arith.select %eq3A_19, %add3A_1781, %add3A_1787 : vector<16xi1>, vector<16xf32>
        %select_n3A_1795 = arith.select %eq3A_19, %add3A_1787, %add3A_1781 : vector<16xi1>, vector<16xf32>
        %broadcast_in_dim3A_1796 = vector.shape_cast %xor3A_33 : vector<16xi32> to vector<16x1xi32>
        %gather3A_1797 = vector.shape_cast %broadcast_in_dim3A_1796 : vector<16x1xi32> to vector<16xi32>
        %gather3A_1798 = tpu.dynamic_gather %select_n3A_1795[%gather3A_1797] in [0] : vector<16xf32>, vector<16xi32> -> vector<16xf32>
        %add3A_1799 = arith.addf %select_n3A_1794, %gather3A_1798 : vector<16xf32>
        %select_n3A_1800 = arith.select %eq3A_25, %add3A_1793, %add3A_1799 : vector<16xi1>, vector<16xf32>
        %select_n3A_1801 = arith.select %eq3A_25, %add3A_1799, %add3A_1793 : vector<16xi1>, vector<16xf32>
        %broadcast_in_dim3A_1802 = vector.shape_cast %xor3A_36 : vector<16xi32> to vector<16x1xi32>
        %gather3A_1803 = vector.shape_cast %broadcast_in_dim3A_1802 : vector<16x1xi32> to vector<16xi32>
        %gather3A_1804 = tpu.dynamic_gather %select_n3A_1801[%gather3A_1803] in [0] : vector<16xf32>, vector<16xi32> -> vector<16xf32>
        %add3A_1805 = arith.addf %select_n3A_1800, %gather3A_1804 : vector<16xf32>
        %get3A_1806 = arith.index_cast %rem3A_94 : i32 to index
        %get3A_1807 = arith.index_cast %mul3A_166 : i32 to index
        %get3A_1808 = tpu.vector_load %arg13[%get3A_1806, %get3A_1807] {strides = array<i32>} : memref<2x128xf32, #tpu.memory_space<vmem>>, vector<1x16xf32>,
        %get3A_1809 = vector.shape_cast %get3A_1808 : vector<1x16xf32> to vector<16xf32>
        %add3A_1810 = arith.addf %add3A_1805, %get3A_1809 : vector<16xf32>
        %get3A_1811 = arith.index_cast %rem3A_94 : i32 to index
        %get3A_1812 = arith.index_cast %mul3A_166 : i32 to index
        %get3A_1813 = tpu.vector_load %arg14[%get3A_1811, %get3A_1812] {strides = array<i32>} : memref<2x128xf32, #tpu.memory_space<vmem>>, vector<1x16xf32>,
        %get3A_1814 = vector.shape_cast %get3A_1813 : vector<1x16xf32> to vector<16xf32>
        %add3A_1815 = arith.addf %add3A_1810, %get3A_1814 : vector<16xf32>
        %max3A = arith.maximumf %add3A_1815, %broadcast_in_dim3A_3 : vector<16xf32>
        %mul3A_1816 = arith.constant 128 : i32
        %mul3A_1817 = arith.muli %scan3A_93, %mul3A_1816 : i32
        %add3A_1818 = arith.addi %mul3A_1817, %mul3A_166 : i32
        %swap3A = arith.index_cast %add3A_1818 : i32 to index
        %swap3A_1819 = tpu.vector_load %arg15[%swap3A] {strides = array<i32>} : memref<512xf32, #tpu.memory_space<vmem>>, vector<16xf32>,
        %swap3A_1820 = vector.shape_cast %swap3A_1819 : vector<16xf32> to vector<16xf32>
        %swap3A_1821 = vector.shape_cast %max3A : vector<16xf32> to vector<16xf32>
        tpu.vector_store %arg15[%swap3A], %swap3A_1821 {strides = array<i32>} : memref<512xf32, #tpu.memory_space<vmem>>, vector<16xf32>,
      }
      %scan3A_163 = arith.constant 8 : i32
    }
    %scan3A_92 = arith.constant 4 : i32
    "tpu.region"() ({
      %run_scoped3A = tpu.sem_alloc : memref<!tpu.dma_semaphore, #tpu.memory_space<semaphore_mem>>
      %dma_start3A_93 = tpu.memref_slice %arg8[%mul3A_2] : memref<16384xf32, #tpu.memory_space<hbm>> -> memref<512xf32, #tpu.memory_space<hbm>>
      %dma_start3A_94 = tpu.memref_slice %arg8[%mul3A_2] : memref<16384xf32, #tpu.memory_space<hbm>> -> memref<512xf32, #tpu.memory_space<hbm>>
      tpu.enqueue_dma source(%arg15 : memref<512xf32, #tpu.memory_space<vmem>>) target(%dma_start3A_94 : memref<512xf32, #tpu.memory_space<hbm>>) target_semaphore(%run_scoped3A : memref<!tpu.dma_semaphore, #tpu.memory_space<semaphore_mem>>)
      %dma_wait3A = tpu.memref_slice %arg8[%mul3A_2] : memref<16384xf32, #tpu.memory_space<hbm>> -> memref<512xf32, #tpu.memory_space<hbm>>
      %dma_wait3A_95 = tpu.memref_slice %arg8[%mul3A_2] : memref<16384xf32, #tpu.memory_space<hbm>> -> memref<512xf32, #tpu.memory_space<hbm>>
      tpu.wait_dma2 semaphore(%run_scoped3A : memref<!tpu.dma_semaphore, #tpu.memory_space<semaphore_mem>>) src(%arg15 : memref<512xf32, #tpu.memory_space<vmem>>) dst(%dma_wait3A_95 : memref<512xf32, #tpu.memory_space<hbm>>)
      tpu.yield
    }) : () -> ()
    return
  }
}

</mosaic_0001>

<sc_bundles>
// kernel: kernel.3.cloned.1.call-start
scs
__scs_entry_jumppad:
0x0: {  	(pc) =	sbr.rel $0x88, $3  }
0x1: {  	(tag) =	ssettag $0x0;
	lr =	simm.s32 $0x1  }
0x2: {  	[smem:$0x3F9B] =	sst lr;
	_ =	strace $0xD0000000  }
0x3: {  	_ = 	snop  }
0x4: {  	_ = 	snop  }
0x5: {  	_ = 	snop  }
0x6: {  	_ = 	snop  }
0x7: {  	_ = 	snop  }
__scs_overlays_trampoline_lowered:
0x8: {  	[smem:$0x3FAA] =	sst s0  }
0x9: {  	[smem:$0x3FAB] =	sst s1  }
0xa: {  	[smem:$0x3FAC] =	sst s2  }
0xb: {  	[smem:$0x3FAD] =	sst s3  }
0xc: {  	[smem:$0x3FAE] =	sst s4  }
0xd: {  	[smem:$0x3FAF] =	sst s5  }
0xe: {  	[smem:$0x3FB0] =	sst s6  }
0xf: {  	[smem:$0x3FB1] =	sst s7  }
0x10: {  	[smem:$0x3FB2] =	sst s8  }
0x11: {  	[smem:$0x3FB3] =	sst s9;
	s0 =	simm.s32 @!p0 $0x0  }
0x12: {  	s1 =	sld [smem:$0x3F99];
	s0 =	simm.s32 @p0 $0x1  }
0x13: {  	[smem:$0x3FB4] =	sst s0;
	s0 =	simm.s32 @!p1 $0x0  }
0x14: {  	s2 =	sld [smem:$0x3F98];
	s0 =	simm.s32 @p1 $0x1  }
0x15: {  	[smem:$0x3FB5] =	sst s0;
	s0 =	simm.s32 @!p2 $0x0  }
0x16: {  	s3 =	sld [smem:$0x3FDB];
	s0 =	simm.s32 @p2 $0x1  }
0x17: {  	s4 =	simm.s32 $0x1BF5;
	[smem:$0x3FB7] =	sst s0  }
0x18: {  	s0 =	sld [smem:$0x3F9A];
	_ =	swait.ge [sflag:s4], $0x0  }
0x19: {  	s7 =	sld [smem:$0x3F9B]  }
0x1a: {  	s8 =	sadd.s32 $0xFFFFE003, lr  }
0x1b: {  	s9 =	sadd.s32 $0xFFFFFEF7, lr;
	s5 =	simm.s32 $0xFFFFFFFF;
	p2 =	slt.u32 s8, $0xFFFFF086  }
0x1c: {  	p1 =	slt.u32 s9, $0xF7A;
	s5 =	simm.s32 @!p2 $0x0  }
0x1d: {  	s5 =	simm.s32 @p1 $0x1;
	p0 =	seq.s32 s7, s2  }
0x1e: {  	s7 =	smul.u32 @!p0 $0xF7A, s2;
	p2 =	seq.s32 @!p0 s5, $0x0  }
0x1f: {  	s9 =	smul.u32 $0xF7A, s1;
	s8 =	simm.s32 @!p0 $0x1BF5;
	p2 =	por !p2, p0  }
0x20: {  	[sflag:s8] =	ssyncset.s32 @!p0 $0xFFFFF086;
	s6 =	sadd.s32 @!p0 s3, s7;
	s7 =	simm.s32 @!p0 $0x108  }
0x21: {  	s3 =	sadd.s32 s3, s9;
	s6 =	sadd.s32 @!p0 $0x88, s6;
	s7 =	simm.s32 @p2 $0x1082  }
0x22: {  	[simem:s7], [sflag:s8] =	dma.local @!p0 [hbm:s6], $0xF7A  }
0x23: {  	s9 =	sor.u32 $0xD0000000, s2;
	s6 =	simm.s32 $0x108;
	_ =	swait.ge @!p0 [sflag:s8], $0x0  }
0x24: {  	s3 =	sadd.s32 $0x88, s3;
	s6 =	simm.s32 @!p1 $0x1082;
	[sflag:s4] =	ssyncset.s32 $0xFFFFF086  }
0x25: {  	[simem:s6], [sflag:s4] =	dma.local [hbm:s3], $0xF7A  }
0x26: {  	[smem:$0x3F9B] =	sst s1;
	(tag) =	ssettag s2;
	_ =	strace s9  }
0x27: {  	s1 =	sld [smem:$0x3FAB]  }
0x28: {  	s2 =	sld [smem:$0x3FAC]  }
0x29: {  	s4 =	sld [smem:$0x3FAE]  }
0x2a: {  	p0 =	seq.s32 s5, $0x0;
	s5 =	sld [smem:$0x3FAF]  }
0x2b: {  	s6 =	sld [smem:$0x3FB0]  }
0x2c: {  	s7 =	sld [smem:$0x3FB1]  }
0x2d: {  	s3 =	simm.s32 $0x108;
	s8 =	sld [smem:$0x3FB2]  }
0x2e: {  	s3 =	simm.s32 @!p0 $0x1082;
	s9 =	sld [smem:$0x3FB3]  }
0x2f: {  	lr =	sadd.s32 s0, s3;
	s0 =	sld [smem:$0x3FAA]  }
0x30: {  	s3 =	sld [smem:$0x3FAD]  }
0x31: {  	[smem:$0x3FB6] =	sst s10  }
0x32: {  	s10 =	sld [smem:$0x3FB4];
	_ =	sdelay $0x3  }
0x33: {  	p0 =	seq.s32 s10, $0x1;
	s10 =	sld [smem:$0x3FB6];
	_ =	sdelay $0x3  }
0x34: {  	[smem:$0x3FB6] =	sst s10  }
0x35: {  	s10 =	sld [smem:$0x3FB5];
	_ =	sdelay $0x3  }
0x36: {  	p1 =	seq.s32 s10, $0x1;
	s10 =	sld [smem:$0x3FB6];
	_ =	sdelay $0x3  }
0x37: {  	[smem:$0x3FB6] =	sst s10  }
0x38: {  	s10 =	sld [smem:$0x3FB7]  }
0x39: {  	_ = 	snop;
	(pc) =	sbr.ind lr, $3  }
0x3a: {  	_ = 	snop  }
0x3b: {  	_ = 	snop  }
0x3c: {  	p2 =	seq.s32 s10, $0x1;
	s10 =	sld [smem:$0x3FB6]  }
0x3d: {  	_ =	shalt  }
0x3e: {  	_ =	shalt  }
0x3f: {  	_ =	shalt  }
0x40: {  	_ =	shalt  }
0x41: {  	_ =	shalt  }
0x42: {  	_ =	shalt  }
0x43: {  	_ =	shalt  }
0x44: {  	_ =	shalt  }
0x45: {  	_ =	shalt  }
0x46: {  	_ =	shalt  }
0x47: {  	_ =	shalt  }
0x48: {  	_ =	shalt  }
0x49: {  	_ =	shalt  }
0x4a: {  	_ =	shalt  }
0x4b: {  	_ =	shalt  }
0x4c: {  	_ =	shalt  }
0x4d: {  	_ =	shalt  }
0x4e: {  	_ =	shalt  }
0x4f: {  	_ =	shalt  }
0x50: {  	_ =	shalt  }
0x51: {  	_ =	shalt  }
0x52: {  	_ =	shalt  }
0x53: {  	_ =	shalt  }
0x54: {  	_ =	shalt  }
0x55: {  	_ =	shalt  }
0x56: {  	_ =	shalt  }
0x57: {  	_ =	shalt  }
0x58: {  	_ =	shalt  }
0x59: {  	_ =	shalt  }
0x5a: {  	_ =	shalt  }
0x5b: {  	_ =	shalt  }
0x5c: {  	_ =	shalt  }
0x5d: {  	_ =	shalt  }
0x5e: {  	_ =	shalt  }
0x5f: {  	_ =	shalt  }
0x60: {  	_ =	shalt  }
0x61: {  	_ =	shalt  }
0x62: {  	_ =	shalt  }
0x63: {  	_ =	shalt  }
0x64: {  	_ =	shalt  }
0x65: {  	_ =	shalt  }
0x66: {  	_ =	shalt  }
0x67: {  	_ =	shalt  }
0x68: {  	_ =	shalt  }
0x69: {  	_ =	shalt  }
0x6a: {  	_ =	shalt  }
0x6b: {  	_ =	shalt  }
0x6c: {  	_ =	shalt  }
0x6d: {  	_ =	shalt  }
0x6e: {  	_ =	shalt  }
0x6f: {  	_ =	shalt  }
0x70: {  	_ =	shalt  }
0x71: {  	_ =	shalt  }
0x72: {  	_ =	shalt  }
0x73: {  	_ =	shalt  }
0x74: {  	_ =	shalt  }
0x75: {  	_ =	shalt  }
0x76: {  	_ =	shalt  }
0x77: {  	_ =	shalt  }
0x78: {  	_ =	shalt  }
0x79: {  	_ =	shalt  }
0x7a: {  	_ =	shalt  }
0x7b: {  	_ =	shalt  }
0x7c: {  	_ =	shalt  }
0x7d: {  	_ =	shalt  }
0x7e: {  	_ =	shalt  }
0x7f: {  	_ =	shalt  }
0x80: {  	_ =	shalt  }
0x81: {  	_ =	shalt  }
0x82: {  	_ =	shalt  }
0x83: {  	_ =	shalt  }
0x84: {  	_ =	shalt  }
0x85: {  	_ =	shalt  }
0x86: {  	_ =	shalt  }
0x87: {  	_ =	shalt  }
.Lfunc_end0:
.L_simem_size_0:
called_computation_lowered:
.L_overlay_start_0:
0x88: {  	s2 =	sld [smem:$0x3FD9]  }
0x89: {  	s3 =	sld [smem:$0x3FFE];
	_ =	sdelay $0x1  }
0x8a: {  	s1 =	srdreg.scid  }
0x8b: {  	s0 =	sand.u32 $0x1, s1  }
0x8c: {  	s17 =	sshll.u32 s0, $0xA;
	s2 =	sadd.s32 s3, s2  }
0x8d: {  	s2 =	sadd.s32 s2, s17  }
0x8e: {  	[smem:$0x3FC2] =	sst s2  }
0x8f: {  	_ = 	snop  }
0x90: {  	s2 =	sld [smem:$0x3FC9]  }
0x91: {  	s18 =	sld [smem:$0x3FC8]  }
0x92: {  	s4 =	sld [smem:$0x3FC7]  }
0x93: {  	s5 =	sld [smem:$0x3FC6]  }
0x94: {  	s6 =	sld [smem:$0x3FD0];
	(tm) =	ssettm $0x1  }
0x95: {  	s7 =	sld [smem:$0x3FFB];
	_ =	sdelay $0x3  }
0x96: {  	_ =	strace s7  }
0x97: {  	s7 =	sld [smem:$0x3FFC];
	_ =	sdelay $0x3  }
0x98: {  	_ =	strace s7  }
0x99: {  	s7 =	sld [smem:$0x3FFD];
	_ =	sdelay $0x3  }
0x9a: {  	_ =	strace s7  }
0x9b: {  	_ =	strace $0x8FFFFFFF  }
0x9c: {  	s19 =	sld [smem:$0x3FDB];
	_ =	sdelay $0x1  }
0x9d: {  	s8 =	simm.s32 $_scs_section_size  }
0x9e: {  	s9 =	simm.s32 $_size__tile_overlayer_lowered;
	s10 =	simm.s32 $_tile_overlayer_lowered  }
0x9f: {  	s22 =	simm.s32 $0x1BFF;
	s21 =	sshll.u32 s10, $0x1;
	s7 =	sadd.s32 s8, s19  }
0xa0: {  	s11 =	simm.s32 $0x0;
	s20 =	sshll.u32 s9, $0x1;
	s9 =	sadd.s32 s21, s7  }
0xa1: {  	[timem:s11], [sflag:s22] =	dma.local [hbm:s9], s20  }
0xa2: {  	_ =	swait.ge [sflag:s22], s20  }
0xa3: {  	s8 =	ssub.s32 $0x0, s20;
	[sflag:s22] =	ssyncset.done $0x0  }
0xa4: {  	[sflag:s22] =	ssyncadd.s32 s8;
	_ =	sdelay $0x1  }
0xa5: {  	s23 =	simm.s32 $0x1B8B  }
0xa6: {  	_ =	swait.ge [sflag:s23], $0x1  }
0xa7: {  	[sflag:s23] =	ssyncset.done $0x0  }
0xa8: {  	s25 =	simm.s32 $0x1B8E;
	s24 =	sld [smem:$0x3FFE];
	[sflag:s23] =	ssyncadd.s32 $0xFFFFFFFF  }
0xa9: {  	s26 =	simm.s32 $execute0_lowered;
	[smem:$0x3FD2] =	sst s25  }
0xaa: {  	s9 =	sshll.u32 s26, $0x1;
	_ =	strace $0x80000046;
	[dreg:$0x1] =	wrdreg $0xFFFFFFFF  }
0xab: {  	s28 =	simm.s32 $_size_execute0_lowered;
	s7 =	sadd.s32 s7, s9;
	[dreg:$0x0] =	wrdreg $0x0  }
0xac: {  	s9 =	sshll.u32 s28, $0x1;
	[dreg:$0x2] =	wrdreg s7  }
0xad: {  	[dreg:$0x3] =	wrdreg s9  }
0xae: {  	[dreg:$0x4] =	wrdreg $0xC0  }
0xaf: {  	_ =	task [dreg:s11], $0x5FFFF  }
0xb0: {  	[dreg:$0x1] =	wrdreg $0xFFFFFFFF  }
0xb1: {  	[dreg:$0x0] =	wrdreg $0x60  }
0xb2: {  	[dreg:$0x2] =	wrdreg s2  }
0xb3: {  	[dreg:$0x3] =	wrdreg s18  }
0xb4: {  	[dreg:$0x4] =	wrdreg s4  }
0xb5: {  	[dreg:$0x5] =	wrdreg s5  }
0xb6: {  	[dreg:$0x6] =	wrdreg s24  }
0xb7: {  	[dreg:$0x7] =	wrdreg s6  }
0xb8: {  	[dreg:$0x8] =	wrdreg $0x9  }
0xb9: {  	_ =	task.clear_ibuf [dreg:s11], $0x9FFFF;
	_ =	strace $0x90000046  }
0xba: {  	s29 =	simm.s32 $0x9;
	_ =	strace $0x80000048  }
0xbb: {  	_ =	swait.ge [sflag:s29], $0x1  }
0xbc: {  	[sflag:s29] =	ssyncadd.s32 $0xFFFFFFFF  }
0xbd: {  	_ =	strace $0x90000048  }
0xbe: {  	_ =	sfence  }
0xbf: {  	s30 =	sld [smem:$0x0];
	_ =	sdelay $0x2  }
0xc0: {  	s31 =	sshll.u32 s1, $0xD;
	s1 =	sshrl.u32 s1, $0x2  }
0xc1: {  	s3 =	sand.u32 $0x4000, s31;
	s1 =	sadd.s32 s1, s30  }
0xc2: {  	s0 =	sor.u32 s3, s0;
	s1 =	sshll.u32 s1, $0x11  }
0xc3: {  	s0 =	sor.u32 s1, s0  }
0xc4: {  	s0 =	sadd.s32 $0x8F2B, s0  }
0xc5: {  	[sflag:s0] =	ssyncadd.remote.s32 $0x1  }
0xc6: {  	_ =	sfence.sel $0xFFFF  }
0xc7: {  	[dreg:$0x0] =	wrdreg $0xFFFFFFFF;
	(pc) =	sbr.abs _section_cstart, $3  }
0xc8: {  	[dreg:$0x1] =	wrdreg $0xFFFFFFFF  }
0xc9: {  	_ =	task.clear_ibuf [dreg:s11], $0x2FFFF;
	_ =	strace $0x9FFFFFFF  }
0xca: {  	(tm) =	ssettm $0x7FFFFFFF  }
0xcb: {  	_ =	shalt  }
tec
execute0_lowered:
.L_overlay_start_1:
0x0: {  	(tag) =	ssettag $0x1  }
0x1: {  	v0 =	vimm.s32 $0x76543210;
	v1 =	vimm.s32 $0xFEDCBA98;
	v2 =	vimm.s32 $0xBA98FEDC  }
0x2: {  	v3 =	vimm.s32 $0x32107654;
	vm0 =	vcmask $0x2F20;
	vm1 =	vcmask $0xF00  }
0x3: {  	vm2 =	vcmask $0x700;
	v61 =	vimm.s32 $0xDCFE98BA;
	v62 =	vimm.s32 $0x54761032  }
0x4: {  	vm3 =	vcmask $0x300;
	vm4 =	vcmask $0x2720;
	v63 =	vimm.s32 $0xEFCDAB89  }
0x5: {  	v4 =	vimm.s32 $0x67452301;
	v2 =	vunpack.c.l.s4.s8 v2;
	v3 =	vunpack.c.l.s4.s8 v3  }
0x6: {  	v1 =	vunpack.c.l.s4.s8 v1;
	v0 =	vunpack.c.l.s4.s8 v0;
	vm0 =	vmor vm1, vm0  }
0x7: {  	s3 =	rddreg [dreg:$0x0];
	vm1 =	vcmask $0x1710;
	v2 =	vunpack.c.0.s8.s32 v2;
	v3 =	vunpack.c.0.s8.s32 v3  }
0x8: {  	s5 =	rddreg [dreg:$0x1];
	v4 =	vunpack.c.l.s4.s8 v4;
	vm1 =	vmor vm2, vm1;
	vm2 =	vcmask $0xB08  }
0x9: {  	s0 =	rddreg [dreg:$0x2];
	v60 =	vcombine.low v3, v2;
	v2 =	vunpack.c.l.s4.s8 v61;
	v3 =	vunpack.c.l.s4.s8 v62  }
0xa: {  	s1 =	rddreg [dreg:$0x3];
	v1 =	vunpack.c.0.s8.s32 v1;
	v0 =	vunpack.c.0.s8.s32 v0;
	vm2 =	vmor vm3, vm2  }
0xb: {  	s2 =	rddreg [dreg:$0x4];
	vm3 =	vcmask $0x1310;
	v2 =	vunpack.c.0.s8.s32 v2;
	v3 =	vunpack.c.0.s8.s32 v3  }
0xc: {  	s7 =	rddreg [dreg:$0x5];
	s4 =	simm.s32 $0x0;
	s6 =	srdreg.scid;
	vm1 =	vmor vm1, vm4;
	vm4 =	vcmask $0x3730;
	vm2 =	vmor vm2, vm3  }
0xd: {  	s9 =	stileid.u32;
	s11 =	simm.s32 $0x9;
	s12 =	simm.s32 $0x200;
	vm3 =	vcmask $0x1B18;
	v2 =	vcombine.low v3, v2;
	v3 =	vunpack.c.l.s4.s8 v63  }
0xe: {  	s13 =	simm.s32 $0x80;
	[smem:$0x7FF] =	sst s4;
	s6 =	sand.u32 $0x1, s6;
	v4 =	vunpack.c.0.s8.s32 v4;
	vm2 =	vmor vm2, vm3;
	vm3 =	vcmask $0x2320  }
0xf: {  	s9 =	sshll.u32 s9, $0x7;
	s8 =	ssub.s32 $0x2, s6;
	s6 =	sshll.u32 s6, $0x6;
	vm2 =	vmor vm2, vm3;
	vm3 =	vcmask $0x2B28;
	v3 =	vunpack.c.0.s8.s32 v3  }
0x10: {  	s19 =	simm.s32 $0x0;
	_ =	strace $0x80000047;
	s9 =	sor.u32 s6, s9;
	vm1 =	vmor vm1, vm4;
	vm2 =	vmor vm2, vm3;
	v12 =	vand.u32 $0xF, v60  }
0x11: {  	s10 =	sshrl.u32 s8, $0x1;
	s6 =	sadd.s32 $0x3200, s2;
	s3 =	sadd.s32 s3, s9;
	vm3 =	vcmask $0x3330;
	[tilespmem:$0x1FFD0] =	vst v12;
	v6 =	vand.u32 $0xF, v2;
	v4 =	vcombine.low v4, v3  }
0x12: {  	s10 =	ssub.s32 s8, s10;
	s31 =	sadd.s32 s5, s9;
	v1 =	vand.u32 $0xF, v1;
	[dreg:$0x9] =	wrdreg s3;
	vm2 =	vmor vm2, vm3;
	vm3 =	vcmask $0x3B38;
	[tilespmem:$0x1FFE0] =	vst v6  }
0x13: {  	s9 =	sadd.s32 s7, s9;
	[dreg:$0xa] =	wrdreg s31;
	s10 =	smax.u32 s10, $0x1;
	v13 =	vcombine.low v1, v0;
	vm2 =	vmor vm2, vm3;
	vm3 =	vmmov $0xff;
	[tilespmem:$0x1FFF0] =	vst v4  }
.LBB2_1:
0x14: {  	s3 =	rddreg [dreg:$0x9]  }
0x15: {  	[tilespmem:s4], [sflag:$0x9] =	stream.linear.gather [hbm4b:s3+s4], $0x200, $0x38;
	[tilespmem:$0x10800] =	vst v63  }
0x16: {  	_ =	swait.ge [sflag:s11], $0x200  }
0x17: {  	[sflag:s11] =	ssyncset.done $0x0  }
0x18: {  	s26 =	rddreg [dreg:$0xa];
	[sflag:s11] =	ssyncadd.s32 $0xFFFFFE00  }
0x19: {  	[tilespmem:s12], [sflag:$0x9] =	stream.linear.gather [hbm4b:s26+s4], $0x200, $0x38;
	[tilespmem:$0x10800] =	vst v63  }
0x1a: {  	_ =	swait.ge [sflag:s11], $0x200  }
0x1b: {  	[sflag:s11] =	ssyncset.done $0x0  }
0x1c: {  	s28 =	simm.s32 $0x400;
	[sflag:s11] =	ssyncadd.s32 $0xFFFFFE00  }
0x1d: {  	[tilespmem:s28], [sflag:$0x1] =	stream.indirect.gather [hbm4b:s0+s13], $0x80, s4, s13, $0xb8;
	[tilespmem:$0x10800] =	vst v63  }
0x1e: {  	s29 =	simm.s32 $0x8400  }
0x1f: {  	[tilespmem:s29], [sflag:$0x2] =	stream.indirect.gather [hbm4b:s1+s13], $0x80, s12, s13, $0xb8;
	[tilespmem:$0x10800] =	vst v63  }
0x20: {  	s30 =	simm.s32 $0x10400  }
0x21: {  	[tilespmem:s30], [sflag:$0x3] =	stream.indirect.gather [hbm4b:s2+s13], $0x1, s4, s13, $0xb8;
	[tilespmem:$0x10800] =	vst v63  }
0x22: {  	s31 =	simm.s32 $0x10500;
	s20 =	simm.s32 $0x0  }
0x23: {  	[tilespmem:s31], [sflag:$0x4] =	stream.indirect.gather [hbm4b:s6+s13], $0x1, s12, s13, $0xb8;
	[tilespmem:$0x10800] =	vst v63  }
.LBB2_3:
0x24: {  	s7 =	sand.u32 $0x1, s20;
	p0 =	seq.s32 s20, $0x3  }
0x25: {  	s3 =	smov.u32 s20;
	s20 =	sadd.s32 $0x1, s20;
	s5 =	sxor.u32 @!p0 $0x1, s7  }
0x26: {  	s17 =	sshll.u32 @!p0 s20, $0x7;
	s14 =	sshll.u32 @!p0 s5, $0xE;
	s16 =	sshll.u32 @!p0 s5, $0x2  }
0x27: {  	s21 =	simm.s32 @!p0 $0x80;
	s15 =	sor.u32 @!p0 $0x400, s14;
	s18 =	sor.u32 @!p0 $0x1, s16  }
0x28: {  	[tilespmem:s15], [sflag:s18] =	stream.indirect.gather @!p0 [hbm4b:s0+s21], $0x80, s17, s21, $0xb8;
	[tilespmem:$0x10800] =	vst v63  }
0x29: {  	s14 =	sor.u32 @!p0 $0x8400, s14;
	s15 =	sadd.s32 @!p0 $0x200, s17;
	s18 =	sor.u32 @!p0 $0x2, s16  }
0x2a: {  	[tilespmem:s14], [sflag:s18] =	stream.indirect.gather @!p0 [hbm4b:s1+s21], $0x80, s15, s21, $0xb8;
	[tilespmem:$0x10800] =	vst v63  }
0x2b: {  	s23 =	sshll.u32 s7, $0x2;
	s26 =	sshllo.u32 s7, $0x2;
	s14 =	sshll.u32 @!p0 s5, $0x7  }
0x2c: {  	s24 =	sor.u32 $0x1, s23;
	s5 =	sshllo.u32 @!p0 s5, $0x2;
	s18 =	sor.u32 @!p0 $0x10400, s14  }
0x2d: {  	[tilespmem:s18], [sflag:s5] =	stream.indirect.gather @!p0 [hbm4b:s2+s21], $0x1, s17, s21, $0xb8;
	[tilespmem:$0x10800] =	vst v63  }
0x2e: {  	s5 =	sor.u32 @!p0 $0x10500, s14;
	s14 =	sadd.s32 @!p0 $0x4, s16;
	s16 =	sshll.u32 s3, $0x7  }
0x2f: {  	[tilespmem:s5], [sflag:s14] =	stream.indirect.gather @!p0 [hbm4b:s6+s21], $0x1, s15, s21, $0xb8;
	[tilespmem:$0x10800] =	vst v63  }
0x30: {  	s25 =	sor.u32 $0x2, s23;
	s17 =	sand.u32 $0x3FFFFF80, s16;
	_ =	swait.ge [sflag:s24], $0x4000  }
0x31: {  	s16 =	simm.s32 $0x0;
	s5 =	sadd.s32 $0x4, s23;
	[sflag:s24] =	ssyncset.done $0x0  }
0x32: {  	s21 =	sshll.u32 s7, $0xE;
	s7 =	sshll.u32 s7, $0x7;
	[sflag:s24] =	ssyncadd.s32 $0xFFFFC000  }
0x33: {  	s18 =	sadd.s32 $0x10600, s17;
	s8 =	sor.u32 $0x400, s21;
	_ =	swait.ge [sflag:s25], $0x4000  }
0x34: {  	s15 =	sor.u32 $0x200, s21;
	s22 =	sor.u32 $0x600, s21;
	[sflag:s25] =	ssyncset.done $0x0  }
0x35: {  	s23 =	sor.u32 $0x100, s21;
	s28 =	sor.u32 $0x80, s21;
	[sflag:s25] =	ssyncadd.s32 $0xFFFFC000  }
0x36: {  	s29 =	sor.u32 $0x480, s21;
	s30 =	sor.u32 $0x280, s21;
	_ =	swait.ge [sflag:s26], $0x80  }
0x37: {  	s31 =	sor.u32 $0x680, s21;
	s3 =	sor.u32 $0x180, s21;
	[sflag:s26] =	ssyncset.done $0x0  }
0x38: {  	s14 =	sor.u32 $0x380, s21;
	s24 =	sor.u32 $0x500, s21;
	[sflag:s26] =	ssyncadd.s32 $0xFFFFFF80  }
0x39: {  	v0 =	vmov s7;
	s25 =	sor.u32 $0x300, s21;
	_ =	swait.ge [sflag:s5], $0x80;
	[dreg:$0x7] =	wrdreg s8  }
0x3a: {  	v63 =	vmov s18;
	s26 =	sor.u32 $0x700, s21;
	[dreg:$0x8] =	wrdreg s15;
	[sflag:s5] =	ssyncset.done $0x0;
	[tilespmem:$0x1FFB0] =	vst v0  }
0x3b: {  	s15 =	sor.u32 $0x780, s21;
	[tilespmem:$0x1FFC0] =	vst v63;
	[sflag:s5] =	ssyncadd.s32 $0xFFFFFF80;
	s5 =	sor.u32 $0x580, s21  }
.LBB2_4:
0x3c: {  	s17 =	sshll.u32 s16, $0xB  }
0x3d: {  	s7 =	sor.u32 s21, s17  }
0x3e: {  	v37 =	vld [tilespmem:s7+$0x400]  }
0x3f: {  	v47 =	vld [tilespmem:s7+$0x8400]  }
0x40: {  	v31 =	vld [tilespmem:s7+$0x410]  }
0x41: {  	v1 =	vld [tilespmem:s7+$0x440]  }
0x42: {  	v28 =	vld [tilespmem:s7+$0x8440]  }
0x43: {  	v29 =	vld [tilespmem:s7+$0x450]  }
0x44: {  	v30 =	vld [tilespmem:s7+$0x8450]  }
0x45: {  	v24 =	vld [tilespmem:s7+$0x8410]  }
0x46: {  	v46 =	vld [tilespmem:s7+$0x420];
	[tilespmem:$0x1F7F0] =	vst v1  }
0x47: {  	v52 =	vld [tilespmem:s7+$0x8420];
	[tilespmem:$0x1F800] =	vst v28  }
0x48: {  	v45 =	vld [tilespmem:s7+$0x430];
	[tilespmem:$0x1F810] =	vst v29  }
0x49: {  	v0 =	vld [tilespmem:s7+$0x8430];
	[tilespmem:$0x1F820] =	vst v30  }
0x4a: {  	v1 =	vld [tilespmem:s7+$0x460]  }
0x4b: {  	v32 =	vld [tilespmem:s7+$0x8460]  }
0x4c: {  	s18 =	rddreg [dreg:$0x7];
	v33 =	vld [tilespmem:s7+$0x470]  }
0x4d: {  	v34 =	vld [tilespmem:s7+$0x8470];
	s18 =	sor.u32 s18, s17  }
0x4e: {  	v8 =	vld [tilespmem:s18+$0x400]  }
0x4f: {  	v7 =	vld [tilespmem:s18+$0x8400]  }
0x50: {  	v5 =	vld [tilespmem:s18+$0x410]  }
0x51: {  	v4 =	vld [tilespmem:s18+$0x8410]  }
0x52: {  	v59 =	vld [tilespmem:s18+$0x420]  }
0x53: {  	v9 =	vld [tilespmem:s18+$0x8420]  }
0x54: {  	v22 =	vld [tilespmem:s18+$0x430]  }
0x55: {  	v21 =	vld [tilespmem:s18+$0x8430]  }
0x56: {  	v30 =	vld [tilespmem:s18+$0x8440]  }
0x57: {  	v35 =	vld [tilespmem:s18+$0x450]  }
0x58: {  	v62 =	vld [tilespmem:s18+$0x8450]  }
0x59: {  	v36 =	vld [tilespmem:s18+$0x460]  }
0x5a: {  	v38 =	vld [tilespmem:s18+$0x8460]  }
0x5b: {  	v39 =	vld [tilespmem:s18+$0x470]  }
0x5c: {  	s8 =	rddreg [dreg:$0x8];
	v40 =	vld [tilespmem:s18+$0x8470]  }
0x5d: {  	[tilespmem:$0x1F850] =	vst v33;
	v33 =	vld [tilespmem:s18+$0x440];
	s18 =	sor.u32 s8, s17  }
0x5e: {  	v15 =	vld [tilespmem:s18+$0x400]  }
0x5f: {  	v11 =	vld [tilespmem:s18+$0x8400]  }
0x60: {  	v12 =	vld [tilespmem:s18+$0x410]  }
0x61: {  	v10 =	vld [tilespmem:s18+$0x8410]  }
0x62: {  	v26 =	vld [tilespmem:s18+$0x420]  }
0x63: {  	v23 =	vld [tilespmem:s18+$0x8420]  }
0x64: {  	v44 =	vld [tilespmem:s18+$0x430]  }
0x65: {  	v43 =	vld [tilespmem:s18+$0x8430]  }
0x66: {  	v41 =	vld [tilespmem:s18+$0x440]  }
0x67: {  	v42 =	vld [tilespmem:s18+$0x8440]  }
0x68: {  	v48 =	vld [tilespmem:s18+$0x450]  }
0x69: {  	v49 =	vld [tilespmem:s18+$0x8450]  }
0x6a: {  	v50 =	vld [tilespmem:s18+$0x460]  }
0x6b: {  	v51 =	vld [tilespmem:s18+$0x8460]  }
0x6c: {  	v53 =	vld [tilespmem:s18+$0x470]  }
0x6d: {  	s8 =	sor.u32 s22, s17;
	v54 =	vld [tilespmem:s18+$0x8470]  }
0x6e: {  	v6 =	vld [tilespmem:s8+$0x400]  }
0x6f: {  	v2 =	vld [tilespmem:s8+$0x8400]  }
0x70: {  	v3 =	vld [tilespmem:s8+$0x410]  }
0x71: {  	[tilespmem:$0x1F830] =	vst v1;
	v1 =	vld [tilespmem:s8+$0x8410]  }
0x72: {  	v16 =	vld [tilespmem:s8+$0x420]  }
0x73: {  	v14 =	vld [tilespmem:s8+$0x8420]  }
0x74: {  	[tilespmem:$0x1F860] =	vst v34;
	v34 =	vld [tilespmem:s8+$0x430]  }
0x75: {  	v27 =	vld [tilespmem:s8+$0x8430]  }
0x76: {  	v17 =	vld [tilespmem:s8+$0x450]  }
0x77: {  	v55 =	vld [tilespmem:s8+$0x8450]  }
0x78: {  	v56 =	vld [tilespmem:s8+$0x460]  }
0x79: {  	v57 =	vld [tilespmem:s8+$0x8460]  }
0x7a: {  	v58 =	vld [tilespmem:s8+$0x470]  }
0x7b: {  	v60 =	vld [tilespmem:s8+$0x8470];
	s18 =	sor.u32 s23, s17  }
0x7c: {  	v61 =	vld [tilespmem:s18+$0x430]  }
0x7d: {  	v63 =	vld [tilespmem:s18+$0x8430]  }
0x7e: {  	v20 =	vld [tilespmem:s18+$0x440]  }
0x7f: {  	[tilespmem:$0x1F840] =	vst v32;
	v32 =	vld [tilespmem:s18+$0x8440]  }
0x80: {  	[tilespmem:$0x1F870] =	vst v35;
	v35 =	vld [tilespmem:s18+$0x450]  }
0x81: {  	[tilespmem:$0x1F880] =	vst v36;
	v36 =	vld [tilespmem:s18+$0x8450]  }
0x82: {  	[tilespmem:$0x1F8D0] =	vst v40;
	v40 =	vld [tilespmem:s18+$0x8460]  }
0x83: {  	[tilespmem:$0x1F980] =	vst v53;
	v53 =	vld [tilespmem:s8+$0x440]  }
0x84: {  	[tilespmem:$0x1F910] =	vst v51;
	v51 =	vld [tilespmem:s8+$0x8440]  }
0x85: {  	[tilespmem:$0x1F8A0] =	vst v41;
	v41 =	vld [tilespmem:s18+$0x470]  }
0x86: {  	[tilespmem:$0x1F8E0] =	vst v48;
	s8 =	sor.u32 s24, s17;
	v48 =	vld [tilespmem:s18+$0x8470]  }
0x87: {  	[tilespmem:$0x1F9A0] =	vst v20;
	v20 =	vld [tilespmem:s8+$0x400]  }
0x88: {  	v18 =	vld [tilespmem:s8+$0x8400]  }
0x89: {  	v19 =	vld [tilespmem:s8+$0x410]  }
0x8a: {  	[tilespmem:$0x1F920] =	vst v17;
	v17 =	vld [tilespmem:s8+$0x8410]  }
0x8b: {  	[tilespmem:$0x1F9E0] =	vst v35;
	v35 =	vld [tilespmem:s8+$0x420]  }
0x8c: {  	[tilespmem:$0x1F9D0] =	vst v60;
	v60 =	vld [tilespmem:s8+$0x470]  }
0x8d: {  	[tilespmem:$0x1F9B0] =	vst v32;
	v32 =	vld [tilespmem:s8+$0x8420]  }
0x8e: {  	[tilespmem:$0x1F940] =	vst v56;
	v56 =	vld [tilespmem:s8+$0x430]  }
0x8f: {  	[tilespmem:$0x1F9F0] =	vst v36;
	v36 =	vld [tilespmem:s8+$0x440]  }
0x90: {  	s7 =	sor.u32 s25, s17;
	[tilespmem:$0x1F900] =	vst v50;
	v50 =	vld [tilespmem:s8+$0x8440]  }
0x91: {  	[tilespmem:$0x1FB40] =	vst v60;
	v60 =	vld [tilespmem:s7+$0x440]  }
0x92: {  	[tilespmem:$0x1F990] =	vst v54;
	v54 =	vld [tilespmem:s8+$0x450]  }
0x93: {  	[tilespmem:$0x1F930] =	vst v55;
	v55 =	vld [tilespmem:s8+$0x8450]  }
0x94: {  	[tilespmem:$0x1F950] =	vst v57;
	v57 =	vld [tilespmem:s8+$0x460]  }
0x95: {  	[tilespmem:$0x1F9C0] =	vst v58;
	v58 =	vld [tilespmem:s8+$0x8460]  }
0x96: {  	[tilespmem:$0x1FB00] =	vst v60;
	v60 =	vld [tilespmem:s7+$0x8470]  }
0x97: {  	[tilespmem:$0x1F960] =	vst v61;
	v61 =	vld [tilespmem:s8+$0x8470]  }
0x98: {  	[tilespmem:$0x1F970] =	vst v63;
	v63 =	vld [tilespmem:s7+$0x400]  }
0x99: {  	[tilespmem:$0x1FA40] =	vst v40;
	v40 =	vld [tilespmem:s7+$0x420]  }
0x9a: {  	[tilespmem:$0x1FA60] =	vst v48;
	v48 =	vld [tilespmem:s8+$0x8430];
	s8 =	sor.u32 s26, s17  }
0x9b: {  	[tilespmem:$0x1FCA0] =	vst v60;
	v60 =	vld [tilespmem:s8+$0x8440]  }
0x9c: {  	[tilespmem:$0x1FA50] =	vst v41;
	v41 =	vld [tilespmem:s7+$0x8420]  }
0x9d: {  	[tilespmem:$0x1FAD0] =	vst v57;
	v57 =	vld [tilespmem:s7+$0x8400]  }
0x9e: {  	[tilespmem:$0x1FAE0] =	vst v58;
	v58 =	vld [tilespmem:s7+$0x410]  }
0x9f: {  	[tilespmem:$0x1FA10] =	vst v50;
	v50 =	vld [tilespmem:s7+$0x8410]  }
0xa0: {  	[tilespmem:$0x1FBB0] =	vst v60;
	v60 =	vld [tilespmem:s8+$0x460]  }
0xa1: {  	[tilespmem:$0x1FA70] =	vst v54;
	v54 =	vld [tilespmem:s7+$0x430]  }
0xa2: {  	[tilespmem:$0x1FA80] =	vst v55;
	v55 =	vld [tilespmem:s7+$0x8430]  }
0xa3: {  	[tilespmem:$0x1FB50] =	vst v61;
	v61 =	vld [tilespmem:s7+$0x8440]  }
0xa4: {  	[tilespmem:$0x1FA20] =	vst v63;
	v63 =	vld [tilespmem:s7+$0x450]  }
0xa5: {  	[tilespmem:$0x1FC50] =	vst v60;
	v60 =	vld [tilespmem:s8+$0x8470]  }
0xa6: {  	[tilespmem:$0x1FA90] =	vst v40;
	v40 =	vld [tilespmem:s7+$0x8450]  }
0xa7: {  	[tilespmem:$0x1FAA0] =	vst v41;
	v41 =	vld [tilespmem:s7+$0x460]  }
0xa8: {  	[tilespmem:$0x1FAB0] =	vst v54;
	v54 =	vld [tilespmem:s7+$0x8460]  }
0xa9: {  	[tilespmem:$0x1FAC0] =	vst v55;
	v55 =	vld [tilespmem:s7+$0x470];
	s7 =	sor.u32 s28, s17  }
0xaa: {  	[tilespmem:$0x1FD00] =	vst v60;
	v60 =	vld [tilespmem:s7+$0x410];
	_ =	sdelay $0x3  }
0xab: {  	[tilespmem:$0x1F8C0] =	vst v39;
	v39 =	vld [tilespmem:s18+$0x460]  }
0xac: {  	[tilespmem:$0x1FBE0] =	vst v60;
	v60 =	vld [tilespmem:s7+$0x8420];
	_ =	sdelay $0x3  }
0xad: {  	[tilespmem:$0x1FA30] =	vst v39;
	v39 =	vld [tilespmem:s8+$0x410]  }
0xae: {  	[tilespmem:$0x1FC30] =	vst v60;
	v60 =	vld [tilespmem:s7+$0x440]  }
0xaf: {  	[tilespmem:$0x1FA00] =	vst v36;
	v36 =	vld [tilespmem:s8+$0x8410]  }
0xb0: {  	[tilespmem:$0x1FB70] =	vst v40;
	v40 =	vld [tilespmem:s8+$0x8400]  }
0xb1: {  	[tilespmem:$0x1FB10] =	vst v61;
	v61 =	vld [tilespmem:s8+$0x8430]  }
0xb2: {  	[tilespmem:$0x1FB60] =	vst v63;
	v63 =	vld [tilespmem:s8+$0x440]  }
0xb3: {  	[tilespmem:$0x1FCD0] =	vst v60;
	v60 =	vld [tilespmem:s7+$0x8450]  }
0xb4: {  	[tilespmem:$0x1FB80] =	vst v41;
	v41 =	vld [tilespmem:s8+$0x400]  }
0xb5: {  	[tilespmem:$0x1FB90] =	vst v54;
	v54 =	vld [tilespmem:s8+$0x420]  }
0xb6: {  	[tilespmem:$0x1FB30] =	vst v61;
	v61 =	vld [tilespmem:s8+$0x450]  }
0xb7: {  	[tilespmem:$0x1FBA0] =	vst v63;
	v63 =	vld [tilespmem:s8+$0x8450]  }
0xb8: {  	[tilespmem:$0x1FD40] =	vst v60;
	v60 =	vld [tilespmem:s7+$0x470]  }
0xb9: {  	[tilespmem:$0x1FC90] =	vst v55;
	v55 =	vld [tilespmem:s8+$0x430]  }
0xba: {  	[tilespmem:$0x1FAF0] =	vst v54;
	v54 =	vld [tilespmem:s8+$0x8420]  }
0xbb: {  	[tilespmem:$0x1FC00] =	vst v61;
	v61 =	vld [tilespmem:s8+$0x8460]  }
0xbc: {  	[tilespmem:$0x1FC10] =	vst v63;
	v63 =	vld [tilespmem:s8+$0x470];
	s8 =	sor.u32 s29, s17  }
0xbd: {  	[tilespmem:$0x1FDD0] =	vst v60;
	v60 =	vld [tilespmem:s8+$0x420];
	_ =	sdelay $0x4  }
0xbe: {  	[tilespmem:$0x1FCB0] =	vst v60;
	v60 =	vld [tilespmem:s8+$0x8420];
	_ =	sdelay $0x4  }
0xbf: {  	[tilespmem:$0x1FCC0] =	vst v60;
	v60 =	vld [tilespmem:s8+$0x430];
	_ =	sdelay $0x4  }
0xc0: {  	[tilespmem:$0x1FD10] =	vst v60;
	v60 =	vld [tilespmem:s8+$0x8430];
	_ =	sdelay $0x4  }
0xc1: {  	[tilespmem:$0x1FD20] =	vst v60;
	v60 =	vld [tilespmem:s8+$0x440];
	_ =	sdelay $0x4  }
0xc2: {  	[tilespmem:$0x1FD50] =	vst v60;
	v60 =	vld [tilespmem:s8+$0x8440];
	_ =	sdelay $0x4  }
0xc3: {  	[tilespmem:$0x1FD60] =	vst v60;
	v60 =	vld [tilespmem:s8+$0x450];
	_ =	sdelay $0x3  }
0xc4: {  	[tilespmem:$0x1FC60] =	vst v61;
	v61 =	vld [tilespmem:s7+$0x400]  }
0xc5: {  	[tilespmem:$0x1FDF0] =	vst v60;
	v60 =	vld [tilespmem:s8+$0x8450];
	_ =	sdelay $0x2  }
0xc6: {  	[tilespmem:$0x1FCF0] =	vst v63;
	v63 =	vld [tilespmem:s7+$0x8400]  }
0xc7: {  	[tilespmem:$0x1FBC0] =	vst v61;
	v61 =	vld [tilespmem:s7+$0x8410]  }
0xc8: {  	[tilespmem:$0x1FE00] =	vst v60;
	v60 =	vld [tilespmem:s8+$0x460];
	_ =	sdelay $0x2  }
0xc9: {  	[tilespmem:$0x1FBD0] =	vst v63;
	v63 =	vld [tilespmem:s7+$0x420]  }
0xca: {  	[tilespmem:$0x1FBF0] =	vst v61;
	v61 =	vld [tilespmem:s7+$0x430]  }
0xcb: {  	[tilespmem:$0x1FE70] =	vst v60;
	v60 =	vld [tilespmem:s8+$0x8460];
	_ =	sdelay $0x2  }
0xcc: {  	[tilespmem:$0x1FC20] =	vst v63;
	v63 =	vld [tilespmem:s7+$0x8430]  }
0xcd: {  	[tilespmem:$0x1FC70] =	vst v61;
	v61 =	vld [tilespmem:s7+$0x8440]  }
0xce: {  	[tilespmem:$0x1FE80] =	vst v60;
	v60 =	vld [tilespmem:s8+$0x470];
	_ =	sdelay $0x2  }
0xcf: {  	[tilespmem:$0x1FC80] =	vst v63;
	v63 =	vld [tilespmem:s7+$0x450]  }
0xd0: {  	[tilespmem:$0x1FCE0] =	vst v61;
	v61 =	vld [tilespmem:s7+$0x460]  }
0xd1: {  	[tilespmem:$0x1FEC0] =	vst v60;
	v60 =	vld [tilespmem:s8+$0x8470];
	_ =	sdelay $0x2  }
0xd2: {  	[tilespmem:$0x1FD30] =	vst v63;
	v63 =	vld [tilespmem:s7+$0x8460]  }
0xd3: {  	[tilespmem:$0x1FDB0] =	vst v61;
	v61 =	vld [tilespmem:s7+$0x8470];
	s7 =	sor.u32 s30, s17  }
0xd4: {  	[tilespmem:$0x1FED0] =	vst v60;
	v60 =	vld [tilespmem:s7+$0x400];
	_ =	sdelay $0x4  }
0xd5: {  	[tilespmem:$0x1FD70] =	vst v60;
	v60 =	vld [tilespmem:s7+$0x8400];
	_ =	sdelay $0x4  }
0xd6: {  	[tilespmem:$0x1FD80] =	vst v60;
	v60 =	vld [tilespmem:s7+$0x410];
	_ =	sdelay $0x4  }
0xd7: {  	[tilespmem:$0x1FD90] =	vst v60;
	v60 =	vld [tilespmem:s7+$0x8410];
	_ =	sdelay $0x4  }
0xd8: {  	[tilespmem:$0x1FDA0] =	vst v60;
	v60 =	vld [tilespmem:s7+$0x420];
	_ =	sdelay $0x4  }
0xd9: {  	[tilespmem:$0x1FE10] =	vst v60;
	v60 =	vld [tilespmem:s7+$0x8420];
	_ =	sdelay $0x4  }
0xda: {  	[tilespmem:$0x1FE20] =	vst v60;
	v60 =	vld [tilespmem:s7+$0x430];
	_ =	sdelay $0x4  }
0xdb: {  	[tilespmem:$0x1FE50] =	vst v60;
	v60 =	vld [tilespmem:s7+$0x8430];
	_ =	sdelay $0x4  }
0xdc: {  	[tilespmem:$0x1FE60] =	vst v60;
	v60 =	vld [tilespmem:s7+$0x440];
	_ =	sdelay $0x4  }
0xdd: {  	[tilespmem:$0x1FE90] =	vst v60;
	v60 =	vld [tilespmem:s7+$0x8440];
	_ =	sdelay $0x4  }
0xde: {  	[tilespmem:$0x1FEA0] =	vst v60;
	v60 =	vld [tilespmem:s7+$0x450];
	_ =	sdelay $0x4  }
0xdf: {  	[tilespmem:$0x1FEE0] =	vst v60;
	v60 =	vld [tilespmem:s7+$0x8450];
	_ =	sdelay $0x4  }
0xe0: {  	[tilespmem:$0x1FEF0] =	vst v60;
	v60 =	vld [tilespmem:s7+$0x460];
	_ =	sdelay $0x3  }
0xe1: {  	[tilespmem:$0x1F890] =	vst v38;
	v38 =	vld [tilespmem:s18+$0x400]  }
0xe2: {  	[tilespmem:$0x1FF00] =	vst v60;
	v60 =	vld [tilespmem:s7+$0x8460]  }
0xe3: {  	v28 =	vld [tilespmem:s18+$0x8400]  }
0xe4: {  	v29 =	vld [tilespmem:s18+$0x410]  }
0xe5: {  	[tilespmem:$0x1FDC0] =	vst v63;
	v63 =	vld [tilespmem:s8+$0x400]  }
0xe6: {  	v25 =	vld [tilespmem:s18+$0x8410]  }
0xe7: {  	[tilespmem:$0x1FF10] =	vst v60;
	v60 =	vld [tilespmem:s7+$0x470]  }
0xe8: {  	[tilespmem:$0x1FB20] =	vst v55;
	v55 =	vld [tilespmem:s8+$0x8410]  }
0xe9: {  	v37 =	vmul.f32 v47, v37;
	v24 =	vmul.f32 v24, v31;
	[tilespmem:$0x1FDE0] =	vst v61;
	v61 =	vld [tilespmem:s8+$0x8400]  }
0xea: {  	[tilespmem:$0x1FC40] =	vst v63;
	v63 =	vld [tilespmem:s8+$0x410];
	s8 =	sor.u32 s31, s17  }
0xeb: {  	v24 =	vadd.f32 v24, v37;
	v37 =	vld [tilespmem:s8+$0x430]  }
0xec: {  	[tilespmem:$0x1FF60] =	vst v60;
	v60 =	vld [tilespmem:s7+$0x8470]  }
0xed: {  	[tilespmem:$0x1F8F0] =	vst v49;
	v49 =	vld [tilespmem:s18+$0x420]  }
0xee: {  	[tilespmem:$0x1F8B0] =	vst v42;
	v42 =	vld [tilespmem:s18+$0x8420]  }
0xef: {  	v34 =	vmul.f32 v27, v34;
	v27 =	vmul.f32 v51, v53;
	v51 =	vld [tilespmem:$0x1F960]  }
0xf0: {  	[tilespmem:$0x1FEB0] =	vst v37;
	v37 =	vld [tilespmem:s8+$0x440]  }
0xf1: {  	[tilespmem:$0x1FF70] =	vst v60;
	v60 =	vld [tilespmem:s8+$0x400]  }
0xf2: {  	s18 =	sor.u32 s3, s17;
	v28 =	vmul.f32 v28, v38;
	v53 =	vld [tilespmem:$0x1F970]  }
0xf3: {  	v38 =	vmul.f32 v42, v49;
	v42 =	vmul.f32 v18, v20;
	v18 =	vld [tilespmem:s18+$0x8440]  }
0xf4: {  	v32 =	vmul.f32 v32, v35;
	v35 =	vld [tilespmem:$0x1F9B0]  }
0xf5: {  	[tilespmem:$0x1FF20] =	vst v37;
	v37 =	vmul.f32 v30, v33;
	v33 =	vld [tilespmem:s8+$0x8460]  }
0xf6: {  	[tilespmem:$0x1FE30] =	vst v60;
	v60 =	vld [tilespmem:s8+$0x8400]  }
0xf7: {  	v47 =	vld [tilespmem:s8+$0x410]  }
0xf8: {  	v31 =	vld [tilespmem:s8+$0x8410]  }
0xf9: {  	v30 =	vld [tilespmem:$0x1F860]  }
0xfa: {  	v7 =	vmul.f32 v7, v8;
	v4 =	vmul.f32 v4, v5;
	[tilespmem:$0x1FF90] =	vst v33;
	v33 =	vld [tilespmem:$0x1F8B0]  }
0xfb: {  	[tilespmem:$0x1FE40] =	vst v60;
	v60 =	vmul.f32 v52, v46;
	v52 =	vld [tilespmem:s8+$0x420]  }
0xfc: {  	v4 =	vadd.f32 v4, v7;
	v46 =	vld [tilespmem:s8+$0x8420]  }
0xfd: {  	v5 =	vadd.f32 v60, v24;
	v60 =	vmul.f32 v0, v45;
	v45 =	vmul.f32 v9, v59;
	v24 =	vld [tilespmem:s8+$0x8430]  }
0xfe: {  	v59 =	vld [tilespmem:$0x1F7F0]  }
0xff: {  	v5 =	vadd.f32 v60, v5;
	v60 =	vld [tilespmem:$0x1F800];
	v4 =	vadd.f32 v45, v4;
	v45 =	vmul.f32 v21, v22  }
0x100: {  	v21 =	vld [tilespmem:$0x1F820]  }
0x101: {  	v22 =	vld [tilespmem:s8+$0x450];
	v4 =	vadd.f32 v45, v4  }
0x102: {  	v45 =	vld [tilespmem:s8+$0x8450]  }
0x103: {  	v4 =	vadd.f32 v37, v4;
	v37 =	vld [tilespmem:$0x1F870]  }
0x104: {  	v8 =	vmul.f32 v60, v59;
	v59 =	vld [tilespmem:s8+$0x8440]  }
0x105: {  	v60 =	vld [tilespmem:$0x1F810]  }
0x106: {  	v0 =	vld [tilespmem:$0x1FE70]  }
0x107: {  	[tilespmem:$0x1FF40] =	vst v22;
	v22 =	vld [tilespmem:$0x1F850]  }
0x108: {  	[tilespmem:$0x1FF50] =	vst v45;
	v45 =	vmul.f32 v62, v37;
	v37 =	vld [tilespmem:$0x1F8C0]  }
0x109: {  	[tilespmem:$0x1FF30] =	vst v59;
	v59 =	vld [tilespmem:s8+$0x460]  }
0x10a: {  	v5 =	vadd.f32 v8, v5;
	v8 =	vmul.f32 v21, v60;
	v60 =	vld [tilespmem:$0x1F830]  }
0x10b: {  	v21 =	vld [tilespmem:$0x1F840]  }
0x10c: {  	v5 =	vadd.f32 v8, v5;
	v8 =	vmul.f32 v11, v15;
	v11 =	vmul.f32 v30, v22;
	v22 =	vld [tilespmem:$0x1F880]  }
0x10d: {  	v15 =	vmul.f32 v23, v26;
	v23 =	vld [tilespmem:$0x1F890]  }
0x10e: {  	v2 =	vmul.f32 v2, v6;
	v1 =	vmul.f32 v1, v3;
	v30 =	vld [tilespmem:$0x1F8A0]  }
0x10f: {  	v9 =	vmul.f32 v10, v12;
	v26 =	vmul.f32 v14, v16;
	v14 =	vld [tilespmem:s18+$0x420]  }
0x110: {  	v1 =	vadd.f32 v1, v2;
	v16 =	vld [tilespmem:s18+$0x440]  }
0x111: {  	v12 =	vadd.f32 v9, v8;
	v9 =	vld [tilespmem:s8+$0x8470]  }
0x112: {  	v1 =	vadd.f32 v26, v1;
	v26 =	vld [tilespmem:s18+$0x8410]  }
0x113: {  	v8 =	vld [tilespmem:s18+$0x470]  }
0x114: {  	[tilespmem:$0x1FF80] =	vst v59;
	v59 =	vld [tilespmem:s8+$0x470]  }
0x115: {  	v10 =	vmul.f32 v21, v60;
	v21 =	vmul.f32 v43, v44;
	v43 =	vld [tilespmem:$0x1F8D0]  }
0x116: {  	v44 =	vld [tilespmem:$0x1F8E0]  }
0x117: {  	v60 =	vadd.f32 v45, v4;
	v45 =	vld [tilespmem:$0x1F8F0]  }
0x118: {  	v62 =	vadd.f32 v15, v12;
	v12 =	vld [tilespmem:s18+$0x8400]  }
0x119: {  	s8 =	sor.u32 s14, s17;
	v1 =	vadd.f32 v34, v1;
	v34 =	vld [tilespmem:$0x1F930]  }
0x11a: {  	v31 =	vmul.f32 v31, v47;
	v47 =	vld [tilespmem:s8+$0x8430]  }
0x11b: {  	v46 =	vmul.f32 v46, v52;
	v52 =	vld [tilespmem:s8+$0x8440]  }
0x11c: {  	v5 =	vadd.f32 v10, v5;
	v10 =	vld [tilespmem:s18+$0x400]  }
0x11d: {  	v15 =	vmul.f32 v23, v22;
	v22 =	vld [tilespmem:s18+$0x8420]  }
0x11e: {  	v23 =	vld [tilespmem:s18+$0x8430]  }
0x11f: {  	v4 =	vadd.f32 v21, v62;
	v21 =	vld [tilespmem:s18+$0x410]  }
0x120: {  	v3 =	vadd.f32 v15, v60;
	v60 =	vld [tilespmem:$0x1F910]  }
0x121: {  	v15 =	vld [tilespmem:s18+$0x430]  }
0x122: {  	v6 =	vadd.f32 v11, v5;
	v5 =	vmul.f32 v33, v30;
	v33 =	vld [tilespmem:$0x1F920]  }
0x123: {  	[tilespmem:$0x1FFA0] =	vst v59;
	v59 =	vld [tilespmem:$0x1F900]  }
0x124: {  	v7 =	vmul.f32 v43, v37;
	v43 =	vmul.f32 v17, v19;
	v17 =	vld [tilespmem:s18+$0x450]  }
0x125: {  	v19 =	vld [tilespmem:s18+$0x8450]  }
0x126: {  	v4 =	vadd.f32 v5, v4;
	v5 =	vmul.f32 v45, v44;
	v44 =	vld [tilespmem:$0x1F940]  }
0x127: {  	v45 =	vld [tilespmem:$0x1F950]  }
0x128: {  	v4 =	vadd.f32 v5, v4;
	v5 =	vmul.f32 v53, v51;
	v53 =	vld [tilespmem:$0x1FA00]  }
0x129: {  	v10 =	vmul.f32 v12, v10;
	v12 =	vmul.f32 v26, v21;
	v21 =	vld [tilespmem:s8+$0x470]  }
0x12a: {  	v2 =	vmul.f32 v34, v33;
	v34 =	vld [tilespmem:$0x1F9A0]  }
0x12b: {  	v62 =	vmul.f32 v60, v59;
	v59 =	vld [tilespmem:$0x1F980]  }
0x12c: {  	s7 =	sor.u32 s5, s17;
	s17 =	sor.u32 s15, s17;
	v60 =	vld [tilespmem:$0x1F990]  }
0x12d: {  	v1 =	vadd.f32 v27, v1;
	v10 =	vadd.f32 v12, v10;
	v12 =	vmul.f32 v22, v14;
	v14 =	vld [tilespmem:s17+$0x400]  }
0x12e: {  	v30 =	vmul.f32 v25, v29;
	v22 =	vld [tilespmem:$0x1FF60]  }
0x12f: {  	v1 =	vadd.f32 v2, v1;
	v2 =	vadd.f32 v43, v42;
	v42 =	vld [tilespmem:$0x1F9D0]  }
0x130: {  	v37 =	vadd.f32 v30, v28;
	v49 =	vmul.f32 v45, v44;
	v44 =	vmul.f32 v48, v56;
	v48 =	vld [tilespmem:$0x1F9E0]  }
0x131: {  	v7 =	vadd.f32 v7, v3;
	v56 =	vld [tilespmem:$0x1FA10]  }
0x132: {  	v3 =	vadd.f32 v62, v4;
	v4 =	vadd.f32 v38, v37;
	v38 =	vld [tilespmem:$0x1F9C0]  }
0x133: {  	v10 =	vadd.f32 v12, v10;
	v12 =	vmul.f32 v23, v15;
	v15 =	vld [tilespmem:s17+$0x410]  }
0x134: {  	v20 =	vadd.f32 v49, v1;
	v49 =	vld [tilespmem:$0x1F9F0]  }
0x135: {  	v2 =	vadd.f32 v32, v2;
	v32 =	vld [tilespmem:s7+$0x400]  }
0x136: {  	v1 =	vld [tilespmem:$0x1FF00]  }
0x137: {  	v33 =	vadd.f32 v5, v4;
	v5 =	vld [tilespmem:s18+$0x460]  }
0x138: {  	v4 =	vld [tilespmem:s18+$0x8460]  }
0x139: {  	v37 =	vmul.f32 v35, v34;
	v35 =	vld [tilespmem:$0x1FB40]  }
0x13a: {  	v10 =	vadd.f32 v12, v10;
	v12 =	vmul.f32 v18, v16;
	v16 =	vld [tilespmem:s17+$0x420]  }
0x13b: {  	v11 =	vadd.f32 v44, v2;
	v2 =	vld [tilespmem:s18+$0x8470]  }
0x13c: {  	v62 =	vmul.f32 v60, v59;
	v60 =	vld [tilespmem:$0x1FA20]  }
0x13d: {  	v44 =	vld [tilespmem:$0x1FA40]  }
0x13e: {  	v59 =	vmul.f32 v56, v53;
	v56 =	vld [tilespmem:$0x1FA90]  }
0x13f: {  	v43 =	vmul.f32 v42, v38;
	v42 =	vmul.f32 v50, v58;
	v50 =	vld [tilespmem:$0x1FA70]  }
0x140: {  	v38 =	vld [tilespmem:$0x1FB60]  }
0x141: {  	v51 =	vmul.f32 v49, v48;
	v48 =	vld [tilespmem:$0x1FA50]  }
0x142: {  	v45 =	vadd.f32 v37, v33;
	v49 =	vld [tilespmem:$0x1FA60]  }
0x143: {  	v27 =	vadd.f32 v62, v3;
	v29 =	vadd.f32 v43, v20;
	v43 =	vld [tilespmem:$0x1FA30]  }
0x144: {  	v11 =	vadd.f32 v59, v11;
	v59 =	vmul.f32 v40, v41;
	v3 =	vadd.f32 v51, v45;
	v51 =	vld [tilespmem:$0x1FA80]  }
0x145: {  	v62 =	vmul.f32 v57, v60;
	v57 =	vld [tilespmem:$0x1FAA0];
	v60 =	vmul.f32 v36, v39  }
0x146: {  	v36 =	vld [tilespmem:$0x1FB50]  }
0x147: {  	v30 =	vadd.f32 v60, v59;
	v59 =	vld [tilespmem:$0x1FB20]  }
0x148: {  	v33 =	vmul.f32 v49, v48;
	v48 =	vld [tilespmem:$0x1FAD0]  }
0x149: {  	v49 =	vld [tilespmem:$0x1FAE0]  }
0x14a: {  	v45 =	vmul.f32 v44, v43;
	v43 =	vld [tilespmem:$0x1FAB0]  }
0x14b: {  	v53 =	vmul.f32 v51, v50;
	v51 =	vld [tilespmem:$0x1FAF0]  }
0x14c: {  	v44 =	vld [tilespmem:$0x1FAC0]  }
0x14d: {  	v60 =	vld [tilespmem:$0x1FB30]  }
0x14e: {  	v58 =	vmul.f32 v57, v56;
	v56 =	vld [tilespmem:$0x1FB10]  }
0x14f: {  	v25 =	vadd.f32 v42, v62;
	v11 =	vadd.f32 v53, v11;
	v50 =	vmul.f32 v49, v48;
	v49 =	vld [tilespmem:$0x1FB80]  }
0x150: {  	v3 =	vadd.f32 v45, v3;
	v53 =	vmul.f32 v54, v51;
	v54 =	vld [tilespmem:$0x1FB00]  }
0x151: {  	v62 =	vadd.f32 v58, v25;
	v45 =	vmul.f32 v44, v43;
	v11 =	vadd.f32 v50, v11;
	v50 =	vld [tilespmem:$0x1FB90]  }
0x152: {  	v51 =	vld [tilespmem:$0x1FBA0]  }
0x153: {  	v20 =	vadd.f32 v45, v62;
	v62 =	vmul.f32 v60, v59;
	v59 =	vld [tilespmem:$0x1FBE0]  }
0x154: {  	v58 =	vadd.f32 v53, v30;
	v53 =	vld [tilespmem:$0x1FBB0]  }
0x155: {  	v60 =	vld [tilespmem:$0x1FBF0];
	v57 =	vmul.f32 v56, v54  }
0x156: {  	v56 =	vld [tilespmem:$0x1FBC0]  }
0x157: {  	v20 =	vadd.f32 v57, v20;
	v57 =	vld [tilespmem:$0x1FBD0]  }
0x158: {  	v34 =	vmul.f32 v36, v35;
	v35 =	vmul.f32 v50, v49;
	v49 =	vld [tilespmem:$0x1FC00]  }
0x159: {  	v28 =	vadd.f32 v62, v58;
	v50 =	vld [tilespmem:$0x1FC10];
	v54 =	vmul.f32 v53, v51  }
0x15a: {  	v53 =	vld [tilespmem:$0x1FC20]  }
0x15b: {  	v28 =	vadd.f32 v54, v28;
	v54 =	vld [tilespmem:$0x1FC30]  }
0x15c: {  	v58 =	vmul.f32 v57, v56;
	v57 =	vld [tilespmem:$0x1FC40]  }
0x15d: {  	v40 =	vld [tilespmem:$0x1FB70]  }
0x15e: {  	v62 =	vmul.f32 v60, v59;
	v59 =	vld [tilespmem:$0x1FC50]  }
0x15f: {  	v60 =	vld [tilespmem:$0x1FC60]  }
0x160: {  	v25 =	vadd.f32 v62, v58;
	v56 =	vmul.f32 v54, v53;
	v62 =	vld [tilespmem:$0x1FC80]  }
0x161: {  	v51 =	vmul.f32 v50, v49;
	v49 =	vmul.f32 v61, v57;
	v61 =	vld [tilespmem:$0x1FC70]  }
0x162: {  	v48 =	vmul.f32 v40, v38;
	v25 =	vadd.f32 v56, v25;
	v56 =	vld [tilespmem:$0x1FC90]  }
0x163: {  	v58 =	vmul.f32 v55, v63;
	v57 =	vld [tilespmem:$0x1FCA0]  }
0x164: {  	v20 =	vadd.f32 v48, v20;
	v48 =	vadd.f32 v51, v28;
	v51 =	vmul.f32 v60, v59;
	v59 =	vld [tilespmem:$0x1FCC0]  }
0x165: {  	v49 =	vadd.f32 v58, v49;
	v58 =	vld [tilespmem:$0x1FCB0]  }
0x166: {  	v63 =	vmul.f32 v62, v61;
	v61 =	vld [tilespmem:$0x1FCD0]  }
0x167: {  	v62 =	vld [tilespmem:$0x1FCE0]  }
0x168: {  	v54 =	vmul.f32 v57, v56;
	v56 =	vld [tilespmem:$0x1FCF0]  }
0x169: {  	v57 =	vld [tilespmem:$0x1FD00]  }
0x16a: {  	v37 =	vld [tilespmem:s7+$0x8400]  }
0x16b: {  	v20 =	vadd.f32 v35, v20;
	v60 =	vmul.f32 v59, v58;
	v58 =	vld [tilespmem:$0x1FD10]  }
0x16c: {  	v59 =	vld [tilespmem:$0x1FD20]  }
0x16d: {  	v48 =	vadd.f32 v51, v48;
	v20 =	vadd.f32 v54, v20;
	v54 =	vld [tilespmem:$0x1FD70]  }
0x16e: {  	v25 =	vadd.f32 v63, v25;
	v63 =	vmul.f32 v62, v61;
	v55 =	vmul.f32 v57, v56;
	v61 =	vld [tilespmem:$0x1FD30]  }
0x16f: {  	v62 =	vld [tilespmem:$0x1FD40]  }
0x170: {  	v51 =	vadd.f32 v63, v25;
	v25 =	vadd.f32 v55, v48;
	v55 =	vld [tilespmem:$0x1FD80]  }
0x171: {  	v49 =	vadd.f32 v60, v49;
	v60 =	vmul.f32 v59, v58;
	v58 =	vld [tilespmem:$0x1FD90]  }
0x172: {  	v59 =	vld [tilespmem:$0x1FDA0]  }
0x173: {  	v48 =	vadd.f32 v60, v49;
	v60 =	vld [tilespmem:$0x1FDB0]  }
0x174: {  	v63 =	vmul.f32 v62, v61;
	v61 =	vld [tilespmem:$0x1FDC0]  }
0x175: {  	v62 =	vld [tilespmem:$0x1FDD0]  }
0x176: {  	v51 =	vadd.f32 v63, v51;
	v63 =	vld [tilespmem:$0x1FDE0]  }
0x177: {  	v41 =	vld [tilespmem:s7+$0x8410]  }
0x178: {  	v50 =	vld [tilespmem:$0x1FD60]  }
0x179: {  	v49 =	vld [tilespmem:$0x1FD50]  }
0x17a: {  	v54 =	vmul.f32 v55, v54;
	v55 =	vmul.f32 v59, v58;
	v59 =	vld [tilespmem:$0x1FDF0]  }
0x17b: {  	v60 =	vmul.f32 v61, v60;
	v61 =	vmul.f32 v63, v62;
	v62 =	vld [tilespmem:$0x1FE00]  }
0x17c: {  	v39 =	vld [tilespmem:s7+$0x420]  }
0x17d: {  	v54 =	vadd.f32 v55, v54;
	v55 =	vld [tilespmem:$0x1FE20]  }
0x17e: {  	v63 =	vld [tilespmem:$0x1FE10]  }
0x17f: {  	v51 =	vadd.f32 v60, v51;
	v60 =	vld [tilespmem:$0x1FE40]  }
0x180: {  	v49 =	vmul.f32 v50, v49;
	v62 =	vmul.f32 v62, v59;
	v59 =	vld [tilespmem:$0x1FE30]  }
0x181: {  	v37 =	vmul.f32 v37, v32;
	v32 =	vld [tilespmem:s17+$0x8410]  }
0x182: {  	v42 =	vld [tilespmem:s7+$0x410];
	v48 =	vadd.f32 v49, v48  }
0x183: {  	v36 =	vld [tilespmem:s7+$0x440]  }
0x184: {  	v55 =	vmul.f32 v55, v63;
	v48 =	vadd.f32 v62, v48;
	v62 =	vld [tilespmem:$0x1FE50]  }
0x185: {  	v60 =	vmul.f32 v60, v59;
	v59 =	vld [tilespmem:$0x1FE80]  }
0x186: {  	v54 =	vadd.f32 v55, v54;
	v55 =	vld [tilespmem:$0x1FE60]  }
0x187: {  	v51 =	vadd.f32 v61, v51;
	v61 =	vld [tilespmem:$0x1FEA0]  }
0x188: {  	v31 =	vadd.f32 v31, v60;
	v60 =	vld [tilespmem:$0x1FE90]  }
0x189: {  	v40 =	vld [tilespmem:s7+$0x8440]  }
0x18a: {  	v3 =	vadd.f32 v33, v3;
	v33 =	vld [tilespmem:s7+$0x450];
	v0 =	vmul.f32 v59, v0  }
0x18b: {  	v55 =	vmul.f32 v55, v62;
	v59 =	vld [tilespmem:$0x1FEC0]  }
0x18c: {  	v0 =	vadd.f32 v0, v48;
	v48 =	vld [tilespmem:$0x1FEB0]  }
0x18d: {  	v54 =	vadd.f32 v55, v54;
	v55 =	vmul.f32 v61, v60;
	v61 =	vld [tilespmem:$0x1FED0]  }
0x18e: {  	v38 =	vld [tilespmem:s7+$0x8450]  }
0x18f: {  	v43 =	vld [tilespmem:s7+$0x8420]  }
0x190: {  	v44 =	vld [tilespmem:s7+$0x430]  }
0x191: {  	v45 =	vld [tilespmem:s7+$0x8430]  }
0x192: {  	v24 =	vmul.f32 v24, v48;
	v48 =	vmul.f32 v61, v59;
	v59 =	vld [tilespmem:$0x1FEE0]  }
0x193: {  	v61 =	vld [tilespmem:$0x1FEF0]  }
0x194: {  	v30 =	vld [tilespmem:s7+$0x460]  }
0x195: {  	v11 =	vadd.f32 v34, v11;
	v34 =	vld [tilespmem:s7+$0x8460]  }
0x196: {  	v35 =	vld [tilespmem:s7+$0x8470]  }
0x197: {  	v53 =	vld [tilespmem:s8+$0x400]  }
0x198: {  	v54 =	vadd.f32 v55, v54;
	v55 =	vmul.f32 v61, v59;
	v59 =	vld [tilespmem:$0x1FF10]  }
0x199: {  	v56 =	vld [tilespmem:s8+$0x8400]  }
0x19a: {  	v31 =	vadd.f32 v46, v31;
	v0 =	vadd.f32 v48, v0;
	v48 =	vld [tilespmem:$0x1FF40]  }
0x19b: {  	v54 =	vadd.f32 v55, v54;
	v55 =	vld [tilespmem:$0x1FF50]  }
0x19c: {  	v24 =	vadd.f32 v24, v31;
	v31 =	vld [tilespmem:$0x1FF30]  }
0x19d: {  	v59 =	vmul.f32 v59, v1;
	v1 =	vld [tilespmem:$0x1FF20]  }
0x19e: {  	v28 =	vld [tilespmem:s7+$0x470]  }
0x19f: {  	v41 =	vmul.f32 v41, v42;
	v57 =	vld [tilespmem:s8+$0x410]  }
0x1a0: {  	v26 =	vmul.f32 v55, v48;
	v48 =	vadd.f32 v59, v54;
	v59 =	vld [tilespmem:$0x1FF70]  }
0x1a1: {  	v42 =	vadd.f32 v41, v37;
	v41 =	vmul.f32 v56, v53;
	v56 =	vld [tilespmem:s17+$0x460]  }
0x1a2: {  	v58 =	vld [tilespmem:s8+$0x420];
	v31 =	vmul.f32 v31, v1  }
0x1a3: {  	v50 =	vld [tilespmem:s8+$0x8410]  }
0x1a4: {  	v49 =	vld [tilespmem:s8+$0x8420];
	v24 =	vadd.f32 v31, v24  }
0x1a5: {  	v22 =	vmul.f32 v59, v22;
	v59 =	vld [tilespmem:$0x1FF90]  }
0x1a6: {  	v24 =	vadd.f32 v26, v24;
	v26 =	vld [tilespmem:$0x1FF80]  }
0x1a7: {  	v63 =	vld [tilespmem:s8+$0x430]  }
0x1a8: {  	v10 =	vadd.f32 v12, v10;
	v12 =	vmul.f32 v19, v17;
	v62 =	vld [tilespmem:s8+$0x440]  }
0x1a9: {  	v46 =	vld [tilespmem:s8+$0x8450]  }
0x1aa: {  	v10 =	vadd.f32 v12, v10;
	v4 =	vmul.f32 v4, v5;
	v54 =	vld [tilespmem:s17+$0x8400]  }
0x1ab: {  	v22 =	vadd.f32 v22, v48;
	v48 =	vmul.f32 v43, v39;
	v26 =	vmul.f32 v59, v26;
	v59 =	vld [tilespmem:$0x1FFA0]  }
0x1ac: {  	v2 =	vmul.f32 v2, v8;
	v4 =	vadd.f32 v4, v10;
	v60 =	vld [tilespmem:s8+$0x450]  }
0x1ad: {  	v61 =	vld [tilespmem:s8+$0x460];
	v55 =	vmul.f32 v45, v44;
	v18 =	vadd.f32 v48, v42;
	v42 =	vmul.f32 v50, v57  }
0x1ae: {  	v2 =	vadd.f32 v2, v4;
	v45 =	vmul.f32 v49, v58;
	v49 =	vmul.f32 v40, v36;
	v1 =	vld [tilespmem:s8+$0x8460]  }
0x1af: {  	v58 =	vmul.f32 v52, v62;
	v36 =	vmul.f32 v34, v30;
	v31 =	vld [tilespmem:s8+$0x8470];
	v44 =	vadd.f32 v42, v41  }
0x1b0: {  	v12 =	vmul.f32 v54, v14;
	v9 =	vmul.f32 v9, v59;
	v59 =	vadd.f32 v26, v24;
	v24 =	vld [tilespmem:s17+$0x8420]  }
0x1b1: {  	v14 =	vmul.f32 v32, v15;
	v54 =	vmul.f32 v47, v63;
	v43 =	vld [tilespmem:s17+$0x8430];
	v53 =	vadd.f32 v45, v44  }
0x1b2: {  	v63 =	vmul.f32 v46, v60;
	v46 =	vsel vm3, v0, v51;
	v9 =	vadd.f32 v9, v59;
	v59 =	vld [tilespmem:s17+$0x430]  }
0x1b3: {  	v15 =	vld [tilespmem:s17+$0x440];
	v0 =	vsel vm3, v51, v0;
	v1 =	vmul.f32 v1, v61;
	v5 =	vadd.f32 v54, v53  }
0x1b4: {  	v12 =	vadd.f32 v14, v12;
	v48 =	vld [tilespmem:s17+$0x8440];
	v57 =	vmul.f32 v38, v33;
	v38 =	vmul.f32 v31, v21  }
0x1b5: {  	v50 =	vld [tilespmem:s17+$0x450];
	v17 =	vadd.f32 v55, v18;
	v5 =	vadd.f32 v58, v5;
	v14 =	vmul.f32 v24, v16  }
0x1b6: {  	v55 =	vld [tilespmem:s17+$0x8450];
	v41 =	vsel vm3, v7, v6;
	v42 =	vsel vm3, v29, v27;
	v45 =	vsel vm3, v25, v20  }
0x1b7: {  	v33 =	vld [tilespmem:s17+$0x8470];
	v5 =	vadd.f32 v63, v5;
	v12 =	vadd.f32 v14, v12;
	v14 =	vmul.f32 v43, v59  }
0x1b8: {  	v6 =	vsel vm3, v6, v7;
	v17 =	vadd.f32 v49, v17;
	v7 =	vperm.xlane v45, v13;
	v59 =	vld [tilespmem:s17+$0x8460]  }
0x1b9: {  	v1 =	vadd.f32 v1, v5;
	v62 =	vadd.f32 v14, v12;
	v12 =	vmul.f32 v48, v15;
	v14 =	vld [tilespmem:s17+$0x470]  }
0x1ba: {  	v5 =	vperm.xlane v41, v13;
	v47 =	vsel vm3, v9, v22;
	v15 =	vadd.f32 v57, v17  }
0x1bb: {  	v9 =	vsel vm3, v22, v9;
	v10 =	vadd.f32 v12, v62;
	v12 =	vmul.f32 v55, v50  }
0x1bc: {  	v1 =	vadd.f32 v38, v1;
	v37 =	vadd.f32 v36, v15;
	v15 =	vmul.f32 v35, v28  }
0x1bd: {  	v5 =	vadd.f32 v5, v6;
	v10 =	vadd.f32 v12, v10;
	v12 =	vmul.f32 v59, v56  }
0x1be: {  	v43 =	vsel vm3, v27, v29;
	v8 =	vadd.f32 v15, v37;
	v40 =	vmul.f32 v33, v14  }
0x1bf: {  	v50 =	vld [tilespmem:$0x1FFD0];
	v39 =	vadd.f32 v12, v10;
	v10 =	vperm.xlane v42, v13;
	v12 =	vsel vm3, v11, v3  }
0x1c0: {  	v3 =	vsel vm3, v3, v11;
	v11 =	vperm.xlane v47, v13;
	v12 =	vperm.xlane v12, v13  }
0x1c1: {  	v48 =	vsel vm3, v8, v2;
	v4 =	vadd.f32 v40, v39;
	v44 =	vadd.f32 v10, v43  }
0x1c2: {  	v10 =	vperm.xlane v46, v13;
	v3 =	vadd.f32 v12, v3;
	v12 =	vsel vm3, v20, v25  }
0x1c3: {  	v9 =	vadd.f32 v11, v9;
	v7 =	vadd.f32 v7, v12;
	v12 =	vsel vm0, v44, v5  }
0x1c4: {  	v49 =	vsel vm3, v4, v1;
	v1 =	vsel vm3, v1, v4;
	v4 =	vperm.xlane v12, v50;
	v12 =	vld [tilespmem:$0x1FFD0]  }
0x1c5: {  	v0 =	vadd.f32 v10, v0;
	v10 =	vperm.xlane v48, v13;
	v11 =	vperm.xlane v49, v13  }
0x1c6: {  	v2 =	vsel vm3, v2, v8  }
0x1c7: {  	v2 =	vadd.f32 v10, v2;
	v1 =	vadd.f32 v11, v1  }
0x1c8: {  	v5 =	vsel vm0, v5, v44;
	v51 =	vsel vm0, v7, v3;
	v52 =	vsel vm0, v9, v0  }
0x1c9: {  	v4 =	vadd.f32 v4, v5;
	v53 =	vsel vm0, v1, v2;
	v5 =	vperm.xlane v51, v12  }
0x1ca: {  	v55 =	vld [tilespmem:$0x1FFE0];
	v3 =	vsel vm0, v3, v7;
	v6 =	vperm.xlane v52, v12;
	v54 =	vperm.xlane v53, v12  }
0x1cb: {  	v60 =	vld [tilespmem:$0x1FFB0];
	v0 =	vsel vm0, v0, v9;
	v1 =	vsel vm0, v2, v1;
	v3 =	vadd.f32 v5, v3  }
0x1cc: {  	v0 =	vadd.f32 v6, v0;
	v1 =	vadd.f32 v54, v1;
	_ =	sdelay $0x1  }
0x1cd: {  	v56 =	vsel vm1, v3, v4;
	v57 =	vsel vm1, v1, v0  }
0x1ce: {  	v58 =	vld [tilespmem:$0x1FFF0];
	v2 =	vperm.xlane v56, v55;
	v5 =	vperm.xlane v57, v55  }
0x1cf: {  	v3 =	vsel vm1, v4, v3;
	v0 =	vsel vm1, v0, v1  }
0x1d0: {  	v59 =	vadd.f32 v2, v3;
	v0 =	vadd.f32 v5, v0  }
0x1d1: {  	s18 =	sshll.u32 s16, $0x4  }
0x1d2: {  	v61 =	vld.idx.msk [tilespmem:v60+s18+$0x10400 ss:$0x1], $0xffff;
	v2 =	vsel vm2, v0, v59  }
0x1d3: {  	v63 =	vld [tilespmem:$0x1FFC0];
	v2 =	vperm.xlane v2, v58  }
0x1d4: {  	v62 =	vld.idx.msk [tilespmem:v60+s18+$0x10500 ss:$0x1], $0xffff;
	v0 =	vsel vm2, v59, v0  }
0x1d5: {  	v0 =	vadd.f32 v0, v2;
	_ =	sdelay $0x1  }
0x1d6: {  	p0 =	seq.s32 s16, $0x7;
	v0 =	vadd.f32 v0, v61  }
.Ltmp0:
0x1d7: {  	_ = 	snop;
	(pc) =	sbr.rel @!p0 .LBB2_4-.Ltmp0, $3  }
0x1d8: {  	v0 =	vadd.f32 v0, v62;
	_ =	sdelay $0x1  }
0x1d9: {  	v0 =	vmax.f32 v0, $0.0e+00  }
0x1da: {  	s16 =	sadd.s32 $0x1, s16;
	[tilespmem:v63+s18+$0x0 ss:$0x1] =	vst.idx.msk $0xffff, v0  }
0x1db: {  	p0 =	seq.s32 s20, $0x4  }
.Ltmp1:
0x1dc: {  	_ = 	snop;
	(pc) =	sbr.rel @!p0 .LBB2_3-.Ltmp1, $1  }
0x1dd: {  	_ =	sdelay $0x3  }
0x1de: {  	s19 =	sadd.s32 $0x1, s19  }
0x1df: {  	p0 =	sne.s32 s19, s10  }
.Ltmp2:
0x1e0: {  	s3 =	simm.s32 $0x10600;
	(pc) =	sbr.rel @p0 .LBB2_1-.Ltmp2, $4  }
0x1e1: {  	[hbm4b:s9+s4] =	stream.linear.scatter [tilespmem:s3], [sflag:$0x9], $0x200, $0x38;
	[tilespmem:$0x10800] =	vst v63  }
0x1e2: {  	_ =	swait.ge [sflag:s11], $0x200  }
0x1e3: {  	[sflag:s11] =	ssyncset.done $0x0  }
0x1e4: {  	[sflag:s11] =	ssyncadd.s32 $0xFFFFFE00  }
0x1e5: {  	_ =	sfence.sel $0x180000  }
0x1e6: {  	[bflag:$0x0] =	sbarrier.arrive $0xFFFF  }
0x1e7: {  	_ =	strace $0x90000047  }
0x1e8: {  	s0 =	stileid.u32;
	[bflag:$0x2] =	sbarrier.arrive $0xFFFF  }
0x1e9: {  	p0 =	sne.s32 s0, $0x0;
	s0 =	rddreg [dreg:$0x6]  }
0x1ea: {  	s0 =	sadd.s32 @!p0 $0x100000, s0  }
0x1eb: {  	[sflag:s0] =	ssyncadd.tile.s32 @!p0 $0x1;
	_ =	shalt  }
.Lfunc_end2:
_tile_overlayer_lowered:
.L_overlay_start_2:
0x1ec: {  	(tag) =	ssettag $0x2  }
0x1ed: {  	s0 =	rddreg [dreg:$0x0];
	s2 =	stileid.u32  }
0x1ee: {  	s1 =	rddreg [dreg:$0x1];
	p0 =	sne.s32 s2, $0x0  }
0x1ef: {  	s3 =	rddreg [dreg:$0x2];
	[bflag:$0x3] =	sbarrier.arrive $0xFFFF;
	s2 =	simm.s32 @!p0 $0x1C09  }
0x1f0: {  	[timem:s3], [sflag:s2] =	dma.local @!p0 [hbm:s0], s1  }
0x1f1: {  	s0 =	simm.s32 @!p0 $0x9  }
0x1f2: {  	_ =	swait.ge @!p0 [sflag:s0], s1  }
0x1f3: {  	s1 =	ssub.s32 @!p0 $0x0, s1;
	[sflag:s0] =	ssyncset.done @!p0 $0x0  }
0x1f4: {  	[sflag:s0] =	ssyncadd.s32 @!p0 s1  }
0x1f5: {  	[bflag:$0x3] =	sbarrier.arrive $0xFFFF  }
0x1f6: {  	_ =	shalt  }

</sc_bundles>
